<compile_context>
chip_gen: v7x
topology: tpu7x:2x2x1
jax: 0.10.2.dev20260603
libtpu: 0.0.44.dev20260713+nightly
codegen_flags: <defaults>
</compile_context>

<pallas_src>
import functools

import jax
import jax.numpy as jnp
from jax import lax
from jax.experimental import pallas as pl
from jax.experimental.pallas import tpu as pltpu
from jax.experimental.pallas import tpu_sc as plsc

N = 10000
E = 320000
D = 128
H = 8
G = 64
EPS = 1e-5

NROW = 632
NPAD = NROW * 16

NC = 2
NS = 16
NW = NC * NS
EPW = E // NW
CHUNK = 1000
NCHUNK = EPW // CHUNK

PARTS = (160000, 160000)
STARTS = (0, 160000)
BMR = 2048
ERPP = tuple(-(-(s // 16) // BMR) * BMR for s in PARTS)
EPADP = tuple(r * 16 for r in ERPP)
OBR = BMR // 8


def _tables_body(x_ref, vp_ref, batch_ref, W1_ref, b1_ref,
                 TAw_ref, TBw_ref):
    f32 = jnp.float32
    W1a = W1_ref[0:D, :]
    W1b = W1_ref[D:2 * D, :]
    W1c = W1_ref[2 * D:3 * D, :]
    R = jnp.dot(vp_ref[:], W1c, preferred_element_type=f32) + b1_ref[:]
    onehotT = (batch_ref[:][None, :]
               == lax.broadcasted_iota(jnp.int32, (G, N), 0)).astype(f32)
    Rb = lax.dot_general(onehotT, R, (((0,), (0,)), ((), ())),
                         preferred_element_type=f32)
    A = jnp.dot(x_ref[:], W1a, preferred_element_type=f32) + Rb
    B = jnp.dot(x_ref[:], W1b, preferred_element_type=f32)

    i8 = lax.broadcasted_iota(jnp.int32, (H, 128), 0)
    j8 = lax.broadcasted_iota(jnp.int32, (H, 128), 1)
    A3 = A.reshape(N // 16, 16, H)
    B3 = B.reshape(N // 16, 16, H)
    TAw = jnp.zeros((N // 16, 128), f32)
    TBw = jnp.zeros((N // 16, 128), f32)
    for t in range(16):
        P = jnp.where(j8 == H * t + i8, 1.0, 0.0).astype(f32)
        TAw = TAw + jnp.dot(A3[:, t, :], P, preferred_element_type=f32)
        TBw = TBw + jnp.dot(B3[:, t, :], P, preferred_element_type=f32)
    TAw_ref[0:N // 16, :] = TAw
    TBw_ref[0:N // 16, :] = TBw


def _tables(x, vp, batch, W1, b1):
    f32 = jnp.float32
    return pl.pallas_call(
        _tables_body,
        out_shape=[jax.ShapeDtypeStruct((NROW, 128), f32),
                   jax.ShapeDtypeStruct((NROW, 128), f32)],
    )(x, vp, batch, W1, b1)


def _consts_body(W2_ref, b2_ref, g1_ref, be1_ref, g2_ref, be2_ref, W3_ref,
                 b3_ref, g3_ref, be3_ref, W4_ref,
                 M_ref, W2bd_ref, W3bd_ref, W4S_ref,
                 g1r_ref, be1r_ref, g2r_ref, be2r_ref, g3r_ref,
                 be3r_ref, b2r_ref, b3r_ref):
    f32 = jnp.float32
    ia = lax.broadcasted_iota(jnp.int32, (128, 128), 0)
    jb = lax.broadcasted_iota(jnp.int32, (128, 128), 1)
    grpf = ((ia // H) == (jb // H)).astype(f32)
    M_ref[:] = grpf * 0.125

    Rrep = ((lax.broadcasted_iota(jnp.int32, (H, 128), 1) % H)
            == lax.broadcasted_iota(jnp.int32, (H, 128), 0)).astype(f32)
    RT = ((lax.broadcasted_iota(jnp.int32, (128, H), 0) % H)
          == lax.broadcasted_iota(jnp.int32, (128, H), 1)).astype(f32)

    def tile8(w88):
        return jnp.dot(RT, jnp.dot(w88, Rrep, preferred_element_type=f32),
                       preferred_element_type=f32) * grpf

    W2bd_ref[:] = tile8(W2_ref[:])
    W3bd_ref[:] = tile8(W3_ref[:])

    w4col = jnp.dot(RT, W4_ref[:], preferred_element_type=f32)
    for s in range(8):
        W4S_ref[128 * s:128 * (s + 1), :] = jnp.where(
            jb == 16 * s + ia // H, w4col, 0.0)

    def vec128(v18):
        return jnp.dot(v18, Rrep, preferred_element_type=f32)

    g1r_ref[:] = vec128(g1_ref[:])
    be1r_ref[:] = vec128(be1_ref[:])
    g2r_ref[:] = vec128(g2_ref[:])
    be2r_ref[:] = vec128(be2_ref[:])
    g3r_ref[:] = vec128(g3_ref[:])
    be3r_ref[:] = vec128(be3_ref[:])
    b2r_ref[:] = vec128(b2_ref[:])
    b3r_ref[:] = vec128(b3_ref[:])


def _consts(W2, b2, g1, be1, g2, be2, W3, b3, g3, be3, W4):
    f32 = jnp.float32
    c128 = jax.ShapeDtypeStruct((128, 128), f32)
    v128 = jax.ShapeDtypeStruct((1, 128), f32)
    return pl.pallas_call(
        _consts_body,
        out_shape=[c128, c128, c128,
                   jax.ShapeDtypeStruct((8 * 128, 128), f32),
                   v128, v128, v128, v128, v128, v128, v128, v128],
    )(W2, b2, g1, be1, g2, be2, W3, b3, g3, be3, W4)


def _make_gather(part):
    n_edges = PARTS[part]
    start_edge = STARTS[part]
    epw = n_edges // NW
    nchunk = epw // CHUNK
    mesh = plsc.VectorSubcoreMesh(core_axis_name="c", subcore_axis_name="s")

    @functools.partial(
        pl.kernel,
        mesh=mesh,
        out_type=[jax.ShapeDtypeStruct((EPADP[part], H), jnp.float32),
                  jax.ShapeDtypeStruct((EPADP[part], H), jnp.float32)],
        scratch_types=[pltpu.VMEM((CHUNK,), jnp.int32),
                       pltpu.VMEM((CHUNK,), jnp.int32),
                       pltpu.VMEM((CHUNK, H), jnp.float32),
                       pltpu.VMEM((CHUNK, H), jnp.float32),
                       pltpu.VMEM((CHUNK, H), jnp.float32),
                       pltpu.VMEM((CHUNK, H), jnp.float32),
                       pltpu.SemaphoreType.DMA,
                       pltpu.SemaphoreType.DMA,
                       pltpu.SemaphoreType.DMA,
                       pltpu.SemaphoreType.DMA],
        compiler_params=pltpu.CompilerParams(use_tc_tiling_on_sc=False),
    )
    def gather_k(TA_hbm, TB_hbm, ei_hbm, outS, outE,
                 idxs, idxe, rs0, re0, rs1, re1, gsemA, gsemB, wsem0, wsem1):
        wid = lax.axis_index("s") * NC + lax.axis_index("c")
        base = wid * epw
        RS = (rs0, rs1)
        RE = (re0, re1)
        WS = (wsem0, wsem1)
        pending = [None, None]
        for c in range(nchunk):
            p = c % 2
            rs, re = RS[p], RE[p]
            if pending[p] is not None:
                pending[p][0].wait()
                pending[p][1].wait()
            off = pl.multiple_of(base + c * CHUNK, 8)
            eoff = pl.multiple_of(start_edge + off, 8)
            pltpu.sync_copy(ei_hbm.at[0, pl.ds(eoff, CHUNK)], idxs)
            pltpu.sync_copy(ei_hbm.at[1, pl.ds(eoff, CHUNK)], idxe)
            c1 = pltpu.async_copy(TA_hbm.at[idxs], rs, gsemA)
            c2 = pltpu.async_copy(TB_hbm.at[idxe], re, gsemB)
            c1.wait()
            c2.wait()
            w1 = pltpu.async_copy(rs, outS.at[pl.ds(off, CHUNK)], WS[p])
            w2 = pltpu.async_copy(re, outE.at[pl.ds(off, CHUNK)], WS[p])
            pending[p] = (w1, w2)
        for p in (0, 1):
            if pending[p] is not None:
                pending[p][0].wait()
                pending[p][1].wait()

    return gather_k


_gathers = tuple(_make_gather(p) for p in range(len(PARTS)))


def _mlp_body(gs_ref, ge_ref, M_ref, W2bd_ref, b2r_ref, g2r_ref, be2r_ref,
              W3bd_ref, b3r_ref, g3r_ref, be3r_ref, W4S_ref, g1r_ref,
              be1r_ref, b4_ref, out_ref):
    f32 = jnp.float32
    M = M_ref[:]

    def lnact(z, gr, ber):
        m = jnp.dot(z, M, preferred_element_type=f32)
        d = z - m
        v = jnp.dot(d * d, M, preferred_element_type=f32)
        return jnp.tanh(d * lax.rsqrt(v + EPS) * gr + ber)

    z = gs_ref[:] + ge_ref[:]
    h = lnact(z, g1r_ref[:], be1r_ref[:])
    h = lnact(jnp.dot(h, W2bd_ref[:], preferred_element_type=f32)
              + b2r_ref[:], g2r_ref[:], be2r_ref[:])
    h = lnact(jnp.dot(h, W3bd_ref[:], preferred_element_type=f32)
              + b3r_ref[:], g3r_ref[:], be3r_ref[:])
    o3 = h.reshape(OBR, 8, 128)
    oc = jnp.dot(o3[:, 0, :], W4S_ref[0:128, :], preferred_element_type=f32)
    for s in range(1, 8):
        oc = oc + jnp.dot(o3[:, s, :], W4S_ref[128 * s:128 * (s + 1), :],
                          preferred_element_type=f32)
    out_ref[:] = oc + b4_ref[0]


def _mlp(part, gs, ge, M, W2bd, b2r, g2r, be2r, W3bd, b3r, g3r, be3r, W4S,
         g1r, be1r, b4):
    cmat = pl.BlockSpec((128, 128), lambda i: (0, 0))
    cw4 = pl.BlockSpec((8 * 128, 128), lambda i: (0, 0))
    cvec = pl.BlockSpec((1, 128), lambda i: (0, 0))
    big = pl.BlockSpec((BMR, 128), lambda i: (i, 0))
    return pl.pallas_call(
        _mlp_body,
        grid=(ERPP[part] // BMR,),
        in_specs=[big, big, cmat, cmat, cvec, cvec, cvec, cmat, cvec, cvec,
                  cvec, cw4, cvec, cvec,
                  pl.BlockSpec(memory_space=pltpu.SMEM)],
        out_specs=pl.BlockSpec((OBR, 128), lambda i: (i, 0)),
        out_shape=jax.ShapeDtypeStruct((EPADP[part] // 128, 128),
                                       jnp.float32),
    )(gs, ge, M, W2bd, b2r, g2r, be2r, W3bd, b3r, g3r, be3r, W4S,
      g1r, be1r, b4)


def kernel(x, edge_index, vp, batch, W1, b1, g1, be1, W2, b2, g2, be2,
           W3, b3, g3, be3, W4, b4):
    TAw, TBw = _tables(x, vp, batch, W1, b1.reshape(1, H))
    (M, W2bd, W3bd, W4S, g1r, be1r, g2r, be2r, g3r, be3r,
     b2r, b3r) = _consts(
        W2, b2.reshape(1, H), g1.reshape(1, H), be1.reshape(1, H),
        g2.reshape(1, H), be2.reshape(1, H), W3, b3.reshape(1, H),
        g3.reshape(1, H), be3.reshape(1, H), W4)
    TAl = TAw.reshape(NPAD, H)
    TBl = TBw.reshape(NPAD, H)
    outs = []
    for p in range(len(PARTS)):
        gs, ge = _gathers[p](TAl, TBl, edge_index)
        o = _mlp(p, gs.reshape(ERPP[p], 128), ge.reshape(ERPP[p], 128), M,
                 W2bd, b2r, g2r, be2r, W3bd, b3r, g3r, be3r, W4S,
                 g1r, be1r, b4)
        outs.append(o.reshape(EPADP[p])[:PARTS[p]])
    return jnp.concatenate(outs)

# --- scband reference (transcript-rebuilt; emitter-appended) ---
"""Pipeline reference for scband-edge-network-81647328297538 (READ-ONLY COPY).

The authoritative reference and input builder live on the scoring server;
editing this copy changes nothing except your own understanding.
"""

import jax, jax.numpy as jnp
import numpy as np

N = 10000
E = 320000
D = 128
H = 8
G = 64
EPS = 1e-5


def _ln(h, g, b):
    m = jnp.mean(h, axis=-1, keepdims=True)
    v = jnp.var(h, axis=-1, keepdims=True)
    return (h - m) / jnp.sqrt(v + EPS) * g + b


def setup_inputs(seed: int = 0):
    key = jax.random.key(seed)
    ks = jax.random.split(key, 24)
    x = jax.random.normal(ks[0], (N, D), dtype=jnp.float32)
    edge_index = jax.random.randint(ks[1], (2, E), 0, N, dtype=jnp.int32)
    vp = jax.random.normal(ks[2], (G, D), dtype=jnp.float32)
    batch = jnp.sort(jax.random.randint(ks[3], (N,), 0, G, dtype=jnp.int32))
    d_in = 3 * D
    s1 = 1.0 / np.sqrt(d_in)
    s2 = 1.0 / np.sqrt(H)
    W1 = jax.random.uniform(ks[4], (d_in, H), jnp.float32, -s1, s1)
    b1 = jax.random.uniform(ks[5], (H,), jnp.float32, -s1, s1)
    g1 = jnp.ones((H,), jnp.float32); be1 = jnp.zeros((H,), jnp.float32)
    W2 = jax.random.uniform(ks[6], (H, H), jnp.float32, -s2, s2)
    b2 = jax.random.uniform(ks[7], (H,), jnp.float32, -s2, s2)
    g2 = jnp.ones((H,), jnp.float32); be2 = jnp.zeros((H,), jnp.float32)
    W3 = jax.random.uniform(ks[8], (H, H), jnp.float32, -s2, s2)
    b3 = jax.random.uniform(ks[9], (H,), jnp.float32, -s2, s2)
    g3 = jnp.ones((H,), jnp.float32); be3 = jnp.zeros((H,), jnp.float32)
    W4 = jax.random.uniform(ks[10], (H, 1), jnp.float32, -s2, s2)
    b4 = jax.random.uniform(ks[11], (1,), jnp.float32, -s2, s2)
    return {"x": x, "edge_index": edge_index, "vp": vp, "batch": batch,
            "W1": W1, "b1": b1, "g1": g1, "be1": be1,
            "W2": W2, "b2": b2, "g2": g2, "be2": be2,
            "W3": W3, "b3": b3, "g3": g3, "be3": be3,
            "W4": W4, "b4": b4}


def reference(x, edge_index, vp, batch, W1, b1, g1, be1, W2, b2, g2, be2, W3, b3, g3, be3, W4, b4):
    start = edge_index[0]
    end = edge_index[1]
    edge_inputs = jnp.concatenate([x[start], x[end], vp[batch[start]]], axis=1)
    h = jnp.tanh(_ln(edge_inputs @ W1 + b1, g1, be1))
    h = jnp.tanh(_ln(h @ W2 + b2, g2, be2))
    h = jnp.tanh(_ln(h @ W3 + b3, g3, be3))
    out = (h @ W4 + b4).squeeze(-1)
    return out

if __name__ == "__main__":
    import jax
    _d = setup_inputs()
    print(jax.jit(kernel)(*tuple(_d.values())))

</pallas_src>

<mosaic_0001>
#map = affine_map<(d0, d1) -> (0, 0)>
module attributes {stable_mosaic.version = 14 : i64} {
  func.func @gather_k(%arg0: i32, %arg1: i32, %arg2: memref<10112x8xf32, #tpu.memory_space<hbm>>, %arg3: memref<10112x8xf32, #tpu.memory_space<hbm>>, %arg4: memref<2x320000xi32, #tpu.memory_space<hbm>>, %arg5: memref<163840x8xf32, #tpu.memory_space<hbm>>, %arg6: memref<163840x8xf32, #tpu.memory_space<hbm>>, %arg7: memref<1000xi32, #tpu.memory_space<vmem>>, %arg8: memref<1000xi32, #tpu.memory_space<vmem>>, %arg9: memref<1000x8xf32, #tpu.memory_space<vmem>>, %arg10: memref<1000x8xf32, #tpu.memory_space<vmem>>, %arg11: memref<1000x8xf32, #tpu.memory_space<vmem>>, %arg12: memref<1000x8xf32, #tpu.memory_space<vmem>>, %arg13: memref<!tpu.dma_semaphore, #tpu.memory_space<semaphore_mem>>, %arg14: memref<!tpu.dma_semaphore, #tpu.memory_space<semaphore_mem>>, %arg15: memref<!tpu.dma_semaphore, #tpu.memory_space<semaphore_mem>>, %arg16: memref<!tpu.dma_semaphore, #tpu.memory_space<semaphore_mem>>) attributes {dimension_semantics = [#tpu.dimension_semantics<core_parallel>, #tpu.dimension_semantics<subcore_parallel>], iteration_bounds = array<i64: 2, 16>, scalar_prefetch = 0 : i64, scratch_operands = 10 : i64, tpu.core_type = #tpu.core_type<sc_vector_subcore>, window_params = [{transform_indices = #map}, {transform_indices = #map}, {transform_indices = #map}, {transform_indices = #map}, {transform_indices = #map}]} {
    %mul3A = arith.constant 2 : i32
    %mul3A_0 = arith.muli %arg1, %mul3A : i32
    %add3A = arith.addi %mul3A_0, %arg0 : i32
    %mul3A_1 = arith.constant 5000 : i32
    %mul3A_2 = arith.muli %add3A, %mul3A_1 : i32
    %add3A_3 = arith.constant 0 : i32
    %add3A_4 = arith.addi %mul3A_2, %add3A_3 : i32
    %multiple_of3A = tpu.assume_multiple %add3A_4, 8 : i32
    %add3A_5 = arith.constant 0 : i32
    %add3A_6 = arith.addi %add3A_5, %multiple_of3A : i32
    %multiple_of3A_7 = tpu.assume_multiple %add3A_6, 8 : i32
    %run_scoped3A = arith.constant 0 : i32
    "tpu.region"() ({
      %run_scoped3A_179 = tpu.sem_alloc : memref<!tpu.dma_semaphore, #tpu.memory_space<semaphore_mem>>
      %dma_start3A_180 = tpu.memref_slice %arg4[%run_scoped3A, %multiple_of3A_7] : memref<2x320000xi32, #tpu.memory_space<hbm>> -> memref<1x1000xi32, #tpu.memory_space<hbm>>
      %dma_start3A_181 = tpu.memref_squeeze %dma_start3A_180 : memref<1x1000xi32, #tpu.memory_space<hbm>> -> memref<1000xi32, #tpu.memory_space<hbm>>
      %dma_start3A_182 = tpu.memref_slice %arg4[%run_scoped3A, %multiple_of3A_7] : memref<2x320000xi32, #tpu.memory_space<hbm>> -> memref<1x1000xi32, #tpu.memory_space<hbm>>
      %dma_start3A_183 = tpu.memref_squeeze %dma_start3A_182 : memref<1x1000xi32, #tpu.memory_space<hbm>> -> memref<1000xi32, #tpu.memory_space<hbm>>
      tpu.enqueue_dma source(%dma_start3A_183 : memref<1000xi32, #tpu.memory_space<hbm>>) target(%arg7 : memref<1000xi32, #tpu.memory_space<vmem>>) target_semaphore(%run_scoped3A_179 : memref<!tpu.dma_semaphore, #tpu.memory_space<semaphore_mem>>)
      %dma_wait3A_184 = tpu.memref_slice %arg4[%run_scoped3A, %multiple_of3A_7] : memref<2x320000xi32, #tpu.memory_space<hbm>> -> memref<1x1000xi32, #tpu.memory_space<hbm>>
      %dma_wait3A_185 = tpu.memref_squeeze %dma_wait3A_184 : memref<1x1000xi32, #tpu.memory_space<hbm>> -> memref<1000xi32, #tpu.memory_space<hbm>>
      %dma_wait3A_186 = tpu.memref_slice %arg4[%run_scoped3A, %multiple_of3A_7] : memref<2x320000xi32, #tpu.memory_space<hbm>> -> memref<1x1000xi32, #tpu.memory_space<hbm>>
      %dma_wait3A_187 = tpu.memref_squeeze %dma_wait3A_186 : memref<1x1000xi32, #tpu.memory_space<hbm>> -> memref<1000xi32, #tpu.memory_space<hbm>>
      tpu.wait_dma2 semaphore(%run_scoped3A_179 : memref<!tpu.dma_semaphore, #tpu.memory_space<semaphore_mem>>) src(%dma_wait3A_187 : memref<1000xi32, #tpu.memory_space<hbm>>) dst(%arg7 : memref<1000xi32, #tpu.memory_space<vmem>>)
      tpu.yield
    }) : () -> ()
    %run_scoped3A_8 = arith.constant 1 : i32
    "tpu.region"() ({
      %run_scoped3A_179 = tpu.sem_alloc : memref<!tpu.dma_semaphore, #tpu.memory_space<semaphore_mem>>
      %dma_start3A_180 = tpu.memref_slice %arg4[%run_scoped3A_8, %multiple_of3A_7] : memref<2x320000xi32, #tpu.memory_space<hbm>> -> memref<1x1000xi32, #tpu.memory_space<hbm>>
      %dma_start3A_181 = tpu.memref_squeeze %dma_start3A_180 : memref<1x1000xi32, #tpu.memory_space<hbm>> -> memref<1000xi32, #tpu.memory_space<hbm>>
      %dma_start3A_182 = tpu.memref_slice %arg4[%run_scoped3A_8, %multiple_of3A_7] : memref<2x320000xi32, #tpu.memory_space<hbm>> -> memref<1x1000xi32, #tpu.memory_space<hbm>>
      %dma_start3A_183 = tpu.memref_squeeze %dma_start3A_182 : memref<1x1000xi32, #tpu.memory_space<hbm>> -> memref<1000xi32, #tpu.memory_space<hbm>>
      tpu.enqueue_dma source(%dma_start3A_183 : memref<1000xi32, #tpu.memory_space<hbm>>) target(%arg8 : memref<1000xi32, #tpu.memory_space<vmem>>) target_semaphore(%run_scoped3A_179 : memref<!tpu.dma_semaphore, #tpu.memory_space<semaphore_mem>>)
      %dma_wait3A_184 = tpu.memref_slice %arg4[%run_scoped3A_8, %multiple_of3A_7] : memref<2x320000xi32, #tpu.memory_space<hbm>> -> memref<1x1000xi32, #tpu.memory_space<hbm>>
      %dma_wait3A_185 = tpu.memref_squeeze %dma_wait3A_184 : memref<1x1000xi32, #tpu.memory_space<hbm>> -> memref<1000xi32, #tpu.memory_space<hbm>>
      %dma_wait3A_186 = tpu.memref_slice %arg4[%run_scoped3A_8, %multiple_of3A_7] : memref<2x320000xi32, #tpu.memory_space<hbm>> -> memref<1x1000xi32, #tpu.memory_space<hbm>>
      %dma_wait3A_187 = tpu.memref_squeeze %dma_wait3A_186 : memref<1x1000xi32, #tpu.memory_space<hbm>> -> memref<1000xi32, #tpu.memory_space<hbm>>
      tpu.wait_dma2 semaphore(%run_scoped3A_179 : memref<!tpu.dma_semaphore, #tpu.memory_space<semaphore_mem>>) src(%dma_wait3A_187 : memref<1000xi32, #tpu.memory_space<hbm>>) dst(%arg8 : memref<1000xi32, #tpu.memory_space<vmem>>)
      tpu.yield
    }) : () -> ()
    %dma_start3A = arith.constant 0 : i32
    %dma_start3A_9 = arith.constant 0 : i32
    %dma_start3A_10 = tpu.memref_slice %arg2[%dma_start3A, %dma_start3A_9] : memref<10112x8xf32, #tpu.memory_space<hbm>> -> memref<10112x8xf32, #tpu.memory_space<hbm>>
    tpu.enqueue_indirect_dma source(%dma_start3A_10 : memref<10112x8xf32, #tpu.memory_space<hbm>>) target(%arg9 : memref<1000x8xf32, #tpu.memory_space<vmem>>) offsets(%arg7 : memref<1000xi32, #tpu.memory_space<vmem>>) semaphore(%arg13 : memref<!tpu.dma_semaphore, #tpu.memory_space<semaphore_mem>>)
    %dma_start3A_11 = arith.constant 0 : i32
    %dma_start3A_12 = arith.constant 0 : i32
    %dma_start3A_13 = tpu.memref_slice %arg3[%dma_start3A_11, %dma_start3A_12] : memref<10112x8xf32, #tpu.memory_space<hbm>> -> memref<10112x8xf32, #tpu.memory_space<hbm>>
    tpu.enqueue_indirect_dma source(%dma_start3A_13 : memref<10112x8xf32, #tpu.memory_space<hbm>>) target(%arg10 : memref<1000x8xf32, #tpu.memory_space<vmem>>) offsets(%arg8 : memref<1000xi32, #tpu.memory_space<vmem>>) semaphore(%arg14 : memref<!tpu.dma_semaphore, #tpu.memory_space<semaphore_mem>>)
    %dma_wait3A = arith.constant 0 : i32
    %dma_wait3A_14 = arith.constant 0 : i32
    %dma_wait3A_15 = tpu.memref_slice %arg2[%dma_wait3A, %dma_wait3A_14] : memref<10112x8xf32, #tpu.memory_space<hbm>> -> memref<10112x8xf32, #tpu.memory_space<hbm>>
    tpu.wait_indirect_dma semaphore(%arg13 : memref<!tpu.dma_semaphore, #tpu.memory_space<semaphore_mem>>) src(%dma_wait3A_15 : memref<10112x8xf32, #tpu.memory_space<hbm>>) dst(%arg9 : memref<1000x8xf32, #tpu.memory_space<vmem>>)
    %dma_wait3A_16 = arith.constant 0 : i32
    %dma_wait3A_17 = arith.constant 0 : i32
    %dma_wait3A_18 = tpu.memref_slice %arg3[%dma_wait3A_16, %dma_wait3A_17] : memref<10112x8xf32, #tpu.memory_space<hbm>> -> memref<10112x8xf32, #tpu.memory_space<hbm>>
    tpu.wait_indirect_dma semaphore(%arg14 : memref<!tpu.dma_semaphore, #tpu.memory_space<semaphore_mem>>) src(%dma_wait3A_18 : memref<10112x8xf32, #tpu.memory_space<hbm>>) dst(%arg10 : memref<1000x8xf32, #tpu.memory_space<vmem>>)
    %dma_start3A_19 = arith.constant 0 : i32
    %dma_start3A_20 = tpu.memref_slice %arg5[%multiple_of3A, %dma_start3A_19] : memref<163840x8xf32, #tpu.memory_space<hbm>> -> memref<1000x8xf32, #tpu.memory_space<hbm>>
    %dma_start3A_21 = arith.constant 0 : i32
    %dma_start3A_22 = tpu.memref_slice %arg5[%multiple_of3A, %dma_start3A_21] : memref<163840x8xf32, #tpu.memory_space<hbm>> -> memref<1000x8xf32, #tpu.memory_space<hbm>>
    tpu.enqueue_dma source(%arg9 : memref<1000x8xf32, #tpu.memory_space<vmem>>) target(%dma_start3A_22 : memref<1000x8xf32, #tpu.memory_space<hbm>>) target_semaphore(%arg15 : memref<!tpu.dma_semaphore, #tpu.memory_space<semaphore_mem>>)
    %dma_start3A_23 = arith.constant 0 : i32
    %dma_start3A_24 = tpu.memref_slice %arg6[%multiple_of3A, %dma_start3A_23] : memref<163840x8xf32, #tpu.memory_space<hbm>> -> memref<1000x8xf32, #tpu.memory_space<hbm>>
    %dma_start3A_25 = arith.constant 0 : i32
    %dma_start3A_26 = tpu.memref_slice %arg6[%multiple_of3A, %dma_start3A_25] : memref<163840x8xf32, #tpu.memory_space<hbm>> -> memref<1000x8xf32, #tpu.memory_space<hbm>>
    tpu.enqueue_dma source(%arg10 : memref<1000x8xf32, #tpu.memory_space<vmem>>) target(%dma_start3A_26 : memref<1000x8xf32, #tpu.memory_space<hbm>>) target_semaphore(%arg15 : memref<!tpu.dma_semaphore, #tpu.memory_space<semaphore_mem>>)
    %add3A_27 = arith.constant 1000 : i32
    %add3A_28 = arith.addi %mul3A_2, %add3A_27 : i32
    %multiple_of3A_29 = tpu.assume_multiple %add3A_28, 8 : i32
    %add3A_30 = arith.constant 0 : i32
    %add3A_31 = arith.addi %add3A_30, %multiple_of3A_29 : i32
    %multiple_of3A_32 = tpu.assume_multiple %add3A_31, 8 : i32
    %run_scoped3A_33 = arith.constant 0 : i32
    "tpu.region"() ({
      %run_scoped3A_179 = tpu.sem_alloc : memref<!tpu.dma_semaphore, #tpu.memory_space<semaphore_mem>>
      %dma_start3A_180 = tpu.memref_slice %arg4[%run_scoped3A_33, %multiple_of3A_32] : memref<2x320000xi32, #tpu.memory_space<hbm>> -> memref<1x1000xi32, #tpu.memory_space<hbm>>
      %dma_start3A_181 = tpu.memref_squeeze %dma_start3A_180 : memref<1x1000xi32, #tpu.memory_space<hbm>> -> memref<1000xi32, #tpu.memory_space<hbm>>
      %dma_start3A_182 = tpu.memref_slice %arg4[%run_scoped3A_33, %multiple_of3A_32] : memref<2x320000xi32, #tpu.memory_space<hbm>> -> memref<1x1000xi32, #tpu.memory_space<hbm>>
      %dma_start3A_183 = tpu.memref_squeeze %dma_start3A_182 : memref<1x1000xi32, #tpu.memory_space<hbm>> -> memref<1000xi32, #tpu.memory_space<hbm>>
      tpu.enqueue_dma source(%dma_start3A_183 : memref<1000xi32, #tpu.memory_space<hbm>>) target(%arg7 : memref<1000xi32, #tpu.memory_space<vmem>>) target_semaphore(%run_scoped3A_179 : memref<!tpu.dma_semaphore, #tpu.memory_space<semaphore_mem>>)
      %dma_wait3A_184 = tpu.memref_slice %arg4[%run_scoped3A_33, %multiple_of3A_32] : memref<2x320000xi32, #tpu.memory_space<hbm>> -> memref<1x1000xi32, #tpu.memory_space<hbm>>
      %dma_wait3A_185 = tpu.memref_squeeze %dma_wait3A_184 : memref<1x1000xi32, #tpu.memory_space<hbm>> -> memref<1000xi32, #tpu.memory_space<hbm>>
      %dma_wait3A_186 = tpu.memref_slice %arg4[%run_scoped3A_33, %multiple_of3A_32] : memref<2x320000xi32, #tpu.memory_space<hbm>> -> memref<1x1000xi32, #tpu.memory_space<hbm>>
      %dma_wait3A_187 = tpu.memref_squeeze %dma_wait3A_186 : memref<1x1000xi32, #tpu.memory_space<hbm>> -> memref<1000xi32, #tpu.memory_space<hbm>>
      tpu.wait_dma2 semaphore(%run_scoped3A_179 : memref<!tpu.dma_semaphore, #tpu.memory_space<semaphore_mem>>) src(%dma_wait3A_187 : memref<1000xi32, #tpu.memory_space<hbm>>) dst(%arg7 : memref<1000xi32, #tpu.memory_space<vmem>>)
      tpu.yield
    }) : () -> ()
    %run_scoped3A_34 = arith.constant 1 : i32
    "tpu.region"() ({
      %run_scoped3A_179 = tpu.sem_alloc : memref<!tpu.dma_semaphore, #tpu.memory_space<semaphore_mem>>
      %dma_start3A_180 = tpu.memref_slice %arg4[%run_scoped3A_34, %multiple_of3A_32] : memref<2x320000xi32, #tpu.memory_space<hbm>> -> memref<1x1000xi32, #tpu.memory_space<hbm>>
      %dma_start3A_181 = tpu.memref_squeeze %dma_start3A_180 : memref<1x1000xi32, #tpu.memory_space<hbm>> -> memref<1000xi32, #tpu.memory_space<hbm>>
      %dma_start3A_182 = tpu.memref_slice %arg4[%run_scoped3A_34, %multiple_of3A_32] : memref<2x320000xi32, #tpu.memory_space<hbm>> -> memref<1x1000xi32, #tpu.memory_space<hbm>>
      %dma_start3A_183 = tpu.memref_squeeze %dma_start3A_182 : memref<1x1000xi32, #tpu.memory_space<hbm>> -> memref<1000xi32, #tpu.memory_space<hbm>>
      tpu.enqueue_dma source(%dma_start3A_183 : memref<1000xi32, #tpu.memory_space<hbm>>) target(%arg8 : memref<1000xi32, #tpu.memory_space<vmem>>) target_semaphore(%run_scoped3A_179 : memref<!tpu.dma_semaphore, #tpu.memory_space<semaphore_mem>>)
      %dma_wait3A_184 = tpu.memref_slice %arg4[%run_scoped3A_34, %multiple_of3A_32] : memref<2x320000xi32, #tpu.memory_space<hbm>> -> memref<1x1000xi32, #tpu.memory_space<hbm>>
      %dma_wait3A_185 = tpu.memref_squeeze %dma_wait3A_184 : memref<1x1000xi32, #tpu.memory_space<hbm>> -> memref<1000xi32, #tpu.memory_space<hbm>>
      %dma_wait3A_186 = tpu.memref_slice %arg4[%run_scoped3A_34, %multiple_of3A_32] : memref<2x320000xi32, #tpu.memory_space<hbm>> -> memref<1x1000xi32, #tpu.memory_space<hbm>>
      %dma_wait3A_187 = tpu.memref_squeeze %dma_wait3A_186 : memref<1x1000xi32, #tpu.memory_space<hbm>> -> memref<1000xi32, #tpu.memory_space<hbm>>
      tpu.wait_dma2 semaphore(%run_scoped3A_179 : memref<!tpu.dma_semaphore, #tpu.memory_space<semaphore_mem>>) src(%dma_wait3A_187 : memref<1000xi32, #tpu.memory_space<hbm>>) dst(%arg8 : memref<1000xi32, #tpu.memory_space<vmem>>)
      tpu.yield
    }) : () -> ()
    %dma_start3A_35 = arith.constant 0 : i32
    %dma_start3A_36 = arith.constant 0 : i32
    %dma_start3A_37 = tpu.memref_slice %arg2[%dma_start3A_35, %dma_start3A_36] : memref<10112x8xf32, #tpu.memory_space<hbm>> -> memref<10112x8xf32, #tpu.memory_space<hbm>>
    tpu.enqueue_indirect_dma source(%dma_start3A_37 : memref<10112x8xf32, #tpu.memory_space<hbm>>) target(%arg11 : memref<1000x8xf32, #tpu.memory_space<vmem>>) offsets(%arg7 : memref<1000xi32, #tpu.memory_space<vmem>>) semaphore(%arg13 : memref<!tpu.dma_semaphore, #tpu.memory_space<semaphore_mem>>)
    %dma_start3A_38 = arith.constant 0 : i32
    %dma_start3A_39 = arith.constant 0 : i32
    %dma_start3A_40 = tpu.memref_slice %arg3[%dma_start3A_38, %dma_start3A_39] : memref<10112x8xf32, #tpu.memory_space<hbm>> -> memref<10112x8xf32, #tpu.memory_space<hbm>>
    tpu.enqueue_indirect_dma source(%dma_start3A_40 : memref<10112x8xf32, #tpu.memory_space<hbm>>) target(%arg12 : memref<1000x8xf32, #tpu.memory_space<vmem>>) offsets(%arg8 : memref<1000xi32, #tpu.memory_space<vmem>>) semaphore(%arg14 : memref<!tpu.dma_semaphore, #tpu.memory_space<semaphore_mem>>)
    %dma_wait3A_41 = arith.constant 0 : i32
    %dma_wait3A_42 = arith.constant 0 : i32
    %dma_wait3A_43 = tpu.memref_slice %arg2[%dma_wait3A_41, %dma_wait3A_42] : memref<10112x8xf32, #tpu.memory_space<hbm>> -> memref<10112x8xf32, #tpu.memory_space<hbm>>
    tpu.wait_indirect_dma semaphore(%arg13 : memref<!tpu.dma_semaphore, #tpu.memory_space<semaphore_mem>>) src(%dma_wait3A_43 : memref<10112x8xf32, #tpu.memory_space<hbm>>) dst(%arg11 : memref<1000x8xf32, #tpu.memory_space<vmem>>)
    %dma_wait3A_44 = arith.constant 0 : i32
    %dma_wait3A_45 = arith.constant 0 : i32
    %dma_wait3A_46 = tpu.memref_slice %arg3[%dma_wait3A_44, %dma_wait3A_45] : memref<10112x8xf32, #tpu.memory_space<hbm>> -> memref<10112x8xf32, #tpu.memory_space<hbm>>
    tpu.wait_indirect_dma semaphore(%arg14 : memref<!tpu.dma_semaphore, #tpu.memory_space<semaphore_mem>>) src(%dma_wait3A_46 : memref<10112x8xf32, #tpu.memory_space<hbm>>) dst(%arg12 : memref<1000x8xf32, #tpu.memory_space<vmem>>)
    %dma_start3A_47 = arith.constant 0 : i32
    %dma_start3A_48 = tpu.memref_slice %arg5[%multiple_of3A_29, %dma_start3A_47] : memref<163840x8xf32, #tpu.memory_space<hbm>> -> memref<1000x8xf32, #tpu.memory_space<hbm>>
    %dma_start3A_49 = arith.constant 0 : i32
    %dma_start3A_50 = tpu.memref_slice %arg5[%multiple_of3A_29, %dma_start3A_49] : memref<163840x8xf32, #tpu.memory_space<hbm>> -> memref<1000x8xf32, #tpu.memory_space<hbm>>
    tpu.enqueue_dma source(%arg11 : memref<1000x8xf32, #tpu.memory_space<vmem>>) target(%dma_start3A_50 : memref<1000x8xf32, #tpu.memory_space<hbm>>) target_semaphore(%arg16 : memref<!tpu.dma_semaphore, #tpu.memory_space<semaphore_mem>>)
    %dma_start3A_51 = arith.constant 0 : i32
    %dma_start3A_52 = tpu.memref_slice %arg6[%multiple_of3A_29, %dma_start3A_51] : memref<163840x8xf32, #tpu.memory_space<hbm>> -> memref<1000x8xf32, #tpu.memory_space<hbm>>
    %dma_start3A_53 = arith.constant 0 : i32
    %dma_start3A_54 = tpu.memref_slice %arg6[%multiple_of3A_29, %dma_start3A_53] : memref<163840x8xf32, #tpu.memory_space<hbm>> -> memref<1000x8xf32, #tpu.memory_space<hbm>>
    tpu.enqueue_dma source(%arg12 : memref<1000x8xf32, #tpu.memory_space<vmem>>) target(%dma_start3A_54 : memref<1000x8xf32, #tpu.memory_space<hbm>>) target_semaphore(%arg16 : memref<!tpu.dma_semaphore, #tpu.memory_space<semaphore_mem>>)
    %dma_wait3A_55 = arith.constant 0 : i32
    %dma_wait3A_56 = tpu.memref_slice %arg5[%multiple_of3A, %dma_wait3A_55] : memref<163840x8xf32, #tpu.memory_space<hbm>> -> memref<1000x8xf32, #tpu.memory_space<hbm>>
    %dma_wait3A_57 = arith.constant 0 : i32
    %dma_wait3A_58 = tpu.memref_slice %arg5[%multiple_of3A, %dma_wait3A_57] : memref<163840x8xf32, #tpu.memory_space<hbm>> -> memref<1000x8xf32, #tpu.memory_space<hbm>>
    tpu.wait_dma2 semaphore(%arg15 : memref<!tpu.dma_semaphore, #tpu.memory_space<semaphore_mem>>) src(%arg9 : memref<1000x8xf32, #tpu.memory_space<vmem>>) dst(%dma_wait3A_58 : memref<1000x8xf32, #tpu.memory_space<hbm>>)
    %dma_wait3A_59 = arith.constant 0 : i32
    %dma_wait3A_60 = tpu.memref_slice %arg6[%multiple_of3A, %dma_wait3A_59] : memref<163840x8xf32, #tpu.memory_space<hbm>> -> memref<1000x8xf32, #tpu.memory_space<hbm>>
    %dma_wait3A_61 = arith.constant 0 : i32
    %dma_wait3A_62 = tpu.memref_slice %arg6[%multiple_of3A, %dma_wait3A_61] : memref<163840x8xf32, #tpu.memory_space<hbm>> -> memref<1000x8xf32, #tpu.memory_space<hbm>>
    tpu.wait_dma2 semaphore(%arg15 : memref<!tpu.dma_semaphore, #tpu.memory_space<semaphore_mem>>) src(%arg10 : memref<1000x8xf32, #tpu.memory_space<vmem>>) dst(%dma_wait3A_62 : memref<1000x8xf32, #tpu.memory_space<hbm>>)
    %add3A_63 = arith.constant 2000 : i32
    %add3A_64 = arith.addi %mul3A_2, %add3A_63 : i32
    %multiple_of3A_65 = tpu.assume_multiple %add3A_64, 8 : i32
    %add3A_66 = arith.constant 0 : i32
    %add3A_67 = arith.addi %add3A_66, %multiple_of3A_65 : i32
    %multiple_of3A_68 = tpu.assume_multiple %add3A_67, 8 : i32
    %run_scoped3A_69 = arith.constant 0 : i32
    "tpu.region"() ({
      %run_scoped3A_179 = tpu.sem_alloc : memref<!tpu.dma_semaphore, #tpu.memory_space<semaphore_mem>>
      %dma_start3A_180 = tpu.memref_slice %arg4[%run_scoped3A_69, %multiple_of3A_68] : memref<2x320000xi32, #tpu.memory_space<hbm>> -> memref<1x1000xi32, #tpu.memory_space<hbm>>
      %dma_start3A_181 = tpu.memref_squeeze %dma_start3A_180 : memref<1x1000xi32, #tpu.memory_space<hbm>> -> memref<1000xi32, #tpu.memory_space<hbm>>
      %dma_start3A_182 = tpu.memref_slice %arg4[%run_scoped3A_69, %multiple_of3A_68] : memref<2x320000xi32, #tpu.memory_space<hbm>> -> memref<1x1000xi32, #tpu.memory_space<hbm>>
      %dma_start3A_183 = tpu.memref_squeeze %dma_start3A_182 : memref<1x1000xi32, #tpu.memory_space<hbm>> -> memref<1000xi32, #tpu.memory_space<hbm>>
      tpu.enqueue_dma source(%dma_start3A_183 : memref<1000xi32, #tpu.memory_space<hbm>>) target(%arg7 : memref<1000xi32, #tpu.memory_space<vmem>>) target_semaphore(%run_scoped3A_179 : memref<!tpu.dma_semaphore, #tpu.memory_space<semaphore_mem>>)
      %dma_wait3A_184 = tpu.memref_slice %arg4[%run_scoped3A_69, %multiple_of3A_68] : memref<2x320000xi32, #tpu.memory_space<hbm>> -> memref<1x1000xi32, #tpu.memory_space<hbm>>
      %dma_wait3A_185 = tpu.memref_squeeze %dma_wait3A_184 : memref<1x1000xi32, #tpu.memory_space<hbm>> -> memref<1000xi32, #tpu.memory_space<hbm>>
      %dma_wait3A_186 = tpu.memref_slice %arg4[%run_scoped3A_69, %multiple_of3A_68] : memref<2x320000xi32, #tpu.memory_space<hbm>> -> memref<1x1000xi32, #tpu.memory_space<hbm>>
      %dma_wait3A_187 = tpu.memref_squeeze %dma_wait3A_186 : memref<1x1000xi32, #tpu.memory_space<hbm>> -> memref<1000xi32, #tpu.memory_space<hbm>>
      tpu.wait_dma2 semaphore(%run_scoped3A_179 : memref<!tpu.dma_semaphore, #tpu.memory_space<semaphore_mem>>) src(%dma_wait3A_187 : memref<1000xi32, #tpu.memory_space<hbm>>) dst(%arg7 : memref<1000xi32, #tpu.memory_space<vmem>>)
      tpu.yield
    }) : () -> ()
    %run_scoped3A_70 = arith.constant 1 : i32
    "tpu.region"() ({
      %run_scoped3A_179 = tpu.sem_alloc : memref<!tpu.dma_semaphore, #tpu.memory_space<semaphore_mem>>
      %dma_start3A_180 = tpu.memref_slice %arg4[%run_scoped3A_70, %multiple_of3A_68] : memref<2x320000xi32, #tpu.memory_space<hbm>> -> memref<1x1000xi32, #tpu.memory_space<hbm>>
      %dma_start3A_181 = tpu.memref_squeeze %dma_start3A_180 : memref<1x1000xi32, #tpu.memory_space<hbm>> -> memref<1000xi32, #tpu.memory_space<hbm>>
      %dma_start3A_182 = tpu.memref_slice %arg4[%run_scoped3A_70, %multiple_of3A_68] : memref<2x320000xi32, #tpu.memory_space<hbm>> -> memref<1x1000xi32, #tpu.memory_space<hbm>>
      %dma_start3A_183 = tpu.memref_squeeze %dma_start3A_182 : memref<1x1000xi32, #tpu.memory_space<hbm>> -> memref<1000xi32, #tpu.memory_space<hbm>>
      tpu.enqueue_dma source(%dma_start3A_183 : memref<1000xi32, #tpu.memory_space<hbm>>) target(%arg8 : memref<1000xi32, #tpu.memory_space<vmem>>) target_semaphore(%run_scoped3A_179 : memref<!tpu.dma_semaphore, #tpu.memory_space<semaphore_mem>>)
      %dma_wait3A_184 = tpu.memref_slice %arg4[%run_scoped3A_70, %multiple_of3A_68] : memref<2x320000xi32, #tpu.memory_space<hbm>> -> memref<1x1000xi32, #tpu.memory_space<hbm>>
      %dma_wait3A_185 = tpu.memref_squeeze %dma_wait3A_184 : memref<1x1000xi32, #tpu.memory_space<hbm>> -> memref<1000xi32, #tpu.memory_space<hbm>>
      %dma_wait3A_186 = tpu.memref_slice %arg4[%run_scoped3A_70, %multiple_of3A_68] : memref<2x320000xi32, #tpu.memory_space<hbm>> -> memref<1x1000xi32, #tpu.memory_space<hbm>>
      %dma_wait3A_187 = tpu.memref_squeeze %dma_wait3A_186 : memref<1x1000xi32, #tpu.memory_space<hbm>> -> memref<1000xi32, #tpu.memory_space<hbm>>
      tpu.wait_dma2 semaphore(%run_scoped3A_179 : memref<!tpu.dma_semaphore, #tpu.memory_space<semaphore_mem>>) src(%dma_wait3A_187 : memref<1000xi32, #tpu.memory_space<hbm>>) dst(%arg8 : memref<1000xi32, #tpu.memory_space<vmem>>)
      tpu.yield
    }) : () -> ()
    %dma_start3A_71 = arith.constant 0 : i32
    %dma_start3A_72 = arith.constant 0 : i32
    %dma_start3A_73 = tpu.memref_slice %arg2[%dma_start3A_71, %dma_start3A_72] : memref<10112x8xf32, #tpu.memory_space<hbm>> -> memref<10112x8xf32, #tpu.memory_space<hbm>>
    tpu.enqueue_indirect_dma source(%dma_start3A_73 : memref<10112x8xf32, #tpu.memory_space<hbm>>) target(%arg9 : memref<1000x8xf32, #tpu.memory_space<vmem>>) offsets(%arg7 : memref<1000xi32, #tpu.memory_space<vmem>>) semaphore(%arg13 : memref<!tpu.dma_semaphore, #tpu.memory_space<semaphore_mem>>)
    %dma_start3A_74 = arith.constant 0 : i32
    %dma_start3A_75 = arith.constant 0 : i32
    %dma_start3A_76 = tpu.memref_slice %arg3[%dma_start3A_74, %dma_start3A_75] : memref<10112x8xf32, #tpu.memory_space<hbm>> -> memref<10112x8xf32, #tpu.memory_space<hbm>>
    tpu.enqueue_indirect_dma source(%dma_start3A_76 : memref<10112x8xf32, #tpu.memory_space<hbm>>) target(%arg10 : memref<1000x8xf32, #tpu.memory_space<vmem>>) offsets(%arg8 : memref<1000xi32, #tpu.memory_space<vmem>>) semaphore(%arg14 : memref<!tpu.dma_semaphore, #tpu.memory_space<semaphore_mem>>)
    %dma_wait3A_77 = arith.constant 0 : i32
    %dma_wait3A_78 = arith.constant 0 : i32
    %dma_wait3A_79 = tpu.memref_slice %arg2[%dma_wait3A_77, %dma_wait3A_78] : memref<10112x8xf32, #tpu.memory_space<hbm>> -> memref<10112x8xf32, #tpu.memory_space<hbm>>
    tpu.wait_indirect_dma semaphore(%arg13 : memref<!tpu.dma_semaphore, #tpu.memory_space<semaphore_mem>>) src(%dma_wait3A_79 : memref<10112x8xf32, #tpu.memory_space<hbm>>) dst(%arg9 : memref<1000x8xf32, #tpu.memory_space<vmem>>)
    %dma_wait3A_80 = arith.constant 0 : i32
    %dma_wait3A_81 = arith.constant 0 : i32
    %dma_wait3A_82 = tpu.memref_slice %arg3[%dma_wait3A_80, %dma_wait3A_81] : memref<10112x8xf32, #tpu.memory_space<hbm>> -> memref<10112x8xf32, #tpu.memory_space<hbm>>
    tpu.wait_indirect_dma semaphore(%arg14 : memref<!tpu.dma_semaphore, #tpu.memory_space<semaphore_mem>>) src(%dma_wait3A_82 : memref<10112x8xf32, #tpu.memory_space<hbm>>) dst(%arg10 : memref<1000x8xf32, #tpu.memory_space<vmem>>)
    %dma_start3A_83 = arith.constant 0 : i32
    %dma_start3A_84 = tpu.memref_slice %arg5[%multiple_of3A_65, %dma_start3A_83] : memref<163840x8xf32, #tpu.memory_space<hbm>> -> memref<1000x8xf32, #tpu.memory_space<hbm>>
    %dma_start3A_85 = arith.constant 0 : i32
    %dma_start3A_86 = tpu.memref_slice %arg5[%multiple_of3A_65, %dma_start3A_85] : memref<163840x8xf32, #tpu.memory_space<hbm>> -> memref<1000x8xf32, #tpu.memory_space<hbm>>
    tpu.enqueue_dma source(%arg9 : memref<1000x8xf32, #tpu.memory_space<vmem>>) target(%dma_start3A_86 : memref<1000x8xf32, #tpu.memory_space<hbm>>) target_semaphore(%arg15 : memref<!tpu.dma_semaphore, #tpu.memory_space<semaphore_mem>>)
    %dma_start3A_87 = arith.constant 0 : i32
    %dma_start3A_88 = tpu.memref_slice %arg6[%multiple_of3A_65, %dma_start3A_87] : memref<163840x8xf32, #tpu.memory_space<hbm>> -> memref<1000x8xf32, #tpu.memory_space<hbm>>
    %dma_start3A_89 = arith.constant 0 : i32
    %dma_start3A_90 = tpu.memref_slice %arg6[%multiple_of3A_65, %dma_start3A_89] : memref<163840x8xf32, #tpu.memory_space<hbm>> -> memref<1000x8xf32, #tpu.memory_space<hbm>>
    tpu.enqueue_dma source(%arg10 : memref<1000x8xf32, #tpu.memory_space<vmem>>) target(%dma_start3A_90 : memref<1000x8xf32, #tpu.memory_space<hbm>>) target_semaphore(%arg15 : memref<!tpu.dma_semaphore, #tpu.memory_space<semaphore_mem>>)
    %dma_wait3A_91 = arith.constant 0 : i32
    %dma_wait3A_92 = tpu.memref_slice %arg5[%multiple_of3A_29, %dma_wait3A_91] : memref<163840x8xf32, #tpu.memory_space<hbm>> -> memref<1000x8xf32, #tpu.memory_space<hbm>>
    %dma_wait3A_93 = arith.constant 0 : i32
    %dma_wait3A_94 = tpu.memref_slice %arg5[%multiple_of3A_29, %dma_wait3A_93] : memref<163840x8xf32, #tpu.memory_space<hbm>> -> memref<1000x8xf32, #tpu.memory_space<hbm>>
    tpu.wait_dma2 semaphore(%arg16 : memref<!tpu.dma_semaphore, #tpu.memory_space<semaphore_mem>>) src(%arg11 : memref<1000x8xf32, #tpu.memory_space<vmem>>) dst(%dma_wait3A_94 : memref<1000x8xf32, #tpu.memory_space<hbm>>)
    %dma_wait3A_95 = arith.constant 0 : i32
    %dma_wait3A_96 = tpu.memref_slice %arg6[%multiple_of3A_29, %dma_wait3A_95] : memref<163840x8xf32, #tpu.memory_space<hbm>> -> memref<1000x8xf32, #tpu.memory_space<hbm>>
    %dma_wait3A_97 = arith.constant 0 : i32
    %dma_wait3A_98 = tpu.memref_slice %arg6[%multiple_of3A_29, %dma_wait3A_97] : memref<163840x8xf32, #tpu.memory_space<hbm>> -> memref<1000x8xf32, #tpu.memory_space<hbm>>
    tpu.wait_dma2 semaphore(%arg16 : memref<!tpu.dma_semaphore, #tpu.memory_space<semaphore_mem>>) src(%arg12 : memref<1000x8xf32, #tpu.memory_space<vmem>>) dst(%dma_wait3A_98 : memref<1000x8xf32, #tpu.memory_space<hbm>>)
    %add3A_99 = arith.constant 3000 : i32
    %add3A_100 = arith.addi %mul3A_2, %add3A_99 : i32
    %multiple_of3A_101 = tpu.assume_multiple %add3A_100, 8 : i32
    %add3A_102 = arith.constant 0 : i32
    %add3A_103 = arith.addi %add3A_102, %multiple_of3A_101 : i32
    %multiple_of3A_104 = tpu.assume_multiple %add3A_103, 8 : i32
    %run_scoped3A_105 = arith.constant 0 : i32
    "tpu.region"() ({
      %run_scoped3A_179 = tpu.sem_alloc : memref<!tpu.dma_semaphore, #tpu.memory_space<semaphore_mem>>
      %dma_start3A_180 = tpu.memref_slice %arg4[%run_scoped3A_105, %multiple_of3A_104] : memref<2x320000xi32, #tpu.memory_space<hbm>> -> memref<1x1000xi32, #tpu.memory_space<hbm>>
      %dma_start3A_181 = tpu.memref_squeeze %dma_start3A_180 : memref<1x1000xi32, #tpu.memory_space<hbm>> -> memref<1000xi32, #tpu.memory_space<hbm>>
      %dma_start3A_182 = tpu.memref_slice %arg4[%run_scoped3A_105, %multiple_of3A_104] : memref<2x320000xi32, #tpu.memory_space<hbm>> -> memref<1x1000xi32, #tpu.memory_space<hbm>>
      %dma_start3A_183 = tpu.memref_squeeze %dma_start3A_182 : memref<1x1000xi32, #tpu.memory_space<hbm>> -> memref<1000xi32, #tpu.memory_space<hbm>>
      tpu.enqueue_dma source(%dma_start3A_183 : memref<1000xi32, #tpu.memory_space<hbm>>) target(%arg7 : memref<1000xi32, #tpu.memory_space<vmem>>) target_semaphore(%run_scoped3A_179 : memref<!tpu.dma_semaphore, #tpu.memory_space<semaphore_mem>>)
      %dma_wait3A_184 = tpu.memref_slice %arg4[%run_scoped3A_105, %multiple_of3A_104] : memref<2x320000xi32, #tpu.memory_space<hbm>> -> memref<1x1000xi32, #tpu.memory_space<hbm>>
      %dma_wait3A_185 = tpu.memref_squeeze %dma_wait3A_184 : memref<1x1000xi32, #tpu.memory_space<hbm>> -> memref<1000xi32, #tpu.memory_space<hbm>>
      %dma_wait3A_186 = tpu.memref_slice %arg4[%run_scoped3A_105, %multiple_of3A_104] : memref<2x320000xi32, #tpu.memory_space<hbm>> -> memref<1x1000xi32, #tpu.memory_space<hbm>>
      %dma_wait3A_187 = tpu.memref_squeeze %dma_wait3A_186 : memref<1x1000xi32, #tpu.memory_space<hbm>> -> memref<1000xi32, #tpu.memory_space<hbm>>
      tpu.wait_dma2 semaphore(%run_scoped3A_179 : memref<!tpu.dma_semaphore, #tpu.memory_space<semaphore_mem>>) src(%dma_wait3A_187 : memref<1000xi32, #tpu.memory_space<hbm>>) dst(%arg7 : memref<1000xi32, #tpu.memory_space<vmem>>)
      tpu.yield
    }) : () -> ()
    %run_scoped3A_106 = arith.constant 1 : i32
    "tpu.region"() ({
      %run_scoped3A_179 = tpu.sem_alloc : memref<!tpu.dma_semaphore, #tpu.memory_space<semaphore_mem>>
      %dma_start3A_180 = tpu.memref_slice %arg4[%run_scoped3A_106, %multiple_of3A_104] : memref<2x320000xi32, #tpu.memory_space<hbm>> -> memref<1x1000xi32, #tpu.memory_space<hbm>>
      %dma_start3A_181 = tpu.memref_squeeze %dma_start3A_180 : memref<1x1000xi32, #tpu.memory_space<hbm>> -> memref<1000xi32, #tpu.memory_space<hbm>>
      %dma_start3A_182 = tpu.memref_slice %arg4[%run_scoped3A_106, %multiple_of3A_104] : memref<2x320000xi32, #tpu.memory_space<hbm>> -> memref<1x1000xi32, #tpu.memory_space<hbm>>
      %dma_start3A_183 = tpu.memref_squeeze %dma_start3A_182 : memref<1x1000xi32, #tpu.memory_space<hbm>> -> memref<1000xi32, #tpu.memory_space<hbm>>
      tpu.enqueue_dma source(%dma_start3A_183 : memref<1000xi32, #tpu.memory_space<hbm>>) target(%arg8 : memref<1000xi32, #tpu.memory_space<vmem>>) target_semaphore(%run_scoped3A_179 : memref<!tpu.dma_semaphore, #tpu.memory_space<semaphore_mem>>)
      %dma_wait3A_184 = tpu.memref_slice %arg4[%run_scoped3A_106, %multiple_of3A_104] : memref<2x320000xi32, #tpu.memory_space<hbm>> -> memref<1x1000xi32, #tpu.memory_space<hbm>>
      %dma_wait3A_185 = tpu.memref_squeeze %dma_wait3A_184 : memref<1x1000xi32, #tpu.memory_space<hbm>> -> memref<1000xi32, #tpu.memory_space<hbm>>
      %dma_wait3A_186 = tpu.memref_slice %arg4[%run_scoped3A_106, %multiple_of3A_104] : memref<2x320000xi32, #tpu.memory_space<hbm>> -> memref<1x1000xi32, #tpu.memory_space<hbm>>
      %dma_wait3A_187 = tpu.memref_squeeze %dma_wait3A_186 : memref<1x1000xi32, #tpu.memory_space<hbm>> -> memref<1000xi32, #tpu.memory_space<hbm>>
      tpu.wait_dma2 semaphore(%run_scoped3A_179 : memref<!tpu.dma_semaphore, #tpu.memory_space<semaphore_mem>>) src(%dma_wait3A_187 : memref<1000xi32, #tpu.memory_space<hbm>>) dst(%arg8 : memref<1000xi32, #tpu.memory_space<vmem>>)
      tpu.yield
    }) : () -> ()
    %dma_start3A_107 = arith.constant 0 : i32
    %dma_start3A_108 = arith.constant 0 : i32
    %dma_start3A_109 = tpu.memref_slice %arg2[%dma_start3A_107, %dma_start3A_108] : memref<10112x8xf32, #tpu.memory_space<hbm>> -> memref<10112x8xf32, #tpu.memory_space<hbm>>
    tpu.enqueue_indirect_dma source(%dma_start3A_109 : memref<10112x8xf32, #tpu.memory_space<hbm>>) target(%arg11 : memref<1000x8xf32, #tpu.memory_space<vmem>>) offsets(%arg7 : memref<1000xi32, #tpu.memory_space<vmem>>) semaphore(%arg13 : memref<!tpu.dma_semaphore, #tpu.memory_space<semaphore_mem>>)
    %dma_start3A_110 = arith.constant 0 : i32
    %dma_start3A_111 = arith.constant 0 : i32
    %dma_start3A_112 = tpu.memref_slice %arg3[%dma_start3A_110, %dma_start3A_111] : memref<10112x8xf32, #tpu.memory_space<hbm>> -> memref<10112x8xf32, #tpu.memory_space<hbm>>
    tpu.enqueue_indirect_dma source(%dma_start3A_112 : memref<10112x8xf32, #tpu.memory_space<hbm>>) target(%arg12 : memref<1000x8xf32, #tpu.memory_space<vmem>>) offsets(%arg8 : memref<1000xi32, #tpu.memory_space<vmem>>) semaphore(%arg14 : memref<!tpu.dma_semaphore, #tpu.memory_space<semaphore_mem>>)
    %dma_wait3A_113 = arith.constant 0 : i32
    %dma_wait3A_114 = arith.constant 0 : i32
    %dma_wait3A_115 = tpu.memref_slice %arg2[%dma_wait3A_113, %dma_wait3A_114] : memref<10112x8xf32, #tpu.memory_space<hbm>> -> memref<10112x8xf32, #tpu.memory_space<hbm>>
    tpu.wait_indirect_dma semaphore(%arg13 : memref<!tpu.dma_semaphore, #tpu.memory_space<semaphore_mem>>) src(%dma_wait3A_115 : memref<10112x8xf32, #tpu.memory_space<hbm>>) dst(%arg11 : memref<1000x8xf32, #tpu.memory_space<vmem>>)
    %dma_wait3A_116 = arith.constant 0 : i32
    %dma_wait3A_117 = arith.constant 0 : i32
    %dma_wait3A_118 = tpu.memref_slice %arg3[%dma_wait3A_116, %dma_wait3A_117] : memref<10112x8xf32, #tpu.memory_space<hbm>> -> memref<10112x8xf32, #tpu.memory_space<hbm>>
    tpu.wait_indirect_dma semaphore(%arg14 : memref<!tpu.dma_semaphore, #tpu.memory_space<semaphore_mem>>) src(%dma_wait3A_118 : memref<10112x8xf32, #tpu.memory_space<hbm>>) dst(%arg12 : memref<1000x8xf32, #tpu.memory_space<vmem>>)
    %dma_start3A_119 = arith.constant 0 : i32
    %dma_start3A_120 = tpu.memref_slice %arg5[%multiple_of3A_101, %dma_start3A_119] : memref<163840x8xf32, #tpu.memory_space<hbm>> -> memref<1000x8xf32, #tpu.memory_space<hbm>>
    %dma_start3A_121 = arith.constant 0 : i32
    %dma_start3A_122 = tpu.memref_slice %arg5[%multiple_of3A_101, %dma_start3A_121] : memref<163840x8xf32, #tpu.memory_space<hbm>> -> memref<1000x8xf32, #tpu.memory_space<hbm>>
    tpu.enqueue_dma source(%arg11 : memref<1000x8xf32, #tpu.memory_space<vmem>>) target(%dma_start3A_122 : memref<1000x8xf32, #tpu.memory_space<hbm>>) target_semaphore(%arg16 : memref<!tpu.dma_semaphore, #tpu.memory_space<semaphore_mem>>)
    %dma_start3A_123 = arith.constant 0 : i32
    %dma_start3A_124 = tpu.memref_slice %arg6[%multiple_of3A_101, %dma_start3A_123] : memref<163840x8xf32, #tpu.memory_space<hbm>> -> memref<1000x8xf32, #tpu.memory_space<hbm>>
    %dma_start3A_125 = arith.constant 0 : i32
    %dma_start3A_126 = tpu.memref_slice %arg6[%multiple_of3A_101, %dma_start3A_125] : memref<163840x8xf32, #tpu.memory_space<hbm>> -> memref<1000x8xf32, #tpu.memory_space<hbm>>
    tpu.enqueue_dma source(%arg12 : memref<1000x8xf32, #tpu.memory_space<vmem>>) target(%dma_start3A_126 : memref<1000x8xf32, #tpu.memory_space<hbm>>) target_semaphore(%arg16 : memref<!tpu.dma_semaphore, #tpu.memory_space<semaphore_mem>>)
    %dma_wait3A_127 = arith.constant 0 : i32
    %dma_wait3A_128 = tpu.memref_slice %arg5[%multiple_of3A_65, %dma_wait3A_127] : memref<163840x8xf32, #tpu.memory_space<hbm>> -> memref<1000x8xf32, #tpu.memory_space<hbm>>
    %dma_wait3A_129 = arith.constant 0 : i32
    %dma_wait3A_130 = tpu.memref_slice %arg5[%multiple_of3A_65, %dma_wait3A_129] : memref<163840x8xf32, #tpu.memory_space<hbm>> -> memref<1000x8xf32, #tpu.memory_space<hbm>>
    tpu.wait_dma2 semaphore(%arg15 : memref<!tpu.dma_semaphore, #tpu.memory_space<semaphore_mem>>) src(%arg9 : memref<1000x8xf32, #tpu.memory_space<vmem>>) dst(%dma_wait3A_130 : memref<1000x8xf32, #tpu.memory_space<hbm>>)
    %dma_wait3A_131 = arith.constant 0 : i32
    %dma_wait3A_132 = tpu.memref_slice %arg6[%multiple_of3A_65, %dma_wait3A_131] : memref<163840x8xf32, #tpu.memory_space<hbm>> -> memref<1000x8xf32, #tpu.memory_space<hbm>>
    %dma_wait3A_133 = arith.constant 0 : i32
    %dma_wait3A_134 = tpu.memref_slice %arg6[%multiple_of3A_65, %dma_wait3A_133] : memref<163840x8xf32, #tpu.memory_space<hbm>> -> memref<1000x8xf32, #tpu.memory_space<hbm>>
    tpu.wait_dma2 semaphore(%arg15 : memref<!tpu.dma_semaphore, #tpu.memory_space<semaphore_mem>>) src(%arg10 : memref<1000x8xf32, #tpu.memory_space<vmem>>) dst(%dma_wait3A_134 : memref<1000x8xf32, #tpu.memory_space<hbm>>)
    %add3A_135 = arith.constant 4000 : i32
    %add3A_136 = arith.addi %mul3A_2, %add3A_135 : i32
    %multiple_of3A_137 = tpu.assume_multiple %add3A_136, 8 : i32
    %add3A_138 = arith.constant 0 : i32
    %add3A_139 = arith.addi %add3A_138, %multiple_of3A_137 : i32
    %multiple_of3A_140 = tpu.assume_multiple %add3A_139, 8 : i32
    %run_scoped3A_141 = arith.constant 0 : i32
    "tpu.region"() ({
      %run_scoped3A_179 = tpu.sem_alloc : memref<!tpu.dma_semaphore, #tpu.memory_space<semaphore_mem>>
      %dma_start3A_180 = tpu.memref_slice %arg4[%run_scoped3A_141, %multiple_of3A_140] : memref<2x320000xi32, #tpu.memory_space<hbm>> -> memref<1x1000xi32, #tpu.memory_space<hbm>>
      %dma_start3A_181 = tpu.memref_squeeze %dma_start3A_180 : memref<1x1000xi32, #tpu.memory_space<hbm>> -> memref<1000xi32, #tpu.memory_space<hbm>>
      %dma_start3A_182 = tpu.memref_slice %arg4[%run_scoped3A_141, %multiple_of3A_140] : memref<2x320000xi32, #tpu.memory_space<hbm>> -> memref<1x1000xi32, #tpu.memory_space<hbm>>
      %dma_start3A_183 = tpu.memref_squeeze %dma_start3A_182 : memref<1x1000xi32, #tpu.memory_space<hbm>> -> memref<1000xi32, #tpu.memory_space<hbm>>
      tpu.enqueue_dma source(%dma_start3A_183 : memref<1000xi32, #tpu.memory_space<hbm>>) target(%arg7 : memref<1000xi32, #tpu.memory_space<vmem>>) target_semaphore(%run_scoped3A_179 : memref<!tpu.dma_semaphore, #tpu.memory_space<semaphore_mem>>)
      %dma_wait3A_184 = tpu.memref_slice %arg4[%run_scoped3A_141, %multiple_of3A_140] : memref<2x320000xi32, #tpu.memory_space<hbm>> -> memref<1x1000xi32, #tpu.memory_space<hbm>>
      %dma_wait3A_185 = tpu.memref_squeeze %dma_wait3A_184 : memref<1x1000xi32, #tpu.memory_space<hbm>> -> memref<1000xi32, #tpu.memory_space<hbm>>
      %dma_wait3A_186 = tpu.memref_slice %arg4[%run_scoped3A_141, %multiple_of3A_140] : memref<2x320000xi32, #tpu.memory_space<hbm>> -> memref<1x1000xi32, #tpu.memory_space<hbm>>
      %dma_wait3A_187 = tpu.memref_squeeze %dma_wait3A_186 : memref<1x1000xi32, #tpu.memory_space<hbm>> -> memref<1000xi32, #tpu.memory_space<hbm>>
      tpu.wait_dma2 semaphore(%run_scoped3A_179 : memref<!tpu.dma_semaphore, #tpu.memory_space<semaphore_mem>>) src(%dma_wait3A_187 : memref<1000xi32, #tpu.memory_space<hbm>>) dst(%arg7 : memref<1000xi32, #tpu.memory_space<vmem>>)
      tpu.yield
    }) : () -> ()
    %run_scoped3A_142 = arith.constant 1 : i32
    "tpu.region"() ({
      %run_scoped3A_179 = tpu.sem_alloc : memref<!tpu.dma_semaphore, #tpu.memory_space<semaphore_mem>>
      %dma_start3A_180 = tpu.memref_slice %arg4[%run_scoped3A_142, %multiple_of3A_140] : memref<2x320000xi32, #tpu.memory_space<hbm>> -> memref<1x1000xi32, #tpu.memory_space<hbm>>
      %dma_start3A_181 = tpu.memref_squeeze %dma_start3A_180 : memref<1x1000xi32, #tpu.memory_space<hbm>> -> memref<1000xi32, #tpu.memory_space<hbm>>
      %dma_start3A_182 = tpu.memref_slice %arg4[%run_scoped3A_142, %multiple_of3A_140] : memref<2x320000xi32, #tpu.memory_space<hbm>> -> memref<1x1000xi32, #tpu.memory_space<hbm>>
      %dma_start3A_183 = tpu.memref_squeeze %dma_start3A_182 : memref<1x1000xi32, #tpu.memory_space<hbm>> -> memref<1000xi32, #tpu.memory_space<hbm>>
      tpu.enqueue_dma source(%dma_start3A_183 : memref<1000xi32, #tpu.memory_space<hbm>>) target(%arg8 : memref<1000xi32, #tpu.memory_space<vmem>>) target_semaphore(%run_scoped3A_179 : memref<!tpu.dma_semaphore, #tpu.memory_space<semaphore_mem>>)
      %dma_wait3A_184 = tpu.memref_slice %arg4[%run_scoped3A_142, %multiple_of3A_140] : memref<2x320000xi32, #tpu.memory_space<hbm>> -> memref<1x1000xi32, #tpu.memory_space<hbm>>
      %dma_wait3A_185 = tpu.memref_squeeze %dma_wait3A_184 : memref<1x1000xi32, #tpu.memory_space<hbm>> -> memref<1000xi32, #tpu.memory_space<hbm>>
      %dma_wait3A_186 = tpu.memref_slice %arg4[%run_scoped3A_142, %multiple_of3A_140] : memref<2x320000xi32, #tpu.memory_space<hbm>> -> memref<1x1000xi32, #tpu.memory_space<hbm>>
      %dma_wait3A_187 = tpu.memref_squeeze %dma_wait3A_186 : memref<1x1000xi32, #tpu.memory_space<hbm>> -> memref<1000xi32, #tpu.memory_space<hbm>>
      tpu.wait_dma2 semaphore(%run_scoped3A_179 : memref<!tpu.dma_semaphore, #tpu.memory_space<semaphore_mem>>) src(%dma_wait3A_187 : memref<1000xi32, #tpu.memory_space<hbm>>) dst(%arg8 : memref<1000xi32, #tpu.memory_space<vmem>>)
      tpu.yield
    }) : () -> ()
    %dma_start3A_143 = arith.constant 0 : i32
    %dma_start3A_144 = arith.constant 0 : i32
    %dma_start3A_145 = tpu.memref_slice %arg2[%dma_start3A_143, %dma_start3A_144] : memref<10112x8xf32, #tpu.memory_space<hbm>> -> memref<10112x8xf32, #tpu.memory_space<hbm>>
    tpu.enqueue_indirect_dma source(%dma_start3A_145 : memref<10112x8xf32, #tpu.memory_space<hbm>>) target(%arg9 : memref<1000x8xf32, #tpu.memory_space<vmem>>) offsets(%arg7 : memref<1000xi32, #tpu.memory_space<vmem>>) semaphore(%arg13 : memref<!tpu.dma_semaphore, #tpu.memory_space<semaphore_mem>>)
    %dma_start3A_146 = arith.constant 0 : i32
    %dma_start3A_147 = arith.constant 0 : i32
    %dma_start3A_148 = tpu.memref_slice %arg3[%dma_start3A_146, %dma_start3A_147] : memref<10112x8xf32, #tpu.memory_space<hbm>> -> memref<10112x8xf32, #tpu.memory_space<hbm>>
    tpu.enqueue_indirect_dma source(%dma_start3A_148 : memref<10112x8xf32, #tpu.memory_space<hbm>>) target(%arg10 : memref<1000x8xf32, #tpu.memory_space<vmem>>) offsets(%arg8 : memref<1000xi32, #tpu.memory_space<vmem>>) semaphore(%arg14 : memref<!tpu.dma_semaphore, #tpu.memory_space<semaphore_mem>>)
    %dma_wait3A_149 = arith.constant 0 : i32
    %dma_wait3A_150 = arith.constant 0 : i32
    %dma_wait3A_151 = tpu.memref_slice %arg2[%dma_wait3A_149, %dma_wait3A_150] : memref<10112x8xf32, #tpu.memory_space<hbm>> -> memref<10112x8xf32, #tpu.memory_space<hbm>>
    tpu.wait_indirect_dma semaphore(%arg13 : memref<!tpu.dma_semaphore, #tpu.memory_space<semaphore_mem>>) src(%dma_wait3A_151 : memref<10112x8xf32, #tpu.memory_space<hbm>>) dst(%arg9 : memref<1000x8xf32, #tpu.memory_space<vmem>>)
    %dma_wait3A_152 = arith.constant 0 : i32
    %dma_wait3A_153 = arith.constant 0 : i32
    %dma_wait3A_154 = tpu.memref_slice %arg3[%dma_wait3A_152, %dma_wait3A_153] : memref<10112x8xf32, #tpu.memory_space<hbm>> -> memref<10112x8xf32, #tpu.memory_space<hbm>>
    tpu.wait_indirect_dma semaphore(%arg14 : memref<!tpu.dma_semaphore, #tpu.memory_space<semaphore_mem>>) src(%dma_wait3A_154 : memref<10112x8xf32, #tpu.memory_space<hbm>>) dst(%arg10 : memref<1000x8xf32, #tpu.memory_space<vmem>>)
    %dma_start3A_155 = arith.constant 0 : i32
    %dma_start3A_156 = tpu.memref_slice %arg5[%multiple_of3A_137, %dma_start3A_155] : memref<163840x8xf32, #tpu.memory_space<hbm>> -> memref<1000x8xf32, #tpu.memory_space<hbm>>
    %dma_start3A_157 = arith.constant 0 : i32
    %dma_start3A_158 = tpu.memref_slice %arg5[%multiple_of3A_137, %dma_start3A_157] : memref<163840x8xf32, #tpu.memory_space<hbm>> -> memref<1000x8xf32, #tpu.memory_space<hbm>>
    tpu.enqueue_dma source(%arg9 : memref<1000x8xf32, #tpu.memory_space<vmem>>) target(%dma_start3A_158 : memref<1000x8xf32, #tpu.memory_space<hbm>>) target_semaphore(%arg15 : memref<!tpu.dma_semaphore, #tpu.memory_space<semaphore_mem>>)
    %dma_start3A_159 = arith.constant 0 : i32
    %dma_start3A_160 = tpu.memref_slice %arg6[%multiple_of3A_137, %dma_start3A_159] : memref<163840x8xf32, #tpu.memory_space<hbm>> -> memref<1000x8xf32, #tpu.memory_space<hbm>>
    %dma_start3A_161 = arith.constant 0 : i32
    %dma_start3A_162 = tpu.memref_slice %arg6[%multiple_of3A_137, %dma_start3A_161] : memref<163840x8xf32, #tpu.memory_space<hbm>> -> memref<1000x8xf32, #tpu.memory_space<hbm>>
    tpu.enqueue_dma source(%arg10 : memref<1000x8xf32, #tpu.memory_space<vmem>>) target(%dma_start3A_162 : memref<1000x8xf32, #tpu.memory_space<hbm>>) target_semaphore(%arg15 : memref<!tpu.dma_semaphore, #tpu.memory_space<semaphore_mem>>)
    %dma_wait3A_163 = arith.constant 0 : i32
    %dma_wait3A_164 = tpu.memref_slice %arg5[%multiple_of3A_137, %dma_wait3A_163] : memref<163840x8xf32, #tpu.memory_space<hbm>> -> memref<1000x8xf32, #tpu.memory_space<hbm>>
    %dma_wait3A_165 = arith.constant 0 : i32
    %dma_wait3A_166 = tpu.memref_slice %arg5[%multiple_of3A_137, %dma_wait3A_165] : memref<163840x8xf32, #tpu.memory_space<hbm>> -> memref<1000x8xf32, #tpu.memory_space<hbm>>
    tpu.wait_dma2 semaphore(%arg15 : memref<!tpu.dma_semaphore, #tpu.memory_space<semaphore_mem>>) src(%arg9 : memref<1000x8xf32, #tpu.memory_space<vmem>>) dst(%dma_wait3A_166 : memref<1000x8xf32, #tpu.memory_space<hbm>>)
    %dma_wait3A_167 = arith.constant 0 : i32
    %dma_wait3A_168 = tpu.memref_slice %arg6[%multiple_of3A_137, %dma_wait3A_167] : memref<163840x8xf32, #tpu.memory_space<hbm>> -> memref<1000x8xf32, #tpu.memory_space<hbm>>
    %dma_wait3A_169 = arith.constant 0 : i32
    %dma_wait3A_170 = tpu.memref_slice %arg6[%multiple_of3A_137, %dma_wait3A_169] : memref<163840x8xf32, #tpu.memory_space<hbm>> -> memref<1000x8xf32, #tpu.memory_space<hbm>>
    tpu.wait_dma2 semaphore(%arg15 : memref<!tpu.dma_semaphore, #tpu.memory_space<semaphore_mem>>) src(%arg10 : memref<1000x8xf32, #tpu.memory_space<vmem>>) dst(%dma_wait3A_170 : memref<1000x8xf32, #tpu.memory_space<hbm>>)
    %dma_wait3A_171 = arith.constant 0 : i32
    %dma_wait3A_172 = tpu.memref_slice %arg5[%multiple_of3A_101, %dma_wait3A_171] : memref<163840x8xf32, #tpu.memory_space<hbm>> -> memref<1000x8xf32, #tpu.memory_space<hbm>>
    %dma_wait3A_173 = arith.constant 0 : i32
    %dma_wait3A_174 = tpu.memref_slice %arg5[%multiple_of3A_101, %dma_wait3A_173] : memref<163840x8xf32, #tpu.memory_space<hbm>> -> memref<1000x8xf32, #tpu.memory_space<hbm>>
    tpu.wait_dma2 semaphore(%arg16 : memref<!tpu.dma_semaphore, #tpu.memory_space<semaphore_mem>>) src(%arg11 : memref<1000x8xf32, #tpu.memory_space<vmem>>) dst(%dma_wait3A_174 : memref<1000x8xf32, #tpu.memory_space<hbm>>)
    %dma_wait3A_175 = arith.constant 0 : i32
    %dma_wait3A_176 = tpu.memref_slice %arg6[%multiple_of3A_101, %dma_wait3A_175] : memref<163840x8xf32, #tpu.memory_space<hbm>> -> memref<1000x8xf32, #tpu.memory_space<hbm>>
    %dma_wait3A_177 = arith.constant 0 : i32
    %dma_wait3A_178 = tpu.memref_slice %arg6[%multiple_of3A_101, %dma_wait3A_177] : memref<163840x8xf32, #tpu.memory_space<hbm>> -> memref<1000x8xf32, #tpu.memory_space<hbm>>
    tpu.wait_dma2 semaphore(%arg16 : memref<!tpu.dma_semaphore, #tpu.memory_space<semaphore_mem>>) src(%arg12 : memref<1000x8xf32, #tpu.memory_space<vmem>>) dst(%dma_wait3A_178 : memref<1000x8xf32, #tpu.memory_space<hbm>>)
    return
  }
}

#map = affine_map<(d0, d1) -> (0, 0)>
module attributes {stable_mosaic.version = 14 : i64} {
  func.func @gather_k(%arg0: i32, %arg1: i32, %arg2: memref<10112x8xf32, #tpu.memory_space<hbm>>, %arg3: memref<10112x8xf32, #tpu.memory_space<hbm>>, %arg4: memref<2x320000xi32, #tpu.memory_space<hbm>>, %arg5: memref<163840x8xf32, #tpu.memory_space<hbm>>, %arg6: memref<163840x8xf32, #tpu.memory_space<hbm>>, %arg7: memref<1000xi32, #tpu.memory_space<vmem>>, %arg8: memref<1000xi32, #tpu.memory_space<vmem>>, %arg9: memref<1000x8xf32, #tpu.memory_space<vmem>>, %arg10: memref<1000x8xf32, #tpu.memory_space<vmem>>, %arg11: memref<1000x8xf32, #tpu.memory_space<vmem>>, %arg12: memref<1000x8xf32, #tpu.memory_space<vmem>>, %arg13: memref<!tpu.dma_semaphore, #tpu.memory_space<semaphore_mem>>, %arg14: memref<!tpu.dma_semaphore, #tpu.memory_space<semaphore_mem>>, %arg15: memref<!tpu.dma_semaphore, #tpu.memory_space<semaphore_mem>>, %arg16: memref<!tpu.dma_semaphore, #tpu.memory_space<semaphore_mem>>) attributes {dimension_semantics = [#tpu.dimension_semantics<core_parallel>, #tpu.dimension_semantics<subcore_parallel>], iteration_bounds = array<i64: 2, 16>, scalar_prefetch = 0 : i64, scratch_operands = 10 : i64, tpu.core_type = #tpu.core_type<sc_vector_subcore>, window_params = [{transform_indices = #map}, {transform_indices = #map}, {transform_indices = #map}, {transform_indices = #map}, {transform_indices = #map}]} {
    %mul3A = arith.constant 2 : i32
    %mul3A_0 = arith.muli %arg1, %mul3A : i32
    %add3A = arith.addi %mul3A_0, %arg0 : i32
    %mul3A_1 = arith.constant 5000 : i32
    %mul3A_2 = arith.muli %add3A, %mul3A_1 : i32
    %add3A_3 = arith.constant 0 : i32
    %add3A_4 = arith.addi %mul3A_2, %add3A_3 : i32
    %multiple_of3A = tpu.assume_multiple %add3A_4, 8 : i32
    %add3A_5 = arith.constant 160000 : i32
    %add3A_6 = arith.addi %add3A_5, %multiple_of3A : i32
    %multiple_of3A_7 = tpu.assume_multiple %add3A_6, 8 : i32
    %run_scoped3A = arith.constant 0 : i32
    "tpu.region"() ({
      %run_scoped3A_179 = tpu.sem_alloc : memref<!tpu.dma_semaphore, #tpu.memory_space<semaphore_mem>>
      %dma_start3A_180 = tpu.memref_slice %arg4[%run_scoped3A, %multiple_of3A_7] : memref<2x320000xi32, #tpu.memory_space<hbm>> -> memref<1x1000xi32, #tpu.memory_space<hbm>>
      %dma_start3A_181 = tpu.memref_squeeze %dma_start3A_180 : memref<1x1000xi32, #tpu.memory_space<hbm>> -> memref<1000xi32, #tpu.memory_space<hbm>>
      %dma_start3A_182 = tpu.memref_slice %arg4[%run_scoped3A, %multiple_of3A_7] : memref<2x320000xi32, #tpu.memory_space<hbm>> -> memref<1x1000xi32, #tpu.memory_space<hbm>>
      %dma_start3A_183 = tpu.memref_squeeze %dma_start3A_182 : memref<1x1000xi32, #tpu.memory_space<hbm>> -> memref<1000xi32, #tpu.memory_space<hbm>>
      tpu.enqueue_dma source(%dma_start3A_183 : memref<1000xi32, #tpu.memory_space<hbm>>) target(%arg7 : memref<1000xi32, #tpu.memory_space<vmem>>) target_semaphore(%run_scoped3A_179 : memref<!tpu.dma_semaphore, #tpu.memory_space<semaphore_mem>>)
      %dma_wait3A_184 = tpu.memref_slice %arg4[%run_scoped3A, %multiple_of3A_7] : memref<2x320000xi32, #tpu.memory_space<hbm>> -> memref<1x1000xi32, #tpu.memory_space<hbm>>
      %dma_wait3A_185 = tpu.memref_squeeze %dma_wait3A_184 : memref<1x1000xi32, #tpu.memory_space<hbm>> -> memref<1000xi32, #tpu.memory_space<hbm>>
      %dma_wait3A_186 = tpu.memref_slice %arg4[%run_scoped3A, %multiple_of3A_7] : memref<2x320000xi32, #tpu.memory_space<hbm>> -> memref<1x1000xi32, #tpu.memory_space<hbm>>
      %dma_wait3A_187 = tpu.memref_squeeze %dma_wait3A_186 : memref<1x1000xi32, #tpu.memory_space<hbm>> -> memref<1000xi32, #tpu.memory_space<hbm>>
      tpu.wait_dma2 semaphore(%run_scoped3A_179 : memref<!tpu.dma_semaphore, #tpu.memory_space<semaphore_mem>>) src(%dma_wait3A_187 : memref<1000xi32, #tpu.memory_space<hbm>>) dst(%arg7 : memref<1000xi32, #tpu.memory_space<vmem>>)
      tpu.yield
    }) : () -> ()
    %run_scoped3A_8 = arith.constant 1 : i32
    "tpu.region"() ({
      %run_scoped3A_179 = tpu.sem_alloc : memref<!tpu.dma_semaphore, #tpu.memory_space<semaphore_mem>>
      %dma_start3A_180 = tpu.memref_slice %arg4[%run_scoped3A_8, %multiple_of3A_7] : memref<2x320000xi32, #tpu.memory_space<hbm>> -> memref<1x1000xi32, #tpu.memory_space<hbm>>
      %dma_start3A_181 = tpu.memref_squeeze %dma_start3A_180 : memref<1x1000xi32, #tpu.memory_space<hbm>> -> memref<1000xi32, #tpu.memory_space<hbm>>
      %dma_start3A_182 = tpu.memref_slice %arg4[%run_scoped3A_8, %multiple_of3A_7] : memref<2x320000xi32, #tpu.memory_space<hbm>> -> memref<1x1000xi32, #tpu.memory_space<hbm>>
      %dma_start3A_183 = tpu.memref_squeeze %dma_start3A_182 : memref<1x1000xi32, #tpu.memory_space<hbm>> -> memref<1000xi32, #tpu.memory_space<hbm>>
      tpu.enqueue_dma source(%dma_start3A_183 : memref<1000xi32, #tpu.memory_space<hbm>>) target(%arg8 : memref<1000xi32, #tpu.memory_space<vmem>>) target_semaphore(%run_scoped3A_179 : memref<!tpu.dma_semaphore, #tpu.memory_space<semaphore_mem>>)
      %dma_wait3A_184 = tpu.memref_slice %arg4[%run_scoped3A_8, %multiple_of3A_7] : memref<2x320000xi32, #tpu.memory_space<hbm>> -> memref<1x1000xi32, #tpu.memory_space<hbm>>
      %dma_wait3A_185 = tpu.memref_squeeze %dma_wait3A_184 : memref<1x1000xi32, #tpu.memory_space<hbm>> -> memref<1000xi32, #tpu.memory_space<hbm>>
      %dma_wait3A_186 = tpu.memref_slice %arg4[%run_scoped3A_8, %multiple_of3A_7] : memref<2x320000xi32, #tpu.memory_space<hbm>> -> memref<1x1000xi32, #tpu.memory_space<hbm>>
      %dma_wait3A_187 = tpu.memref_squeeze %dma_wait3A_186 : memref<1x1000xi32, #tpu.memory_space<hbm>> -> memref<1000xi32, #tpu.memory_space<hbm>>
      tpu.wait_dma2 semaphore(%run_scoped3A_179 : memref<!tpu.dma_semaphore, #tpu.memory_space<semaphore_mem>>) src(%dma_wait3A_187 : memref<1000xi32, #tpu.memory_space<hbm>>) dst(%arg8 : memref<1000xi32, #tpu.memory_space<vmem>>)
      tpu.yield
    }) : () -> ()
    %dma_start3A = arith.constant 0 : i32
    %dma_start3A_9 = arith.constant 0 : i32
    %dma_start3A_10 = tpu.memref_slice %arg2[%dma_start3A, %dma_start3A_9] : memref<10112x8xf32, #tpu.memory_space<hbm>> -> memref<10112x8xf32, #tpu.memory_space<hbm>>
    tpu.enqueue_indirect_dma source(%dma_start3A_10 : memref<10112x8xf32, #tpu.memory_space<hbm>>) target(%arg9 : memref<1000x8xf32, #tpu.memory_space<vmem>>) offsets(%arg7 : memref<1000xi32, #tpu.memory_space<vmem>>) semaphore(%arg13 : memref<!tpu.dma_semaphore, #tpu.memory_space<semaphore_mem>>)
    %dma_start3A_11 = arith.constant 0 : i32
    %dma_start3A_12 = arith.constant 0 : i32
    %dma_start3A_13 = tpu.memref_slice %arg3[%dma_start3A_11, %dma_start3A_12] : memref<10112x8xf32, #tpu.memory_space<hbm>> -> memref<10112x8xf32, #tpu.memory_space<hbm>>
    tpu.enqueue_indirect_dma source(%dma_start3A_13 : memref<10112x8xf32, #tpu.memory_space<hbm>>) target(%arg10 : memref<1000x8xf32, #tpu.memory_space<vmem>>) offsets(%arg8 : memref<1000xi32, #tpu.memory_space<vmem>>) semaphore(%arg14 : memref<!tpu.dma_semaphore, #tpu.memory_space<semaphore_mem>>)
    %dma_wait3A = arith.constant 0 : i32
    %dma_wait3A_14 = arith.constant 0 : i32
    %dma_wait3A_15 = tpu.memref_slice %arg2[%dma_wait3A, %dma_wait3A_14] : memref<10112x8xf32, #tpu.memory_space<hbm>> -> memref<10112x8xf32, #tpu.memory_space<hbm>>
    tpu.wait_indirect_dma semaphore(%arg13 : memref<!tpu.dma_semaphore, #tpu.memory_space<semaphore_mem>>) src(%dma_wait3A_15 : memref<10112x8xf32, #tpu.memory_space<hbm>>) dst(%arg9 : memref<1000x8xf32, #tpu.memory_space<vmem>>)
    %dma_wait3A_16 = arith.constant 0 : i32
    %dma_wait3A_17 = arith.constant 0 : i32
    %dma_wait3A_18 = tpu.memref_slice %arg3[%dma_wait3A_16, %dma_wait3A_17] : memref<10112x8xf32, #tpu.memory_space<hbm>> -> memref<10112x8xf32, #tpu.memory_space<hbm>>
    tpu.wait_indirect_dma semaphore(%arg14 : memref<!tpu.dma_semaphore, #tpu.memory_space<semaphore_mem>>) src(%dma_wait3A_18 : memref<10112x8xf32, #tpu.memory_space<hbm>>) dst(%arg10 : memref<1000x8xf32, #tpu.memory_space<vmem>>)
    %dma_start3A_19 = arith.constant 0 : i32
    %dma_start3A_20 = tpu.memref_slice %arg5[%multiple_of3A, %dma_start3A_19] : memref<163840x8xf32, #tpu.memory_space<hbm>> -> memref<1000x8xf32, #tpu.memory_space<hbm>>
    %dma_start3A_21 = arith.constant 0 : i32
    %dma_start3A_22 = tpu.memref_slice %arg5[%multiple_of3A, %dma_start3A_21] : memref<163840x8xf32, #tpu.memory_space<hbm>> -> memref<1000x8xf32, #tpu.memory_space<hbm>>
    tpu.enqueue_dma source(%arg9 : memref<1000x8xf32, #tpu.memory_space<vmem>>) target(%dma_start3A_22 : memref<1000x8xf32, #tpu.memory_space<hbm>>) target_semaphore(%arg15 : memref<!tpu.dma_semaphore, #tpu.memory_space<semaphore_mem>>)
    %dma_start3A_23 = arith.constant 0 : i32
    %dma_start3A_24 = tpu.memref_slice %arg6[%multiple_of3A, %dma_start3A_23] : memref<163840x8xf32, #tpu.memory_space<hbm>> -> memref<1000x8xf32, #tpu.memory_space<hbm>>
    %dma_start3A_25 = arith.constant 0 : i32
    %dma_start3A_26 = tpu.memref_slice %arg6[%multiple_of3A, %dma_start3A_25] : memref<163840x8xf32, #tpu.memory_space<hbm>> -> memref<1000x8xf32, #tpu.memory_space<hbm>>
    tpu.enqueue_dma source(%arg10 : memref<1000x8xf32, #tpu.memory_space<vmem>>) target(%dma_start3A_26 : memref<1000x8xf32, #tpu.memory_space<hbm>>) target_semaphore(%arg15 : memref<!tpu.dma_semaphore, #tpu.memory_space<semaphore_mem>>)
    %add3A_27 = arith.constant 1000 : i32
    %add3A_28 = arith.addi %mul3A_2, %add3A_27 : i32
    %multiple_of3A_29 = tpu.assume_multiple %add3A_28, 8 : i32
    %add3A_30 = arith.constant 160000 : i32
    %add3A_31 = arith.addi %add3A_30, %multiple_of3A_29 : i32
    %multiple_of3A_32 = tpu.assume_multiple %add3A_31, 8 : i32
    %run_scoped3A_33 = arith.constant 0 : i32
    "tpu.region"() ({
      %run_scoped3A_179 = tpu.sem_alloc : memref<!tpu.dma_semaphore, #tpu.memory_space<semaphore_mem>>
      %dma_start3A_180 = tpu.memref_slice %arg4[%run_scoped3A_33, %multiple_of3A_32] : memref<2x320000xi32, #tpu.memory_space<hbm>> -> memref<1x1000xi32, #tpu.memory_space<hbm>>
      %dma_start3A_181 = tpu.memref_squeeze %dma_start3A_180 : memref<1x1000xi32, #tpu.memory_space<hbm>> -> memref<1000xi32, #tpu.memory_space<hbm>>
      %dma_start3A_182 = tpu.memref_slice %arg4[%run_scoped3A_33, %multiple_of3A_32] : memref<2x320000xi32, #tpu.memory_space<hbm>> -> memref<1x1000xi32, #tpu.memory_space<hbm>>
      %dma_start3A_183 = tpu.memref_squeeze %dma_start3A_182 : memref<1x1000xi32, #tpu.memory_space<hbm>> -> memref<1000xi32, #tpu.memory_space<hbm>>
      tpu.enqueue_dma source(%dma_start3A_183 : memref<1000xi32, #tpu.memory_space<hbm>>) target(%arg7 : memref<1000xi32, #tpu.memory_space<vmem>>) target_semaphore(%run_scoped3A_179 : memref<!tpu.dma_semaphore, #tpu.memory_space<semaphore_mem>>)
      %dma_wait3A_184 = tpu.memref_slice %arg4[%run_scoped3A_33, %multiple_of3A_32] : memref<2x320000xi32, #tpu.memory_space<hbm>> -> memref<1x1000xi32, #tpu.memory_space<hbm>>
      %dma_wait3A_185 = tpu.memref_squeeze %dma_wait3A_184 : memref<1x1000xi32, #tpu.memory_space<hbm>> -> memref<1000xi32, #tpu.memory_space<hbm>>
      %dma_wait3A_186 = tpu.memref_slice %arg4[%run_scoped3A_33, %multiple_of3A_32] : memref<2x320000xi32, #tpu.memory_space<hbm>> -> memref<1x1000xi32, #tpu.memory_space<hbm>>
      %dma_wait3A_187 = tpu.memref_squeeze %dma_wait3A_186 : memref<1x1000xi32, #tpu.memory_space<hbm>> -> memref<1000xi32, #tpu.memory_space<hbm>>
      tpu.wait_dma2 semaphore(%run_scoped3A_179 : memref<!tpu.dma_semaphore, #tpu.memory_space<semaphore_mem>>) src(%dma_wait3A_187 : memref<1000xi32, #tpu.memory_space<hbm>>) dst(%arg7 : memref<1000xi32, #tpu.memory_space<vmem>>)
      tpu.yield
    }) : () -> ()
    %run_scoped3A_34 = arith.constant 1 : i32
    "tpu.region"() ({
      %run_scoped3A_179 = tpu.sem_alloc : memref<!tpu.dma_semaphore, #tpu.memory_space<semaphore_mem>>
      %dma_start3A_180 = tpu.memref_slice %arg4[%run_scoped3A_34, %multiple_of3A_32] : memref<2x320000xi32, #tpu.memory_space<hbm>> -> memref<1x1000xi32, #tpu.memory_space<hbm>>
      %dma_start3A_181 = tpu.memref_squeeze %dma_start3A_180 : memref<1x1000xi32, #tpu.memory_space<hbm>> -> memref<1000xi32, #tpu.memory_space<hbm>>
      %dma_start3A_182 = tpu.memref_slice %arg4[%run_scoped3A_34, %multiple_of3A_32] : memref<2x320000xi32, #tpu.memory_space<hbm>> -> memref<1x1000xi32, #tpu.memory_space<hbm>>
      %dma_start3A_183 = tpu.memref_squeeze %dma_start3A_182 : memref<1x1000xi32, #tpu.memory_space<hbm>> -> memref<1000xi32, #tpu.memory_space<hbm>>
      tpu.enqueue_dma source(%dma_start3A_183 : memref<1000xi32, #tpu.memory_space<hbm>>) target(%arg8 : memref<1000xi32, #tpu.memory_space<vmem>>) target_semaphore(%run_scoped3A_179 : memref<!tpu.dma_semaphore, #tpu.memory_space<semaphore_mem>>)
      %dma_wait3A_184 = tpu.memref_slice %arg4[%run_scoped3A_34, %multiple_of3A_32] : memref<2x320000xi32, #tpu.memory_space<hbm>> -> memref<1x1000xi32, #tpu.memory_space<hbm>>
      %dma_wait3A_185 = tpu.memref_squeeze %dma_wait3A_184 : memref<1x1000xi32, #tpu.memory_space<hbm>> -> memref<1000xi32, #tpu.memory_space<hbm>>
      %dma_wait3A_186 = tpu.memref_slice %arg4[%run_scoped3A_34, %multiple_of3A_32] : memref<2x320000xi32, #tpu.memory_space<hbm>> -> memref<1x1000xi32, #tpu.memory_space<hbm>>
      %dma_wait3A_187 = tpu.memref_squeeze %dma_wait3A_186 : memref<1x1000xi32, #tpu.memory_space<hbm>> -> memref<1000xi32, #tpu.memory_space<hbm>>
      tpu.wait_dma2 semaphore(%run_scoped3A_179 : memref<!tpu.dma_semaphore, #tpu.memory_space<semaphore_mem>>) src(%dma_wait3A_187 : memref<1000xi32, #tpu.memory_space<hbm>>) dst(%arg8 : memref<1000xi32, #tpu.memory_space<vmem>>)
      tpu.yield
    }) : () -> ()
    %dma_start3A_35 = arith.constant 0 : i32
    %dma_start3A_36 = arith.constant 0 : i32
    %dma_start3A_37 = tpu.memref_slice %arg2[%dma_start3A_35, %dma_start3A_36] : memref<10112x8xf32, #tpu.memory_space<hbm>> -> memref<10112x8xf32, #tpu.memory_space<hbm>>
    tpu.enqueue_indirect_dma source(%dma_start3A_37 : memref<10112x8xf32, #tpu.memory_space<hbm>>) target(%arg11 : memref<1000x8xf32, #tpu.memory_space<vmem>>) offsets(%arg7 : memref<1000xi32, #tpu.memory_space<vmem>>) semaphore(%arg13 : memref<!tpu.dma_semaphore, #tpu.memory_space<semaphore_mem>>)
    %dma_start3A_38 = arith.constant 0 : i32
    %dma_start3A_39 = arith.constant 0 : i32
    %dma_start3A_40 = tpu.memref_slice %arg3[%dma_start3A_38, %dma_start3A_39] : memref<10112x8xf32, #tpu.memory_space<hbm>> -> memref<10112x8xf32, #tpu.memory_space<hbm>>
    tpu.enqueue_indirect_dma source(%dma_start3A_40 : memref<10112x8xf32, #tpu.memory_space<hbm>>) target(%arg12 : memref<1000x8xf32, #tpu.memory_space<vmem>>) offsets(%arg8 : memref<1000xi32, #tpu.memory_space<vmem>>) semaphore(%arg14 : memref<!tpu.dma_semaphore, #tpu.memory_space<semaphore_mem>>)
    %dma_wait3A_41 = arith.constant 0 : i32
    %dma_wait3A_42 = arith.constant 0 : i32
    %dma_wait3A_43 = tpu.memref_slice %arg2[%dma_wait3A_41, %dma_wait3A_42] : memref<10112x8xf32, #tpu.memory_space<hbm>> -> memref<10112x8xf32, #tpu.memory_space<hbm>>
    tpu.wait_indirect_dma semaphore(%arg13 : memref<!tpu.dma_semaphore, #tpu.memory_space<semaphore_mem>>) src(%dma_wait3A_43 : memref<10112x8xf32, #tpu.memory_space<hbm>>) dst(%arg11 : memref<1000x8xf32, #tpu.memory_space<vmem>>)
    %dma_wait3A_44 = arith.constant 0 : i32
    %dma_wait3A_45 = arith.constant 0 : i32
    %dma_wait3A_46 = tpu.memref_slice %arg3[%dma_wait3A_44, %dma_wait3A_45] : memref<10112x8xf32, #tpu.memory_space<hbm>> -> memref<10112x8xf32, #tpu.memory_space<hbm>>
    tpu.wait_indirect_dma semaphore(%arg14 : memref<!tpu.dma_semaphore, #tpu.memory_space<semaphore_mem>>) src(%dma_wait3A_46 : memref<10112x8xf32, #tpu.memory_space<hbm>>) dst(%arg12 : memref<1000x8xf32, #tpu.memory_space<vmem>>)
    %dma_start3A_47 = arith.constant 0 : i32
    %dma_start3A_48 = tpu.memref_slice %arg5[%multiple_of3A_29, %dma_start3A_47] : memref<163840x8xf32, #tpu.memory_space<hbm>> -> memref<1000x8xf32, #tpu.memory_space<hbm>>
    %dma_start3A_49 = arith.constant 0 : i32
    %dma_start3A_50 = tpu.memref_slice %arg5[%multiple_of3A_29, %dma_start3A_49] : memref<163840x8xf32, #tpu.memory_space<hbm>> -> memref<1000x8xf32, #tpu.memory_space<hbm>>
    tpu.enqueue_dma source(%arg11 : memref<1000x8xf32, #tpu.memory_space<vmem>>) target(%dma_start3A_50 : memref<1000x8xf32, #tpu.memory_space<hbm>>) target_semaphore(%arg16 : memref<!tpu.dma_semaphore, #tpu.memory_space<semaphore_mem>>)
    %dma_start3A_51 = arith.constant 0 : i32
    %dma_start3A_52 = tpu.memref_slice %arg6[%multiple_of3A_29, %dma_start3A_51] : memref<163840x8xf32, #tpu.memory_space<hbm>> -> memref<1000x8xf32, #tpu.memory_space<hbm>>
    %dma_start3A_53 = arith.constant 0 : i32
    %dma_start3A_54 = tpu.memref_slice %arg6[%multiple_of3A_29, %dma_start3A_53] : memref<163840x8xf32, #tpu.memory_space<hbm>> -> memref<1000x8xf32, #tpu.memory_space<hbm>>
    tpu.enqueue_dma source(%arg12 : memref<1000x8xf32, #tpu.memory_space<vmem>>) target(%dma_start3A_54 : memref<1000x8xf32, #tpu.memory_space<hbm>>) target_semaphore(%arg16 : memref<!tpu.dma_semaphore, #tpu.memory_space<semaphore_mem>>)
    %dma_wait3A_55 = arith.constant 0 : i32
    %dma_wait3A_56 = tpu.memref_slice %arg5[%multiple_of3A, %dma_wait3A_55] : memref<163840x8xf32, #tpu.memory_space<hbm>> -> memref<1000x8xf32, #tpu.memory_space<hbm>>
    %dma_wait3A_57 = arith.constant 0 : i32
    %dma_wait3A_58 = tpu.memref_slice %arg5[%multiple_of3A, %dma_wait3A_57] : memref<163840x8xf32, #tpu.memory_space<hbm>> -> memref<1000x8xf32, #tpu.memory_space<hbm>>
    tpu.wait_dma2 semaphore(%arg15 : memref<!tpu.dma_semaphore, #tpu.memory_space<semaphore_mem>>) src(%arg9 : memref<1000x8xf32, #tpu.memory_space<vmem>>) dst(%dma_wait3A_58 : memref<1000x8xf32, #tpu.memory_space<hbm>>)
    %dma_wait3A_59 = arith.constant 0 : i32
    %dma_wait3A_60 = tpu.memref_slice %arg6[%multiple_of3A, %dma_wait3A_59] : memref<163840x8xf32, #tpu.memory_space<hbm>> -> memref<1000x8xf32, #tpu.memory_space<hbm>>
    %dma_wait3A_61 = arith.constant 0 : i32
    %dma_wait3A_62 = tpu.memref_slice %arg6[%multiple_of3A, %dma_wait3A_61] : memref<163840x8xf32, #tpu.memory_space<hbm>> -> memref<1000x8xf32, #tpu.memory_space<hbm>>
    tpu.wait_dma2 semaphore(%arg15 : memref<!tpu.dma_semaphore, #tpu.memory_space<semaphore_mem>>) src(%arg10 : memref<1000x8xf32, #tpu.memory_space<vmem>>) dst(%dma_wait3A_62 : memref<1000x8xf32, #tpu.memory_space<hbm>>)
    %add3A_63 = arith.constant 2000 : i32
    %add3A_64 = arith.addi %mul3A_2, %add3A_63 : i32
    %multiple_of3A_65 = tpu.assume_multiple %add3A_64, 8 : i32
    %add3A_66 = arith.constant 160000 : i32
    %add3A_67 = arith.addi %add3A_66, %multiple_of3A_65 : i32
    %multiple_of3A_68 = tpu.assume_multiple %add3A_67, 8 : i32
    %run_scoped3A_69 = arith.constant 0 : i32
    "tpu.region"() ({
      %run_scoped3A_179 = tpu.sem_alloc : memref<!tpu.dma_semaphore, #tpu.memory_space<semaphore_mem>>
      %dma_start3A_180 = tpu.memref_slice %arg4[%run_scoped3A_69, %multiple_of3A_68] : memref<2x320000xi32, #tpu.memory_space<hbm>> -> memref<1x1000xi32, #tpu.memory_space<hbm>>
      %dma_start3A_181 = tpu.memref_squeeze %dma_start3A_180 : memref<1x1000xi32, #tpu.memory_space<hbm>> -> memref<1000xi32, #tpu.memory_space<hbm>>
      %dma_start3A_182 = tpu.memref_slice %arg4[%run_scoped3A_69, %multiple_of3A_68] : memref<2x320000xi32, #tpu.memory_space<hbm>> -> memref<1x1000xi32, #tpu.memory_space<hbm>>
      %dma_start3A_183 = tpu.memref_squeeze %dma_start3A_182 : memref<1x1000xi32, #tpu.memory_space<hbm>> -> memref<1000xi32, #tpu.memory_space<hbm>>
      tpu.enqueue_dma source(%dma_start3A_183 : memref<1000xi32, #tpu.memory_space<hbm>>) target(%arg7 : memref<1000xi32, #tpu.memory_space<vmem>>) target_semaphore(%run_scoped3A_179 : memref<!tpu.dma_semaphore, #tpu.memory_space<semaphore_mem>>)
      %dma_wait3A_184 = tpu.memref_slice %arg4[%run_scoped3A_69, %multiple_of3A_68] : memref<2x320000xi32, #tpu.memory_space<hbm>> -> memref<1x1000xi32, #tpu.memory_space<hbm>>
      %dma_wait3A_185 = tpu.memref_squeeze %dma_wait3A_184 : memref<1x1000xi32, #tpu.memory_space<hbm>> -> memref<1000xi32, #tpu.memory_space<hbm>>
      %dma_wait3A_186 = tpu.memref_slice %arg4[%run_scoped3A_69, %multiple_of3A_68] : memref<2x320000xi32, #tpu.memory_space<hbm>> -> memref<1x1000xi32, #tpu.memory_space<hbm>>
      %dma_wait3A_187 = tpu.memref_squeeze %dma_wait3A_186 : memref<1x1000xi32, #tpu.memory_space<hbm>> -> memref<1000xi32, #tpu.memory_space<hbm>>
      tpu.wait_dma2 semaphore(%run_scoped3A_179 : memref<!tpu.dma_semaphore, #tpu.memory_space<semaphore_mem>>) src(%dma_wait3A_187 : memref<1000xi32, #tpu.memory_space<hbm>>) dst(%arg7 : memref<1000xi32, #tpu.memory_space<vmem>>)
      tpu.yield
    }) : () -> ()
    %run_scoped3A_70 = arith.constant 1 : i32
    "tpu.region"() ({
      %run_scoped3A_179 = tpu.sem_alloc : memref<!tpu.dma_semaphore, #tpu.memory_space<semaphore_mem>>
      %dma_start3A_180 = tpu.memref_slice %arg4[%run_scoped3A_70, %multiple_of3A_68] : memref<2x320000xi32, #tpu.memory_space<hbm>> -> memref<1x1000xi32, #tpu.memory_space<hbm>>
      %dma_start3A_181 = tpu.memref_squeeze %dma_start3A_180 : memref<1x1000xi32, #tpu.memory_space<hbm>> -> memref<1000xi32, #tpu.memory_space<hbm>>
      %dma_start3A_182 = tpu.memref_slice %arg4[%run_scoped3A_70, %multiple_of3A_68] : memref<2x320000xi32, #tpu.memory_space<hbm>> -> memref<1x1000xi32, #tpu.memory_space<hbm>>
      %dma_start3A_183 = tpu.memref_squeeze %dma_start3A_182 : memref<1x1000xi32, #tpu.memory_space<hbm>> -> memref<1000xi32, #tpu.memory_space<hbm>>
      tpu.enqueue_dma source(%dma_start3A_183 : memref<1000xi32, #tpu.memory_space<hbm>>) target(%arg8 : memref<1000xi32, #tpu.memory_space<vmem>>) target_semaphore(%run_scoped3A_179 : memref<!tpu.dma_semaphore, #tpu.memory_space<semaphore_mem>>)
      %dma_wait3A_184 = tpu.memref_slice %arg4[%run_scoped3A_70, %multiple_of3A_68] : memref<2x320000xi32, #tpu.memory_space<hbm>> -> memref<1x1000xi32, #tpu.memory_space<hbm>>
      %dma_wait3A_185 = tpu.memref_squeeze %dma_wait3A_184 : memref<1x1000xi32, #tpu.memory_space<hbm>> -> memref<1000xi32, #tpu.memory_space<hbm>>
      %dma_wait3A_186 = tpu.memref_slice %arg4[%run_scoped3A_70, %multiple_of3A_68] : memref<2x320000xi32, #tpu.memory_space<hbm>> -> memref<1x1000xi32, #tpu.memory_space<hbm>>
      %dma_wait3A_187 = tpu.memref_squeeze %dma_wait3A_186 : memref<1x1000xi32, #tpu.memory_space<hbm>> -> memref<1000xi32, #tpu.memory_space<hbm>>
      tpu.wait_dma2 semaphore(%run_scoped3A_179 : memref<!tpu.dma_semaphore, #tpu.memory_space<semaphore_mem>>) src(%dma_wait3A_187 : memref<1000xi32, #tpu.memory_space<hbm>>) dst(%arg8 : memref<1000xi32, #tpu.memory_space<vmem>>)
      tpu.yield
    }) : () -> ()
    %dma_start3A_71 = arith.constant 0 : i32
    %dma_start3A_72 = arith.constant 0 : i32
    %dma_start3A_73 = tpu.memref_slice %arg2[%dma_start3A_71, %dma_start3A_72] : memref<10112x8xf32, #tpu.memory_space<hbm>> -> memref<10112x8xf32, #tpu.memory_space<hbm>>
    tpu.enqueue_indirect_dma source(%dma_start3A_73 : memref<10112x8xf32, #tpu.memory_space<hbm>>) target(%arg9 : memref<1000x8xf32, #tpu.memory_space<vmem>>) offsets(%arg7 : memref<1000xi32, #tpu.memory_space<vmem>>) semaphore(%arg13 : memref<!tpu.dma_semaphore, #tpu.memory_space<semaphore_mem>>)
    %dma_start3A_74 = arith.constant 0 : i32
    %dma_start3A_75 = arith.constant 0 : i32
    %dma_start3A_76 = tpu.memref_slice %arg3[%dma_start3A_74, %dma_start3A_75] : memref<10112x8xf32, #tpu.memory_space<hbm>> -> memref<10112x8xf32, #tpu.memory_space<hbm>>
    tpu.enqueue_indirect_dma source(%dma_start3A_76 : memref<10112x8xf32, #tpu.memory_space<hbm>>) target(%arg10 : memref<1000x8xf32, #tpu.memory_space<vmem>>) offsets(%arg8 : memref<1000xi32, #tpu.memory_space<vmem>>) semaphore(%arg14 : memref<!tpu.dma_semaphore, #tpu.memory_space<semaphore_mem>>)
    %dma_wait3A_77 = arith.constant 0 : i32
    %dma_wait3A_78 = arith.constant 0 : i32
    %dma_wait3A_79 = tpu.memref_slice %arg2[%dma_wait3A_77, %dma_wait3A_78] : memref<10112x8xf32, #tpu.memory_space<hbm>> -> memref<10112x8xf32, #tpu.memory_space<hbm>>
    tpu.wait_indirect_dma semaphore(%arg13 : memref<!tpu.dma_semaphore, #tpu.memory_space<semaphore_mem>>) src(%dma_wait3A_79 : memref<10112x8xf32, #tpu.memory_space<hbm>>) dst(%arg9 : memref<1000x8xf32, #tpu.memory_space<vmem>>)
    %dma_wait3A_80 = arith.constant 0 : i32
    %dma_wait3A_81 = arith.constant 0 : i32
    %dma_wait3A_82 = tpu.memref_slice %arg3[%dma_wait3A_80, %dma_wait3A_81] : memref<10112x8xf32, #tpu.memory_space<hbm>> -> memref<10112x8xf32, #tpu.memory_space<hbm>>
    tpu.wait_indirect_dma semaphore(%arg14 : memref<!tpu.dma_semaphore, #tpu.memory_space<semaphore_mem>>) src(%dma_wait3A_82 : memref<10112x8xf32, #tpu.memory_space<hbm>>) dst(%arg10 : memref<1000x8xf32, #tpu.memory_space<vmem>>)
    %dma_start3A_83 = arith.constant 0 : i32
    %dma_start3A_84 = tpu.memref_slice %arg5[%multiple_of3A_65, %dma_start3A_83] : memref<163840x8xf32, #tpu.memory_space<hbm>> -> memref<1000x8xf32, #tpu.memory_space<hbm>>
    %dma_start3A_85 = arith.constant 0 : i32
    %dma_start3A_86 = tpu.memref_slice %arg5[%multiple_of3A_65, %dma_start3A_85] : memref<163840x8xf32, #tpu.memory_space<hbm>> -> memref<1000x8xf32, #tpu.memory_space<hbm>>
    tpu.enqueue_dma source(%arg9 : memref<1000x8xf32, #tpu.memory_space<vmem>>) target(%dma_start3A_86 : memref<1000x8xf32, #tpu.memory_space<hbm>>) target_semaphore(%arg15 : memref<!tpu.dma_semaphore, #tpu.memory_space<semaphore_mem>>)
    %dma_start3A_87 = arith.constant 0 : i32
    %dma_start3A_88 = tpu.memref_slice %arg6[%multiple_of3A_65, %dma_start3A_87] : memref<163840x8xf32, #tpu.memory_space<hbm>> -> memref<1000x8xf32, #tpu.memory_space<hbm>>
    %dma_start3A_89 = arith.constant 0 : i32
    %dma_start3A_90 = tpu.memref_slice %arg6[%multiple_of3A_65, %dma_start3A_89] : memref<163840x8xf32, #tpu.memory_space<hbm>> -> memref<1000x8xf32, #tpu.memory_space<hbm>>
    tpu.enqueue_dma source(%arg10 : memref<1000x8xf32, #tpu.memory_space<vmem>>) target(%dma_start3A_90 : memref<1000x8xf32, #tpu.memory_space<hbm>>) target_semaphore(%arg15 : memref<!tpu.dma_semaphore, #tpu.memory_space<semaphore_mem>>)
    %dma_wait3A_91 = arith.constant 0 : i32
    %dma_wait3A_92 = tpu.memref_slice %arg5[%multiple_of3A_29, %dma_wait3A_91] : memref<163840x8xf32, #tpu.memory_space<hbm>> -> memref<1000x8xf32, #tpu.memory_space<hbm>>
    %dma_wait3A_93 = arith.constant 0 : i32
    %dma_wait3A_94 = tpu.memref_slice %arg5[%multiple_of3A_29, %dma_wait3A_93] : memref<163840x8xf32, #tpu.memory_space<hbm>> -> memref<1000x8xf32, #tpu.memory_space<hbm>>
    tpu.wait_dma2 semaphore(%arg16 : memref<!tpu.dma_semaphore, #tpu.memory_space<semaphore_mem>>) src(%arg11 : memref<1000x8xf32, #tpu.memory_space<vmem>>) dst(%dma_wait3A_94 : memref<1000x8xf32, #tpu.memory_space<hbm>>)
    %dma_wait3A_95 = arith.constant 0 : i32
    %dma_wait3A_96 = tpu.memref_slice %arg6[%multiple_of3A_29, %dma_wait3A_95] : memref<163840x8xf32, #tpu.memory_space<hbm>> -> memref<1000x8xf32, #tpu.memory_space<hbm>>
    %dma_wait3A_97 = arith.constant 0 : i32
    %dma_wait3A_98 = tpu.memref_slice %arg6[%multiple_of3A_29, %dma_wait3A_97] : memref<163840x8xf32, #tpu.memory_space<hbm>> -> memref<1000x8xf32, #tpu.memory_space<hbm>>
    tpu.wait_dma2 semaphore(%arg16 : memref<!tpu.dma_semaphore, #tpu.memory_space<semaphore_mem>>) src(%arg12 : memref<1000x8xf32, #tpu.memory_space<vmem>>) dst(%dma_wait3A_98 : memref<1000x8xf32, #tpu.memory_space<hbm>>)
    %add3A_99 = arith.constant 3000 : i32
    %add3A_100 = arith.addi %mul3A_2, %add3A_99 : i32
    %multiple_of3A_101 = tpu.assume_multiple %add3A_100, 8 : i32
    %add3A_102 = arith.constant 160000 : i32
    %add3A_103 = arith.addi %add3A_102, %multiple_of3A_101 : i32
    %multiple_of3A_104 = tpu.assume_multiple %add3A_103, 8 : i32
    %run_scoped3A_105 = arith.constant 0 : i32
    "tpu.region"() ({
      %run_scoped3A_179 = tpu.sem_alloc : memref<!tpu.dma_semaphore, #tpu.memory_space<semaphore_mem>>
      %dma_start3A_180 = tpu.memref_slice %arg4[%run_scoped3A_105, %multiple_of3A_104] : memref<2x320000xi32, #tpu.memory_space<hbm>> -> memref<1x1000xi32, #tpu.memory_space<hbm>>
      %dma_start3A_181 = tpu.memref_squeeze %dma_start3A_180 : memref<1x1000xi32, #tpu.memory_space<hbm>> -> memref<1000xi32, #tpu.memory_space<hbm>>
      %dma_start3A_182 = tpu.memref_slice %arg4[%run_scoped3A_105, %multiple_of3A_104] : memref<2x320000xi32, #tpu.memory_space<hbm>> -> memref<1x1000xi32, #tpu.memory_space<hbm>>
      %dma_start3A_183 = tpu.memref_squeeze %dma_start3A_182 : memref<1x1000xi32, #tpu.memory_space<hbm>> -> memref<1000xi32, #tpu.memory_space<hbm>>
      tpu.enqueue_dma source(%dma_start3A_183 : memref<1000xi32, #tpu.memory_space<hbm>>) target(%arg7 : memref<1000xi32, #tpu.memory_space<vmem>>) target_semaphore(%run_scoped3A_179 : memref<!tpu.dma_semaphore, #tpu.memory_space<semaphore_mem>>)
      %dma_wait3A_184 = tpu.memref_slice %arg4[%run_scoped3A_105, %multiple_of3A_104] : memref<2x320000xi32, #tpu.memory_space<hbm>> -> memref<1x1000xi32, #tpu.memory_space<hbm>>
      %dma_wait3A_185 = tpu.memref_squeeze %dma_wait3A_184 : memref<1x1000xi32, #tpu.memory_space<hbm>> -> memref<1000xi32, #tpu.memory_space<hbm>>
      %dma_wait3A_186 = tpu.memref_slice %arg4[%run_scoped3A_105, %multiple_of3A_104] : memref<2x320000xi32, #tpu.memory_space<hbm>> -> memref<1x1000xi32, #tpu.memory_space<hbm>>
      %dma_wait3A_187 = tpu.memref_squeeze %dma_wait3A_186 : memref<1x1000xi32, #tpu.memory_space<hbm>> -> memref<1000xi32, #tpu.memory_space<hbm>>
      tpu.wait_dma2 semaphore(%run_scoped3A_179 : memref<!tpu.dma_semaphore, #tpu.memory_space<semaphore_mem>>) src(%dma_wait3A_187 : memref<1000xi32, #tpu.memory_space<hbm>>) dst(%arg7 : memref<1000xi32, #tpu.memory_space<vmem>>)
      tpu.yield
    }) : () -> ()
    %run_scoped3A_106 = arith.constant 1 : i32
    "tpu.region"() ({
      %run_scoped3A_179 = tpu.sem_alloc : memref<!tpu.dma_semaphore, #tpu.memory_space<semaphore_mem>>
      %dma_start3A_180 = tpu.memref_slice %arg4[%run_scoped3A_106, %multiple_of3A_104] : memref<2x320000xi32, #tpu.memory_space<hbm>> -> memref<1x1000xi32, #tpu.memory_space<hbm>>
      %dma_start3A_181 = tpu.memref_squeeze %dma_start3A_180 : memref<1x1000xi32, #tpu.memory_space<hbm>> -> memref<1000xi32, #tpu.memory_space<hbm>>
      %dma_start3A_182 = tpu.memref_slice %arg4[%run_scoped3A_106, %multiple_of3A_104] : memref<2x320000xi32, #tpu.memory_space<hbm>> -> memref<1x1000xi32, #tpu.memory_space<hbm>>
      %dma_start3A_183 = tpu.memref_squeeze %dma_start3A_182 : memref<1x1000xi32, #tpu.memory_space<hbm>> -> memref<1000xi32, #tpu.memory_space<hbm>>
      tpu.enqueue_dma source(%dma_start3A_183 : memref<1000xi32, #tpu.memory_space<hbm>>) target(%arg8 : memref<1000xi32, #tpu.memory_space<vmem>>) target_semaphore(%run_scoped3A_179 : memref<!tpu.dma_semaphore, #tpu.memory_space<semaphore_mem>>)
      %dma_wait3A_184 = tpu.memref_slice %arg4[%run_scoped3A_106, %multiple_of3A_104] : memref<2x320000xi32, #tpu.memory_space<hbm>> -> memref<1x1000xi32, #tpu.memory_space<hbm>>
      %dma_wait3A_185 = tpu.memref_squeeze %dma_wait3A_184 : memref<1x1000xi32, #tpu.memory_space<hbm>> -> memref<1000xi32, #tpu.memory_space<hbm>>
      %dma_wait3A_186 = tpu.memref_slice %arg4[%run_scoped3A_106, %multiple_of3A_104] : memref<2x320000xi32, #tpu.memory_space<hbm>> -> memref<1x1000xi32, #tpu.memory_space<hbm>>
      %dma_wait3A_187 = tpu.memref_squeeze %dma_wait3A_186 : memref<1x1000xi32, #tpu.memory_space<hbm>> -> memref<1000xi32, #tpu.memory_space<hbm>>
      tpu.wait_dma2 semaphore(%run_scoped3A_179 : memref<!tpu.dma_semaphore, #tpu.memory_space<semaphore_mem>>) src(%dma_wait3A_187 : memref<1000xi32, #tpu.memory_space<hbm>>) dst(%arg8 : memref<1000xi32, #tpu.memory_space<vmem>>)
      tpu.yield
    }) : () -> ()
    %dma_start3A_107 = arith.constant 0 : i32
    %dma_start3A_108 = arith.constant 0 : i32
    %dma_start3A_109 = tpu.memref_slice %arg2[%dma_start3A_107, %dma_start3A_108] : memref<10112x8xf32, #tpu.memory_space<hbm>> -> memref<10112x8xf32, #tpu.memory_space<hbm>>
    tpu.enqueue_indirect_dma source(%dma_start3A_109 : memref<10112x8xf32, #tpu.memory_space<hbm>>) target(%arg11 : memref<1000x8xf32, #tpu.memory_space<vmem>>) offsets(%arg7 : memref<1000xi32, #tpu.memory_space<vmem>>) semaphore(%arg13 : memref<!tpu.dma_semaphore, #tpu.memory_space<semaphore_mem>>)
    %dma_start3A_110 = arith.constant 0 : i32
    %dma_start3A_111 = arith.constant 0 : i32
    %dma_start3A_112 = tpu.memref_slice %arg3[%dma_start3A_110, %dma_start3A_111] : memref<10112x8xf32, #tpu.memory_space<hbm>> -> memref<10112x8xf32, #tpu.memory_space<hbm>>
    tpu.enqueue_indirect_dma source(%dma_start3A_112 : memref<10112x8xf32, #tpu.memory_space<hbm>>) target(%arg12 : memref<1000x8xf32, #tpu.memory_space<vmem>>) offsets(%arg8 : memref<1000xi32, #tpu.memory_space<vmem>>) semaphore(%arg14 : memref<!tpu.dma_semaphore, #tpu.memory_space<semaphore_mem>>)
    %dma_wait3A_113 = arith.constant 0 : i32
    %dma_wait3A_114 = arith.constant 0 : i32
    %dma_wait3A_115 = tpu.memref_slice %arg2[%dma_wait3A_113, %dma_wait3A_114] : memref<10112x8xf32, #tpu.memory_space<hbm>> -> memref<10112x8xf32, #tpu.memory_space<hbm>>
    tpu.wait_indirect_dma semaphore(%arg13 : memref<!tpu.dma_semaphore, #tpu.memory_space<semaphore_mem>>) src(%dma_wait3A_115 : memref<10112x8xf32, #tpu.memory_space<hbm>>) dst(%arg11 : memref<1000x8xf32, #tpu.memory_space<vmem>>)
    %dma_wait3A_116 = arith.constant 0 : i32
    %dma_wait3A_117 = arith.constant 0 : i32
    %dma_wait3A_118 = tpu.memref_slice %arg3[%dma_wait3A_116, %dma_wait3A_117] : memref<10112x8xf32, #tpu.memory_space<hbm>> -> memref<10112x8xf32, #tpu.memory_space<hbm>>
    tpu.wait_indirect_dma semaphore(%arg14 : memref<!tpu.dma_semaphore, #tpu.memory_space<semaphore_mem>>) src(%dma_wait3A_118 : memref<10112x8xf32, #tpu.memory_space<hbm>>) dst(%arg12 : memref<1000x8xf32, #tpu.memory_space<vmem>>)
    %dma_start3A_119 = arith.constant 0 : i32
    %dma_start3A_120 = tpu.memref_slice %arg5[%multiple_of3A_101, %dma_start3A_119] : memref<163840x8xf32, #tpu.memory_space<hbm>> -> memref<1000x8xf32, #tpu.memory_space<hbm>>
    %dma_start3A_121 = arith.constant 0 : i32
    %dma_start3A_122 = tpu.memref_slice %arg5[%multiple_of3A_101, %dma_start3A_121] : memref<163840x8xf32, #tpu.memory_space<hbm>> -> memref<1000x8xf32, #tpu.memory_space<hbm>>
    tpu.enqueue_dma source(%arg11 : memref<1000x8xf32, #tpu.memory_space<vmem>>) target(%dma_start3A_122 : memref<1000x8xf32, #tpu.memory_space<hbm>>) target_semaphore(%arg16 : memref<!tpu.dma_semaphore, #tpu.memory_space<semaphore_mem>>)
    %dma_start3A_123 = arith.constant 0 : i32
    %dma_start3A_124 = tpu.memref_slice %arg6[%multiple_of3A_101, %dma_start3A_123] : memref<163840x8xf32, #tpu.memory_space<hbm>> -> memref<1000x8xf32, #tpu.memory_space<hbm>>
    %dma_start3A_125 = arith.constant 0 : i32
    %dma_start3A_126 = tpu.memref_slice %arg6[%multiple_of3A_101, %dma_start3A_125] : memref<163840x8xf32, #tpu.memory_space<hbm>> -> memref<1000x8xf32, #tpu.memory_space<hbm>>
    tpu.enqueue_dma source(%arg12 : memref<1000x8xf32, #tpu.memory_space<vmem>>) target(%dma_start3A_126 : memref<1000x8xf32, #tpu.memory_space<hbm>>) target_semaphore(%arg16 : memref<!tpu.dma_semaphore, #tpu.memory_space<semaphore_mem>>)
    %dma_wait3A_127 = arith.constant 0 : i32
    %dma_wait3A_128 = tpu.memref_slice %arg5[%multiple_of3A_65, %dma_wait3A_127] : memref<163840x8xf32, #tpu.memory_space<hbm>> -> memref<1000x8xf32, #tpu.memory_space<hbm>>
    %dma_wait3A_129 = arith.constant 0 : i32
    %dma_wait3A_130 = tpu.memref_slice %arg5[%multiple_of3A_65, %dma_wait3A_129] : memref<163840x8xf32, #tpu.memory_space<hbm>> -> memref<1000x8xf32, #tpu.memory_space<hbm>>
    tpu.wait_dma2 semaphore(%arg15 : memref<!tpu.dma_semaphore, #tpu.memory_space<semaphore_mem>>) src(%arg9 : memref<1000x8xf32, #tpu.memory_space<vmem>>) dst(%dma_wait3A_130 : memref<1000x8xf32, #tpu.memory_space<hbm>>)
    %dma_wait3A_131 = arith.constant 0 : i32
    %dma_wait3A_132 = tpu.memref_slice %arg6[%multiple_of3A_65, %dma_wait3A_131] : memref<163840x8xf32, #tpu.memory_space<hbm>> -> memref<1000x8xf32, #tpu.memory_space<hbm>>
    %dma_wait3A_133 = arith.constant 0 : i32
    %dma_wait3A_134 = tpu.memref_slice %arg6[%multiple_of3A_65, %dma_wait3A_133] : memref<163840x8xf32, #tpu.memory_space<hbm>> -> memref<1000x8xf32, #tpu.memory_space<hbm>>
    tpu.wait_dma2 semaphore(%arg15 : memref<!tpu.dma_semaphore, #tpu.memory_space<semaphore_mem>>) src(%arg10 : memref<1000x8xf32, #tpu.memory_space<vmem>>) dst(%dma_wait3A_134 : memref<1000x8xf32, #tpu.memory_space<hbm>>)
    %add3A_135 = arith.constant 4000 : i32
    %add3A_136 = arith.addi %mul3A_2, %add3A_135 : i32
    %multiple_of3A_137 = tpu.assume_multiple %add3A_136, 8 : i32
    %add3A_138 = arith.constant 160000 : i32
    %add3A_139 = arith.addi %add3A_138, %multiple_of3A_137 : i32
    %multiple_of3A_140 = tpu.assume_multiple %add3A_139, 8 : i32
    %run_scoped3A_141 = arith.constant 0 : i32
    "tpu.region"() ({
      %run_scoped3A_179 = tpu.sem_alloc : memref<!tpu.dma_semaphore, #tpu.memory_space<semaphore_mem>>
      %dma_start3A_180 = tpu.memref_slice %arg4[%run_scoped3A_141, %multiple_of3A_140] : memref<2x320000xi32, #tpu.memory_space<hbm>> -> memref<1x1000xi32, #tpu.memory_space<hbm>>
      %dma_start3A_181 = tpu.memref_squeeze %dma_start3A_180 : memref<1x1000xi32, #tpu.memory_space<hbm>> -> memref<1000xi32, #tpu.memory_space<hbm>>
      %dma_start3A_182 = tpu.memref_slice %arg4[%run_scoped3A_141, %multiple_of3A_140] : memref<2x320000xi32, #tpu.memory_space<hbm>> -> memref<1x1000xi32, #tpu.memory_space<hbm>>
      %dma_start3A_183 = tpu.memref_squeeze %dma_start3A_182 : memref<1x1000xi32, #tpu.memory_space<hbm>> -> memref<1000xi32, #tpu.memory_space<hbm>>
      tpu.enqueue_dma source(%dma_start3A_183 : memref<1000xi32, #tpu.memory_space<hbm>>) target(%arg7 : memref<1000xi32, #tpu.memory_space<vmem>>) target_semaphore(%run_scoped3A_179 : memref<!tpu.dma_semaphore, #tpu.memory_space<semaphore_mem>>)
      %dma_wait3A_184 = tpu.memref_slice %arg4[%run_scoped3A_141, %multiple_of3A_140] : memref<2x320000xi32, #tpu.memory_space<hbm>> -> memref<1x1000xi32, #tpu.memory_space<hbm>>
      %dma_wait3A_185 = tpu.memref_squeeze %dma_wait3A_184 : memref<1x1000xi32, #tpu.memory_space<hbm>> -> memref<1000xi32, #tpu.memory_space<hbm>>
      %dma_wait3A_186 = tpu.memref_slice %arg4[%run_scoped3A_141, %multiple_of3A_140] : memref<2x320000xi32, #tpu.memory_space<hbm>> -> memref<1x1000xi32, #tpu.memory_space<hbm>>
      %dma_wait3A_187 = tpu.memref_squeeze %dma_wait3A_186 : memref<1x1000xi32, #tpu.memory_space<hbm>> -> memref<1000xi32, #tpu.memory_space<hbm>>
      tpu.wait_dma2 semaphore(%run_scoped3A_179 : memref<!tpu.dma_semaphore, #tpu.memory_space<semaphore_mem>>) src(%dma_wait3A_187 : memref<1000xi32, #tpu.memory_space<hbm>>) dst(%arg7 : memref<1000xi32, #tpu.memory_space<vmem>>)
      tpu.yield
    }) : () -> ()
    %run_scoped3A_142 = arith.constant 1 : i32
    "tpu.region"() ({
      %run_scoped3A_179 = tpu.sem_alloc : memref<!tpu.dma_semaphore, #tpu.memory_space<semaphore_mem>>
      %dma_start3A_180 = tpu.memref_slice %arg4[%run_scoped3A_142, %multiple_of3A_140] : memref<2x320000xi32, #tpu.memory_space<hbm>> -> memref<1x1000xi32, #tpu.memory_space<hbm>>
      %dma_start3A_181 = tpu.memref_squeeze %dma_start3A_180 : memref<1x1000xi32, #tpu.memory_space<hbm>> -> memref<1000xi32, #tpu.memory_space<hbm>>
      %dma_start3A_182 = tpu.memref_slice %arg4[%run_scoped3A_142, %multiple_of3A_140] : memref<2x320000xi32, #tpu.memory_space<hbm>> -> memref<1x1000xi32, #tpu.memory_space<hbm>>
      %dma_start3A_183 = tpu.memref_squeeze %dma_start3A_182 : memref<1x1000xi32, #tpu.memory_space<hbm>> -> memref<1000xi32, #tpu.memory_space<hbm>>
      tpu.enqueue_dma source(%dma_start3A_183 : memref<1000xi32, #tpu.memory_space<hbm>>) target(%arg8 : memref<1000xi32, #tpu.memory_space<vmem>>) target_semaphore(%run_scoped3A_179 : memref<!tpu.dma_semaphore, #tpu.memory_space<semaphore_mem>>)
      %dma_wait3A_184 = tpu.memref_slice %arg4[%run_scoped3A_142, %multiple_of3A_140] : memref<2x320000xi32, #tpu.memory_space<hbm>> -> memref<1x1000xi32, #tpu.memory_space<hbm>>
      %dma_wait3A_185 = tpu.memref_squeeze %dma_wait3A_184 : memref<1x1000xi32, #tpu.memory_space<hbm>> -> memref<1000xi32, #tpu.memory_space<hbm>>
      %dma_wait3A_186 = tpu.memref_slice %arg4[%run_scoped3A_142, %multiple_of3A_140] : memref<2x320000xi32, #tpu.memory_space<hbm>> -> memref<1x1000xi32, #tpu.memory_space<hbm>>
      %dma_wait3A_187 = tpu.memref_squeeze %dma_wait3A_186 : memref<1x1000xi32, #tpu.memory_space<hbm>> -> memref<1000xi32, #tpu.memory_space<hbm>>
      tpu.wait_dma2 semaphore(%run_scoped3A_179 : memref<!tpu.dma_semaphore, #tpu.memory_space<semaphore_mem>>) src(%dma_wait3A_187 : memref<1000xi32, #tpu.memory_space<hbm>>) dst(%arg8 : memref<1000xi32, #tpu.memory_space<vmem>>)
      tpu.yield
    }) : () -> ()
    %dma_start3A_143 = arith.constant 0 : i32
    %dma_start3A_144 = arith.constant 0 : i32
    %dma_start3A_145 = tpu.memref_slice %arg2[%dma_start3A_143, %dma_start3A_144] : memref<10112x8xf32, #tpu.memory_space<hbm>> -> memref<10112x8xf32, #tpu.memory_space<hbm>>
    tpu.enqueue_indirect_dma source(%dma_start3A_145 : memref<10112x8xf32, #tpu.memory_space<hbm>>) target(%arg9 : memref<1000x8xf32, #tpu.memory_space<vmem>>) offsets(%arg7 : memref<1000xi32, #tpu.memory_space<vmem>>) semaphore(%arg13 : memref<!tpu.dma_semaphore, #tpu.memory_space<semaphore_mem>>)
    %dma_start3A_146 = arith.constant 0 : i32
    %dma_start3A_147 = arith.constant 0 : i32
    %dma_start3A_148 = tpu.memref_slice %arg3[%dma_start3A_146, %dma_start3A_147] : memref<10112x8xf32, #tpu.memory_space<hbm>> -> memref<10112x8xf32, #tpu.memory_space<hbm>>
    tpu.enqueue_indirect_dma source(%dma_start3A_148 : memref<10112x8xf32, #tpu.memory_space<hbm>>) target(%arg10 : memref<1000x8xf32, #tpu.memory_space<vmem>>) offsets(%arg8 : memref<1000xi32, #tpu.memory_space<vmem>>) semaphore(%arg14 : memref<!tpu.dma_semaphore, #tpu.memory_space<semaphore_mem>>)
    %dma_wait3A_149 = arith.constant 0 : i32
    %dma_wait3A_150 = arith.constant 0 : i32
    %dma_wait3A_151 = tpu.memref_slice %arg2[%dma_wait3A_149, %dma_wait3A_150] : memref<10112x8xf32, #tpu.memory_space<hbm>> -> memref<10112x8xf32, #tpu.memory_space<hbm>>
    tpu.wait_indirect_dma semaphore(%arg13 : memref<!tpu.dma_semaphore, #tpu.memory_space<semaphore_mem>>) src(%dma_wait3A_151 : memref<10112x8xf32, #tpu.memory_space<hbm>>) dst(%arg9 : memref<1000x8xf32, #tpu.memory_space<vmem>>)
    %dma_wait3A_152 = arith.constant 0 : i32
    %dma_wait3A_153 = arith.constant 0 : i32
    %dma_wait3A_154 = tpu.memref_slice %arg3[%dma_wait3A_152, %dma_wait3A_153] : memref<10112x8xf32, #tpu.memory_space<hbm>> -> memref<10112x8xf32, #tpu.memory_space<hbm>>
    tpu.wait_indirect_dma semaphore(%arg14 : memref<!tpu.dma_semaphore, #tpu.memory_space<semaphore_mem>>) src(%dma_wait3A_154 : memref<10112x8xf32, #tpu.memory_space<hbm>>) dst(%arg10 : memref<1000x8xf32, #tpu.memory_space<vmem>>)
    %dma_start3A_155 = arith.constant 0 : i32
    %dma_start3A_156 = tpu.memref_slice %arg5[%multiple_of3A_137, %dma_start3A_155] : memref<163840x8xf32, #tpu.memory_space<hbm>> -> memref<1000x8xf32, #tpu.memory_space<hbm>>
    %dma_start3A_157 = arith.constant 0 : i32
    %dma_start3A_158 = tpu.memref_slice %arg5[%multiple_of3A_137, %dma_start3A_157] : memref<163840x8xf32, #tpu.memory_space<hbm>> -> memref<1000x8xf32, #tpu.memory_space<hbm>>
    tpu.enqueue_dma source(%arg9 : memref<1000x8xf32, #tpu.memory_space<vmem>>) target(%dma_start3A_158 : memref<1000x8xf32, #tpu.memory_space<hbm>>) target_semaphore(%arg15 : memref<!tpu.dma_semaphore, #tpu.memory_space<semaphore_mem>>)
    %dma_start3A_159 = arith.constant 0 : i32
    %dma_start3A_160 = tpu.memref_slice %arg6[%multiple_of3A_137, %dma_start3A_159] : memref<163840x8xf32, #tpu.memory_space<hbm>> -> memref<1000x8xf32, #tpu.memory_space<hbm>>
    %dma_start3A_161 = arith.constant 0 : i32
    %dma_start3A_162 = tpu.memref_slice %arg6[%multiple_of3A_137, %dma_start3A_161] : memref<163840x8xf32, #tpu.memory_space<hbm>> -> memref<1000x8xf32, #tpu.memory_space<hbm>>
    tpu.enqueue_dma source(%arg10 : memref<1000x8xf32, #tpu.memory_space<vmem>>) target(%dma_start3A_162 : memref<1000x8xf32, #tpu.memory_space<hbm>>) target_semaphore(%arg15 : memref<!tpu.dma_semaphore, #tpu.memory_space<semaphore_mem>>)
    %dma_wait3A_163 = arith.constant 0 : i32
    %dma_wait3A_164 = tpu.memref_slice %arg5[%multiple_of3A_137, %dma_wait3A_163] : memref<163840x8xf32, #tpu.memory_space<hbm>> -> memref<1000x8xf32, #tpu.memory_space<hbm>>
    %dma_wait3A_165 = arith.constant 0 : i32
    %dma_wait3A_166 = tpu.memref_slice %arg5[%multiple_of3A_137, %dma_wait3A_165] : memref<163840x8xf32, #tpu.memory_space<hbm>> -> memref<1000x8xf32, #tpu.memory_space<hbm>>
    tpu.wait_dma2 semaphore(%arg15 : memref<!tpu.dma_semaphore, #tpu.memory_space<semaphore_mem>>) src(%arg9 : memref<1000x8xf32, #tpu.memory_space<vmem>>) dst(%dma_wait3A_166 : memref<1000x8xf32, #tpu.memory_space<hbm>>)
    %dma_wait3A_167 = arith.constant 0 : i32
    %dma_wait3A_168 = tpu.memref_slice %arg6[%multiple_of3A_137, %dma_wait3A_167] : memref<163840x8xf32, #tpu.memory_space<hbm>> -> memref<1000x8xf32, #tpu.memory_space<hbm>>
    %dma_wait3A_169 = arith.constant 0 : i32
    %dma_wait3A_170 = tpu.memref_slice %arg6[%multiple_of3A_137, %dma_wait3A_169] : memref<163840x8xf32, #tpu.memory_space<hbm>> -> memref<1000x8xf32, #tpu.memory_space<hbm>>
    tpu.wait_dma2 semaphore(%arg15 : memref<!tpu.dma_semaphore, #tpu.memory_space<semaphore_mem>>) src(%arg10 : memref<1000x8xf32, #tpu.memory_space<vmem>>) dst(%dma_wait3A_170 : memref<1000x8xf32, #tpu.memory_space<hbm>>)
    %dma_wait3A_171 = arith.constant 0 : i32
    %dma_wait3A_172 = tpu.memref_slice %arg5[%multiple_of3A_101, %dma_wait3A_171] : memref<163840x8xf32, #tpu.memory_space<hbm>> -> memref<1000x8xf32, #tpu.memory_space<hbm>>
    %dma_wait3A_173 = arith.constant 0 : i32
    %dma_wait3A_174 = tpu.memref_slice %arg5[%multiple_of3A_101, %dma_wait3A_173] : memref<163840x8xf32, #tpu.memory_space<hbm>> -> memref<1000x8xf32, #tpu.memory_space<hbm>>
    tpu.wait_dma2 semaphore(%arg16 : memref<!tpu.dma_semaphore, #tpu.memory_space<semaphore_mem>>) src(%arg11 : memref<1000x8xf32, #tpu.memory_space<vmem>>) dst(%dma_wait3A_174 : memref<1000x8xf32, #tpu.memory_space<hbm>>)
    %dma_wait3A_175 = arith.constant 0 : i32
    %dma_wait3A_176 = tpu.memref_slice %arg6[%multiple_of3A_101, %dma_wait3A_175] : memref<163840x8xf32, #tpu.memory_space<hbm>> -> memref<1000x8xf32, #tpu.memory_space<hbm>>
    %dma_wait3A_177 = arith.constant 0 : i32
    %dma_wait3A_178 = tpu.memref_slice %arg6[%multiple_of3A_101, %dma_wait3A_177] : memref<163840x8xf32, #tpu.memory_space<hbm>> -> memref<1000x8xf32, #tpu.memory_space<hbm>>
    tpu.wait_dma2 semaphore(%arg16 : memref<!tpu.dma_semaphore, #tpu.memory_space<semaphore_mem>>) src(%arg12 : memref<1000x8xf32, #tpu.memory_space<vmem>>) dst(%dma_wait3A_178 : memref<1000x8xf32, #tpu.memory_space<hbm>>)
    return
  }
}

module attributes {stable_mosaic.version = 14 : i64} {
  func.func @_consts_body(%arg0: memref<8x8xf32, #tpu.memory_space<vmem>>, %arg1: memref<1x8xf32, #tpu.memory_space<vmem>>, %arg2: memref<1x8xf32, #tpu.memory_space<vmem>>, %arg3: memref<1x8xf32, #tpu.memory_space<vmem>>, %arg4: memref<1x8xf32, #tpu.memory_space<vmem>>, %arg5: memref<1x8xf32, #tpu.memory_space<vmem>>, %arg6: memref<8x8xf32, #tpu.memory_space<vmem>>, %arg7: memref<1x8xf32, #tpu.memory_space<vmem>>, %arg8: memref<1x8xf32, #tpu.memory_space<vmem>>, %arg9: memref<1x8xf32, #tpu.memory_space<vmem>>, %arg10: memref<8x1xf32, #tpu.memory_space<vmem>>, %arg11: memref<128x128xf32, #tpu.memory_space<vmem>>, %arg12: memref<128x128xf32, #tpu.memory_space<vmem>>, %arg13: memref<128x128xf32, #tpu.memory_space<vmem>>, %arg14: memref<1024x128xf32, #tpu.memory_space<vmem>>, %arg15: memref<1x128xf32, #tpu.memory_space<vmem>>, %arg16: memref<1x128xf32, #tpu.memory_space<vmem>>, %arg17: memref<1x128xf32, #tpu.memory_space<vmem>>, %arg18: memref<1x128xf32, #tpu.memory_space<vmem>>, %arg19: memref<1x128xf32, #tpu.memory_space<vmem>>, %arg20: memref<1x128xf32, #tpu.memory_space<vmem>>, %arg21: memref<1x128xf32, #tpu.memory_space<vmem>>, %arg22: memref<1x128xf32, #tpu.memory_space<vmem>>) attributes {dimension_semantics = [], scalar_prefetch = 0 : i64, scratch_operands = 0 : i64, tpu.core_type = #tpu.core_type<tc>} {
    %iota3A = tpu.iota {dimensions = array<i32: 0>} : vector<128x128xi32>
    %iota3A_0 = tpu.iota {dimensions = array<i32: 1>} : vector<128x128xi32>
    %jit3A = arith.constant 8 : i32
    %div3A = vector.broadcast %jit3A : i32 to vector<128x128xi32>
    %div3A_1 = arith.divsi %iota3A, %div3A : vector<128x128xi32>
    %sign3A = arith.constant 0 : i32
    %sign3A_2 = vector.broadcast %sign3A : i32 to vector<128x128xi32>
    %sign3A_3 = arith.cmpi sgt, %iota3A, %sign3A_2 : vector<128x128xi32>
    %sign3A_4 = arith.extui %sign3A_3 : vector<128x128xi1> to vector<128x128xi32>
    %sign3A_5 = arith.constant 0 : i32
    %sign3A_6 = vector.broadcast %sign3A_5 : i32 to vector<128x128xi32>
    %sign3A_7 = arith.cmpi slt, %iota3A, %sign3A_6 : vector<128x128xi32>
    %sign3A_8 = arith.extui %sign3A_7 : vector<128x128xi1> to vector<128x128xi32>
    %sign3A_9 = arith.subi %sign3A_4, %sign3A_8 : vector<128x128xi32>
    %sign3A_10 = arith.constant 0 : i32
    %sign3A_11 = arith.cmpi sgt, %jit3A, %sign3A_10 : i32
    %sign3A_12 = arith.extui %sign3A_11 : i1 to i32
    %sign3A_13 = arith.constant 0 : i32
    %sign3A_14 = arith.cmpi slt, %jit3A, %sign3A_13 : i32
    %sign3A_15 = arith.extui %sign3A_14 : i1 to i32
    %sign3A_16 = arith.subi %sign3A_12, %sign3A_15 : i32
    %ne3A = vector.broadcast %sign3A_16 : i32 to vector<128x128xi32>
    %ne3A_17 = arith.cmpi ne, %sign3A_9, %ne3A : vector<128x128xi32>
    %rem3A = vector.broadcast %jit3A : i32 to vector<128x128xi32>
    %rem3A_18 = arith.remsi %iota3A, %rem3A : vector<128x128xi32>
    %ne3A_19 = arith.constant 0 : i32
    %ne3A_20 = vector.broadcast %ne3A_19 : i32 to vector<128x128xi32>
    %ne3A_21 = arith.cmpi ne, %rem3A_18, %ne3A_20 : vector<128x128xi32>
    %and3A = arith.andi %ne3A_17, %ne3A_21 : vector<128x128xi1>
    %sub3A = arith.constant 1 : i32
    %sub3A_22 = vector.broadcast %sub3A : i32 to vector<128x128xi32>
    %sub3A_23 = arith.subi %div3A_1, %sub3A_22 : vector<128x128xi32>
    %select_n3A = arith.select %and3A, %sub3A_23, %div3A_1 : vector<128x128xi1>, vector<128x128xi32>
    %jit3A_24 = arith.constant 8 : i32
    %div3A_25 = vector.broadcast %jit3A_24 : i32 to vector<128x128xi32>
    %div3A_26 = arith.divsi %iota3A_0, %div3A_25 : vector<128x128xi32>
    %sign3A_27 = arith.constant 0 : i32
    %sign3A_28 = vector.broadcast %sign3A_27 : i32 to vector<128x128xi32>
    %sign3A_29 = arith.cmpi sgt, %iota3A_0, %sign3A_28 : vector<128x128xi32>
    %sign3A_30 = arith.extui %sign3A_29 : vector<128x128xi1> to vector<128x128xi32>
    %sign3A_31 = arith.constant 0 : i32
    %sign3A_32 = vector.broadcast %sign3A_31 : i32 to vector<128x128xi32>
    %sign3A_33 = arith.cmpi slt, %iota3A_0, %sign3A_32 : vector<128x128xi32>
    %sign3A_34 = arith.extui %sign3A_33 : vector<128x128xi1> to vector<128x128xi32>
    %sign3A_35 = arith.subi %sign3A_30, %sign3A_34 : vector<128x128xi32>
    %sign3A_36 = arith.constant 0 : i32
    %sign3A_37 = arith.cmpi sgt, %jit3A_24, %sign3A_36 : i32
    %sign3A_38 = arith.extui %sign3A_37 : i1 to i32
    %sign3A_39 = arith.constant 0 : i32
    %sign3A_40 = arith.cmpi slt, %jit3A_24, %sign3A_39 : i32
    %sign3A_41 = arith.extui %sign3A_40 : i1 to i32
    %sign3A_42 = arith.subi %sign3A_38, %sign3A_41 : i32
    %ne3A_43 = vector.broadcast %sign3A_42 : i32 to vector<128x128xi32>
    %ne3A_44 = arith.cmpi ne, %sign3A_35, %ne3A_43 : vector<128x128xi32>
    %rem3A_45 = vector.broadcast %jit3A_24 : i32 to vector<128x128xi32>
    %rem3A_46 = arith.remsi %iota3A_0, %rem3A_45 : vector<128x128xi32>
    %ne3A_47 = arith.constant 0 : i32
    %ne3A_48 = vector.broadcast %ne3A_47 : i32 to vector<128x128xi32>
    %ne3A_49 = arith.cmpi ne, %rem3A_46, %ne3A_48 : vector<128x128xi32>
    %and3A_50 = arith.andi %ne3A_44, %ne3A_49 : vector<128x128xi1>
    %sub3A_51 = arith.constant 1 : i32
    %sub3A_52 = vector.broadcast %sub3A_51 : i32 to vector<128x128xi32>
    %sub3A_53 = arith.subi %div3A_26, %sub3A_52 : vector<128x128xi32>
    %select_n3A_54 = arith.select %and3A_50, %sub3A_53, %div3A_26 : vector<128x128xi1>, vector<128x128xi32>
    %eq3A = arith.cmpi eq, %select_n3A, %select_n3A_54 : vector<128x128xi32>
    %convert_element_type3A = arith.extui %eq3A : vector<128x128xi1> to vector<128x128xi32>
    %convert_element_type3A_55 = arith.sitofp %convert_element_type3A : vector<128x128xi32> to vector<128x128xf32>
    %mul3A = arith.constant 1.250000e-01 : f32
    %mul3A_56 = vector.broadcast %mul3A : f32 to vector<128x128xf32>
    %mul3A_57 = arith.mulf %convert_element_type3A_55, %mul3A_56 : vector<128x128xf32>
    %swap3A = arith.constant 0 : index
    %swap3A_58 = arith.constant 0 : index
    %swap3A_59 = vector.load %arg11[%swap3A, %swap3A_58] : memref<128x128xf32, #tpu.memory_space<vmem>>, vector<128x128xf32>
    tpu.vector_store %arg11[%swap3A, %swap3A_58], %mul3A_57 {strides = array<i32>} : memref<128x128xf32, #tpu.memory_space<vmem>>, vector<128x128xf32>,
    %iota3A_60 = tpu.iota {dimensions = array<i32: 1>} : vector<8x128xi32>
    %jit3A_61 = arith.constant 8 : i32
    %eq3A_62 = arith.constant 0 : i32
    %eq3A_63 = arith.cmpi eq, %jit3A_61, %eq3A_62 : i32
    %jit3A_64 = arith.constant 1 : i32
    %select_n3A_65 = arith.select %eq3A_63, %jit3A_64, %jit3A_61 : i32
    %rem3A_66 = vector.broadcast %select_n3A_65 : i32 to vector<8x128xi32>
    %rem3A_67 = arith.remsi %iota3A_60, %rem3A_66 : vector<8x128xi32>
    %ne3A_68 = arith.constant 0 : i32
    %ne3A_69 = vector.broadcast %ne3A_68 : i32 to vector<8x128xi32>
    %ne3A_70 = arith.cmpi ne, %rem3A_67, %ne3A_69 : vector<8x128xi32>
    %lt3A = arith.constant 0 : i32
    %lt3A_71 = vector.broadcast %lt3A : i32 to vector<8x128xi32>
    %lt3A_72 = arith.cmpi slt, %rem3A_67, %lt3A_71 : vector<8x128xi32>
    %lt3A_73 = arith.constant 0 : i32
    %lt3A_74 = arith.cmpi slt, %select_n3A_65, %lt3A_73 : i32
    %ne3A_75 = vector.broadcast %lt3A_74 : i1 to vector<8x128xi1>
    %ne3A_76 = vector.broadcast %ne3A_75 : vector<8x128xi1> to vector<8x128xi1>
    %ne3A_77 = arith.xori %lt3A_72, %ne3A_76 : vector<8x128xi1>
    %and3A_78 = arith.andi %ne3A_77, %ne3A_70 : vector<8x128xi1>
    %add3A = vector.broadcast %select_n3A_65 : i32 to vector<8x128xi32>
    %add3A_79 = arith.addi %rem3A_67, %add3A : vector<8x128xi32>
    %select_n3A_80 = arith.select %and3A_78, %add3A_79, %rem3A_67 : vector<8x128xi1>, vector<8x128xi32>
    %iota3A_81 = tpu.iota {dimensions = array<i32: 0>} : vector<8x128xi32>
    %eq3A_82 = arith.cmpi eq, %select_n3A_80, %iota3A_81 : vector<8x128xi32>
    %convert_element_type3A_83 = arith.extui %eq3A_82 : vector<8x128xi1> to vector<8x128xi32>
    %convert_element_type3A_84 = arith.sitofp %convert_element_type3A_83 : vector<8x128xi32> to vector<8x128xf32>
    %iota3A_85 = tpu.iota {dimensions = array<i32: 0>} : vector<128x8xi32>
    %jit3A_86 = arith.constant 8 : i32
    %eq3A_87 = arith.constant 0 : i32
    %eq3A_88 = arith.cmpi eq, %jit3A_86, %eq3A_87 : i32
    %jit3A_89 = arith.constant 1 : i32
    %select_n3A_90 = arith.select %eq3A_88, %jit3A_89, %jit3A_86 : i32
    %rem3A_91 = vector.broadcast %select_n3A_90 : i32 to vector<128x8xi32>
    %rem3A_92 = arith.remsi %iota3A_85, %rem3A_91 : vector<128x8xi32>
    %ne3A_93 = arith.constant 0 : i32
    %ne3A_94 = vector.broadcast %ne3A_93 : i32 to vector<128x8xi32>
    %ne3A_95 = arith.cmpi ne, %rem3A_92, %ne3A_94 : vector<128x8xi32>
    %lt3A_96 = arith.constant 0 : i32
    %lt3A_97 = vector.broadcast %lt3A_96 : i32 to vector<128x8xi32>
    %lt3A_98 = arith.cmpi slt, %rem3A_92, %lt3A_97 : vector<128x8xi32>
    %lt3A_99 = arith.constant 0 : i32
    %lt3A_100 = arith.cmpi slt, %select_n3A_90, %lt3A_99 : i32
    %ne3A_101 = vector.broadcast %lt3A_100 : i1 to vector<128x8xi1>
    %ne3A_102 = vector.broadcast %ne3A_101 : vector<128x8xi1> to vector<128x8xi1>
    %ne3A_103 = arith.xori %lt3A_98, %ne3A_102 : vector<128x8xi1>
    %and3A_104 = arith.andi %ne3A_103, %ne3A_95 : vector<128x8xi1>
    %add3A_105 = vector.broadcast %select_n3A_90 : i32 to vector<128x8xi32>
    %add3A_106 = arith.addi %rem3A_92, %add3A_105 : vector<128x8xi32>
    %select_n3A_107 = arith.select %and3A_104, %add3A_106, %rem3A_92 : vector<128x8xi1>, vector<128x8xi32>
    %iota3A_108 = tpu.iota {dimensions = array<i32: 1>} : vector<128x8xi32>
    %eq3A_109 = arith.cmpi eq, %select_n3A_107, %iota3A_108 : vector<128x8xi32>
    %convert_element_type3A_110 = arith.extui %eq3A_109 : vector<128x8xi1> to vector<128x8xi32>
    %convert_element_type3A_111 = arith.sitofp %convert_element_type3A_110 : vector<128x8xi32> to vector<128x8xf32>
    %get3A = arith.constant 0 : index
    %get3A_112 = arith.constant 0 : index
    %get3A_113 = vector.load %arg0[%get3A, %get3A_112] : memref<8x8xf32, #tpu.memory_space<vmem>>, vector<8x8xf32>
    %dot_general3A = arith.constant dense<0.000000e+00> : vector<8x128xf32>
    %dot_general3A_114 = tpu.matmul %get3A_113, %convert_element_type3A_84, %dot_general3A {dimension_numbers = #tpu.dot_dimension_numbers<[1], [0], [0], [1], [0, 0, 1, 1], [], []>, transpose_lhs_hint = false} : vector<8x8xf32>, vector<8x128xf32>, vector<8x128xf32> -> vector<8x128xf32>
    %dot_general3A_115 = arith.constant dense<0.000000e+00> : vector<128x128xf32>
    %dot_general3A_116 = tpu.matmul %convert_element_type3A_111, %dot_general3A_114, %dot_general3A_115 {dimension_numbers = #tpu.dot_dimension_numbers<[1], [0], [0], [1], [0, 0, 1, 1], [], []>, transpose_lhs_hint = false} : vector<128x8xf32>, vector<8x128xf32>, vector<128x128xf32> -> vector<128x128xf32>
    %mul3A_117 = arith.mulf %dot_general3A_116, %convert_element_type3A_55 : vector<128x128xf32>
    %swap3A_118 = arith.constant 0 : index
    %swap3A_119 = arith.constant 0 : index
    %swap3A_120 = vector.load %arg12[%swap3A_118, %swap3A_119] : memref<128x128xf32, #tpu.memory_space<vmem>>, vector<128x128xf32>
    tpu.vector_store %arg12[%swap3A_118, %swap3A_119], %mul3A_117 {strides = array<i32>} : memref<128x128xf32, #tpu.memory_space<vmem>>, vector<128x128xf32>,
    %get3A_121 = arith.constant 0 : index
    %get3A_122 = arith.constant 0 : index
    %get3A_123 = vector.load %arg6[%get3A_121, %get3A_122] : memref<8x8xf32, #tpu.memory_space<vmem>>, vector<8x8xf32>
    %dot_general3A_124 = arith.constant dense<0.000000e+00> : vector<8x128xf32>
    %dot_general3A_125 = tpu.matmul %get3A_123, %convert_element_type3A_84, %dot_general3A_124 {dimension_numbers = #tpu.dot_dimension_numbers<[1], [0], [0], [1], [0, 0, 1, 1], [], []>, transpose_lhs_hint = false} : vector<8x8xf32>, vector<8x128xf32>, vector<8x128xf32> -> vector<8x128xf32>
    %dot_general3A_126 = arith.constant dense<0.000000e+00> : vector<128x128xf32>
    %dot_general3A_127 = tpu.matmul %convert_element_type3A_111, %dot_general3A_125, %dot_general3A_126 {dimension_numbers = #tpu.dot_dimension_numbers<[1], [0], [0], [1], [0, 0, 1, 1], [], []>, transpose_lhs_hint = false} : vector<128x8xf32>, vector<8x128xf32>, vector<128x128xf32> -> vector<128x128xf32>
    %mul3A_128 = arith.mulf %dot_general3A_127, %convert_element_type3A_55 : vector<128x128xf32>
    %swap3A_129 = arith.constant 0 : index
    %swap3A_130 = arith.constant 0 : index
    %swap3A_131 = vector.load %arg13[%swap3A_129, %swap3A_130] : memref<128x128xf32, #tpu.memory_space<vmem>>, vector<128x128xf32>
    tpu.vector_store %arg13[%swap3A_129, %swap3A_130], %mul3A_128 {strides = array<i32>} : memref<128x128xf32, #tpu.memory_space<vmem>>, vector<128x128xf32>,
    %get3A_132 = arith.constant 0 : index
    %get3A_133 = arith.constant 0 : index
    %get3A_134 = vector.load %arg10[%get3A_132, %get3A_133] : memref<8x1xf32, #tpu.memory_space<vmem>>, vector<8x1xf32>
    %dot_general3A_135 = arith.constant dense<0.000000e+00> : vector<128x1xf32>
    %dot_general3A_136 = tpu.matmul %convert_element_type3A_111, %get3A_134, %dot_general3A_135 {dimension_numbers = #tpu.dot_dimension_numbers<[1], [0], [0], [1], [0, 0, 1, 1], [], []>, transpose_lhs_hint = false} : vector<128x8xf32>, vector<8x1xf32>, vector<128x1xf32> -> vector<128x1xf32>
    %jit3A_137 = arith.constant 8 : i32
    %div3A_138 = vector.broadcast %jit3A_137 : i32 to vector<128x128xi32>
    %div3A_139 = arith.divsi %iota3A, %div3A_138 : vector<128x128xi32>
    %sign3A_140 = arith.constant 0 : i32
    %sign3A_141 = vector.broadcast %sign3A_140 : i32 to vector<128x128xi32>
    %sign3A_142 = arith.cmpi sgt, %iota3A, %sign3A_141 : vector<128x128xi32>
    %sign3A_143 = arith.extui %sign3A_142 : vector<128x128xi1> to vector<128x128xi32>
    %sign3A_144 = arith.constant 0 : i32
    %sign3A_145 = vector.broadcast %sign3A_144 : i32 to vector<128x128xi32>
    %sign3A_146 = arith.cmpi slt, %iota3A, %sign3A_145 : vector<128x128xi32>
    %sign3A_147 = arith.extui %sign3A_146 : vector<128x128xi1> to vector<128x128xi32>
    %sign3A_148 = arith.subi %sign3A_143, %sign3A_147 : vector<128x128xi32>
    %sign3A_149 = arith.constant 0 : i32
    %sign3A_150 = arith.cmpi sgt, %jit3A_137, %sign3A_149 : i32
    %sign3A_151 = arith.extui %sign3A_150 : i1 to i32
    %sign3A_152 = arith.constant 0 : i32
    %sign3A_153 = arith.cmpi slt, %jit3A_137, %sign3A_152 : i32
    %sign3A_154 = arith.extui %sign3A_153 : i1 to i32
    %sign3A_155 = arith.subi %sign3A_151, %sign3A_154 : i32
    %ne3A_156 = vector.broadcast %sign3A_155 : i32 to vector<128x128xi32>
    %ne3A_157 = arith.cmpi ne, %sign3A_148, %ne3A_156 : vector<128x128xi32>
    %rem3A_158 = vector.broadcast %jit3A_137 : i32 to vector<128x128xi32>
    %rem3A_159 = arith.remsi %iota3A, %rem3A_158 : vector<128x128xi32>
    %ne3A_160 = arith.constant 0 : i32
    %ne3A_161 = vector.broadcast %ne3A_160 : i32 to vector<128x128xi32>
    %ne3A_162 = arith.cmpi ne, %rem3A_159, %ne3A_161 : vector<128x128xi32>
    %and3A_163 = arith.andi %ne3A_157, %ne3A_162 : vector<128x128xi1>
    %sub3A_164 = arith.constant 1 : i32
    %sub3A_165 = vector.broadcast %sub3A_164 : i32 to vector<128x128xi32>
    %sub3A_166 = arith.subi %div3A_139, %sub3A_165 : vector<128x128xi32>
    %select_n3A_167 = arith.select %and3A_163, %sub3A_166, %div3A_139 : vector<128x128xi1>, vector<128x128xi32>
    %add3A_168 = arith.constant 0 : i32
    %add3A_169 = vector.broadcast %add3A_168 : i32 to vector<128x128xi32>
    %add3A_170 = arith.addi %add3A_169, %select_n3A_167 : vector<128x128xi32>
    %eq3A_171 = arith.cmpi eq, %iota3A_0, %add3A_170 : vector<128x128xi32>
    %jit3A_172 = arith.constant 0.000000e+00 : f32
    %broadcast_in_dim3A = vector.shape_cast %dot_general3A_136 : vector<128x1xf32> to vector<128x1xf32>
    %broadcast_in_dim3A_173 = vector.broadcast %broadcast_in_dim3A : vector<128x1xf32> to vector<128x128xf32>
    %broadcast_in_dim3A_174 = vector.broadcast %jit3A_172 : f32 to vector<128x128xf32>
    %select_n3A_175 = arith.select %eq3A_171, %broadcast_in_dim3A_173, %broadcast_in_dim3A_174 : vector<128x128xi1>, vector<128x128xf32>
    %swap3A_176 = arith.constant 0 : index
    %swap3A_177 = arith.constant 0 : index
    %swap3A_178 = vector.load %arg14[%swap3A_176, %swap3A_177] : memref<1024x128xf32, #tpu.memory_space<vmem>>, vector<128x128xf32>
    tpu.vector_store %arg14[%swap3A_176, %swap3A_177], %select_n3A_175 {strides = array<i32>} : memref<1024x128xf32, #tpu.memory_space<vmem>>, vector<128x128xf32>,
    %jit3A_179 = arith.constant 8 : i32
    %div3A_180 = vector.broadcast %jit3A_179 : i32 to vector<128x128xi32>
    %div3A_181 = arith.divsi %iota3A, %div3A_180 : vector<128x128xi32>
    %sign3A_182 = arith.constant 0 : i32
    %sign3A_183 = vector.broadcast %sign3A_182 : i32 to vector<128x128xi32>
    %sign3A_184 = arith.cmpi sgt, %iota3A, %sign3A_183 : vector<128x128xi32>
    %sign3A_185 = arith.extui %sign3A_184 : vector<128x128xi1> to vector<128x128xi32>
    %sign3A_186 = arith.constant 0 : i32
    %sign3A_187 = vector.broadcast %sign3A_186 : i32 to vector<128x128xi32>
    %sign3A_188 = arith.cmpi slt, %iota3A, %sign3A_187 : vector<128x128xi32>
    %sign3A_189 = arith.extui %sign3A_188 : vector<128x128xi1> to vector<128x128xi32>
    %sign3A_190 = arith.subi %sign3A_185, %sign3A_189 : vector<128x128xi32>
    %sign3A_191 = arith.constant 0 : i32
    %sign3A_192 = arith.cmpi sgt, %jit3A_179, %sign3A_191 : i32
    %sign3A_193 = arith.extui %sign3A_192 : i1 to i32
    %sign3A_194 = arith.constant 0 : i32
    %sign3A_195 = arith.cmpi slt, %jit3A_179, %sign3A_194 : i32
    %sign3A_196 = arith.extui %sign3A_195 : i1 to i32
    %sign3A_197 = arith.subi %sign3A_193, %sign3A_196 : i32
    %ne3A_198 = vector.broadcast %sign3A_197 : i32 to vector<128x128xi32>
    %ne3A_199 = arith.cmpi ne, %sign3A_190, %ne3A_198 : vector<128x128xi32>
    %rem3A_200 = vector.broadcast %jit3A_179 : i32 to vector<128x128xi32>
    %rem3A_201 = arith.remsi %iota3A, %rem3A_200 : vector<128x128xi32>
    %ne3A_202 = arith.constant 0 : i32
    %ne3A_203 = vector.broadcast %ne3A_202 : i32 to vector<128x128xi32>
    %ne3A_204 = arith.cmpi ne, %rem3A_201, %ne3A_203 : vector<128x128xi32>
    %and3A_205 = arith.andi %ne3A_199, %ne3A_204 : vector<128x128xi1>
    %sub3A_206 = arith.constant 1 : i32
    %sub3A_207 = vector.broadcast %sub3A_206 : i32 to vector<128x128xi32>
    %sub3A_208 = arith.subi %div3A_181, %sub3A_207 : vector<128x128xi32>
    %select_n3A_209 = arith.select %and3A_205, %sub3A_208, %div3A_181 : vector<128x128xi1>, vector<128x128xi32>
    %add3A_210 = arith.constant 16 : i32
    %add3A_211 = vector.broadcast %add3A_210 : i32 to vector<128x128xi32>
    %add3A_212 = arith.addi %add3A_211, %select_n3A_209 : vector<128x128xi32>
    %eq3A_213 = arith.cmpi eq, %iota3A_0, %add3A_212 : vector<128x128xi32>
    %jit3A_214 = arith.constant 0.000000e+00 : f32
    %broadcast_in_dim3A_215 = vector.shape_cast %dot_general3A_136 : vector<128x1xf32> to vector<128x1xf32>
    %broadcast_in_dim3A_216 = vector.broadcast %broadcast_in_dim3A_215 : vector<128x1xf32> to vector<128x128xf32>
    %broadcast_in_dim3A_217 = vector.broadcast %jit3A_214 : f32 to vector<128x128xf32>
    %select_n3A_218 = arith.select %eq3A_213, %broadcast_in_dim3A_216, %broadcast_in_dim3A_217 : vector<128x128xi1>, vector<128x128xf32>
    %swap3A_219 = arith.constant 128 : index
    %swap3A_220 = arith.constant 0 : index
    %swap3A_221 = vector.load %arg14[%swap3A_219, %swap3A_220] : memref<1024x128xf32, #tpu.memory_space<vmem>>, vector<128x128xf32>
    tpu.vector_store %arg14[%swap3A_219, %swap3A_220], %select_n3A_218 {strides = array<i32>} : memref<1024x128xf32, #tpu.memory_space<vmem>>, vector<128x128xf32>,
    %jit3A_222 = arith.constant 8 : i32
    %div3A_223 = vector.broadcast %jit3A_222 : i32 to vector<128x128xi32>
    %div3A_224 = arith.divsi %iota3A, %div3A_223 : vector<128x128xi32>
    %sign3A_225 = arith.constant 0 : i32
    %sign3A_226 = vector.broadcast %sign3A_225 : i32 to vector<128x128xi32>
    %sign3A_227 = arith.cmpi sgt, %iota3A, %sign3A_226 : vector<128x128xi32>
    %sign3A_228 = arith.extui %sign3A_227 : vector<128x128xi1> to vector<128x128xi32>
    %sign3A_229 = arith.constant 0 : i32
    %sign3A_230 = vector.broadcast %sign3A_229 : i32 to vector<128x128xi32>
    %sign3A_231 = arith.cmpi slt, %iota3A, %sign3A_230 : vector<128x128xi32>
    %sign3A_232 = arith.extui %sign3A_231 : vector<128x128xi1> to vector<128x128xi32>
    %sign3A_233 = arith.subi %sign3A_228, %sign3A_232 : vector<128x128xi32>
    %sign3A_234 = arith.constant 0 : i32
    %sign3A_235 = arith.cmpi sgt, %jit3A_222, %sign3A_234 : i32
    %sign3A_236 = arith.extui %sign3A_235 : i1 to i32
    %sign3A_237 = arith.constant 0 : i32
    %sign3A_238 = arith.cmpi slt, %jit3A_222, %sign3A_237 : i32
    %sign3A_239 = arith.extui %sign3A_238 : i1 to i32
    %sign3A_240 = arith.subi %sign3A_236, %sign3A_239 : i32
    %ne3A_241 = vector.broadcast %sign3A_240 : i32 to vector<128x128xi32>
    %ne3A_242 = arith.cmpi ne, %sign3A_233, %ne3A_241 : vector<128x128xi32>
    %rem3A_243 = vector.broadcast %jit3A_222 : i32 to vector<128x128xi32>
    %rem3A_244 = arith.remsi %iota3A, %rem3A_243 : vector<128x128xi32>
    %ne3A_245 = arith.constant 0 : i32
    %ne3A_246 = vector.broadcast %ne3A_245 : i32 to vector<128x128xi32>
    %ne3A_247 = arith.cmpi ne, %rem3A_244, %ne3A_246 : vector<128x128xi32>
    %and3A_248 = arith.andi %ne3A_242, %ne3A_247 : vector<128x128xi1>
    %sub3A_249 = arith.constant 1 : i32
    %sub3A_250 = vector.broadcast %sub3A_249 : i32 to vector<128x128xi32>
    %sub3A_251 = arith.subi %div3A_224, %sub3A_250 : vector<128x128xi32>
    %select_n3A_252 = arith.select %and3A_248, %sub3A_251, %div3A_224 : vector<128x128xi1>, vector<128x128xi32>
    %add3A_253 = arith.constant 32 : i32
    %add3A_254 = vector.broadcast %add3A_253 : i32 to vector<128x128xi32>
    %add3A_255 = arith.addi %add3A_254, %select_n3A_252 : vector<128x128xi32>
    %eq3A_256 = arith.cmpi eq, %iota3A_0, %add3A_255 : vector<128x128xi32>
    %jit3A_257 = arith.constant 0.000000e+00 : f32
    %broadcast_in_dim3A_258 = vector.shape_cast %dot_general3A_136 : vector<128x1xf32> to vector<128x1xf32>
    %broadcast_in_dim3A_259 = vector.broadcast %broadcast_in_dim3A_258 : vector<128x1xf32> to vector<128x128xf32>
    %broadcast_in_dim3A_260 = vector.broadcast %jit3A_257 : f32 to vector<128x128xf32>
    %select_n3A_261 = arith.select %eq3A_256, %broadcast_in_dim3A_259, %broadcast_in_dim3A_260 : vector<128x128xi1>, vector<128x128xf32>
    %swap3A_262 = arith.constant 256 : index
    %swap3A_263 = arith.constant 0 : index
    %swap3A_264 = vector.load %arg14[%swap3A_262, %swap3A_263] : memref<1024x128xf32, #tpu.memory_space<vmem>>, vector<128x128xf32>
    tpu.vector_store %arg14[%swap3A_262, %swap3A_263], %select_n3A_261 {strides = array<i32>} : memref<1024x128xf32, #tpu.memory_space<vmem>>, vector<128x128xf32>,
    %jit3A_265 = arith.constant 8 : i32
    %div3A_266 = vector.broadcast %jit3A_265 : i32 to vector<128x128xi32>
    %div3A_267 = arith.divsi %iota3A, %div3A_266 : vector<128x128xi32>
    %sign3A_268 = arith.constant 0 : i32
    %sign3A_269 = vector.broadcast %sign3A_268 : i32 to vector<128x128xi32>
    %sign3A_270 = arith.cmpi sgt, %iota3A, %sign3A_269 : vector<128x128xi32>
    %sign3A_271 = arith.extui %sign3A_270 : vector<128x128xi1> to vector<128x128xi32>
    %sign3A_272 = arith.constant 0 : i32
    %sign3A_273 = vector.broadcast %sign3A_272 : i32 to vector<128x128xi32>
    %sign3A_274 = arith.cmpi slt, %iota3A, %sign3A_273 : vector<128x128xi32>
    %sign3A_275 = arith.extui %sign3A_274 : vector<128x128xi1> to vector<128x128xi32>
    %sign3A_276 = arith.subi %sign3A_271, %sign3A_275 : vector<128x128xi32>
    %sign3A_277 = arith.constant 0 : i32
    %sign3A_278 = arith.cmpi sgt, %jit3A_265, %sign3A_277 : i32
    %sign3A_279 = arith.extui %sign3A_278 : i1 to i32
    %sign3A_280 = arith.constant 0 : i32
    %sign3A_281 = arith.cmpi slt, %jit3A_265, %sign3A_280 : i32
    %sign3A_282 = arith.extui %sign3A_281 : i1 to i32
    %sign3A_283 = arith.subi %sign3A_279, %sign3A_282 : i32
    %ne3A_284 = vector.broadcast %sign3A_283 : i32 to vector<128x128xi32>
    %ne3A_285 = arith.cmpi ne, %sign3A_276, %ne3A_284 : vector<128x128xi32>
    %rem3A_286 = vector.broadcast %jit3A_265 : i32 to vector<128x128xi32>
    %rem3A_287 = arith.remsi %iota3A, %rem3A_286 : vector<128x128xi32>
    %ne3A_288 = arith.constant 0 : i32
    %ne3A_289 = vector.broadcast %ne3A_288 : i32 to vector<128x128xi32>
    %ne3A_290 = arith.cmpi ne, %rem3A_287, %ne3A_289 : vector<128x128xi32>
    %and3A_291 = arith.andi %ne3A_285, %ne3A_290 : vector<128x128xi1>
    %sub3A_292 = arith.constant 1 : i32
    %sub3A_293 = vector.broadcast %sub3A_292 : i32 to vector<128x128xi32>
    %sub3A_294 = arith.subi %div3A_267, %sub3A_293 : vector<128x128xi32>
    %select_n3A_295 = arith.select %and3A_291, %sub3A_294, %div3A_267 : vector<128x128xi1>, vector<128x128xi32>
    %add3A_296 = arith.constant 48 : i32
    %add3A_297 = vector.broadcast %add3A_296 : i32 to vector<128x128xi32>
    %add3A_298 = arith.addi %add3A_297, %select_n3A_295 : vector<128x128xi32>
    %eq3A_299 = arith.cmpi eq, %iota3A_0, %add3A_298 : vector<128x128xi32>
    %jit3A_300 = arith.constant 0.000000e+00 : f32
    %broadcast_in_dim3A_301 = vector.shape_cast %dot_general3A_136 : vector<128x1xf32> to vector<128x1xf32>
    %broadcast_in_dim3A_302 = vector.broadcast %broadcast_in_dim3A_301 : vector<128x1xf32> to vector<128x128xf32>
    %broadcast_in_dim3A_303 = vector.broadcast %jit3A_300 : f32 to vector<128x128xf32>
    %select_n3A_304 = arith.select %eq3A_299, %broadcast_in_dim3A_302, %broadcast_in_dim3A_303 : vector<128x128xi1>, vector<128x128xf32>
    %swap3A_305 = arith.constant 384 : index
    %swap3A_306 = arith.constant 0 : index
    %swap3A_307 = vector.load %arg14[%swap3A_305, %swap3A_306] : memref<1024x128xf32, #tpu.memory_space<vmem>>, vector<128x128xf32>
    tpu.vector_store %arg14[%swap3A_305, %swap3A_306], %select_n3A_304 {strides = array<i32>} : memref<1024x128xf32, #tpu.memory_space<vmem>>, vector<128x128xf32>,
    %jit3A_308 = arith.constant 8 : i32
    %div3A_309 = vector.broadcast %jit3A_308 : i32 to vector<128x128xi32>
    %div3A_310 = arith.divsi %iota3A, %div3A_309 : vector<128x128xi32>
    %sign3A_311 = arith.constant 0 : i32
    %sign3A_312 = vector.broadcast %sign3A_311 : i32 to vector<128x128xi32>
    %sign3A_313 = arith.cmpi sgt, %iota3A, %sign3A_312 : vector<128x128xi32>
    %sign3A_314 = arith.extui %sign3A_313 : vector<128x128xi1> to vector<128x128xi32>
    %sign3A_315 = arith.constant 0 : i32
    %sign3A_316 = vector.broadcast %sign3A_315 : i32 to vector<128x128xi32>
    %sign3A_317 = arith.cmpi slt, %iota3A, %sign3A_316 : vector<128x128xi32>
    %sign3A_318 = arith.extui %sign3A_317 : vector<128x128xi1> to vector<128x128xi32>
    %sign3A_319 = arith.subi %sign3A_314, %sign3A_318 : vector<128x128xi32>
    %sign3A_320 = arith.constant 0 : i32
    %sign3A_321 = arith.cmpi sgt, %jit3A_308, %sign3A_320 : i32
    %sign3A_322 = arith.extui %sign3A_321 : i1 to i32
    %sign3A_323 = arith.constant 0 : i32
    %sign3A_324 = arith.cmpi slt, %jit3A_308, %sign3A_323 : i32
    %sign3A_325 = arith.extui %sign3A_324 : i1 to i32
    %sign3A_326 = arith.subi %sign3A_322, %sign3A_325 : i32
    %ne3A_327 = vector.broadcast %sign3A_326 : i32 to vector<128x128xi32>
    %ne3A_328 = arith.cmpi ne, %sign3A_319, %ne3A_327 : vector<128x128xi32>
    %rem3A_329 = vector.broadcast %jit3A_308 : i32 to vector<128x128xi32>
    %rem3A_330 = arith.remsi %iota3A, %rem3A_329 : vector<128x128xi32>
    %ne3A_331 = arith.constant 0 : i32
    %ne3A_332 = vector.broadcast %ne3A_331 : i32 to vector<128x128xi32>
    %ne3A_333 = arith.cmpi ne, %rem3A_330, %ne3A_332 : vector<128x128xi32>
    %and3A_334 = arith.andi %ne3A_328, %ne3A_333 : vector<128x128xi1>
    %sub3A_335 = arith.constant 1 : i32
    %sub3A_336 = vector.broadcast %sub3A_335 : i32 to vector<128x128xi32>
    %sub3A_337 = arith.subi %div3A_310, %sub3A_336 : vector<128x128xi32>
    %select_n3A_338 = arith.select %and3A_334, %sub3A_337, %div3A_310 : vector<128x128xi1>, vector<128x128xi32>
    %add3A_339 = arith.constant 64 : i32
    %add3A_340 = vector.broadcast %add3A_339 : i32 to vector<128x128xi32>
    %add3A_341 = arith.addi %add3A_340, %select_n3A_338 : vector<128x128xi32>
    %eq3A_342 = arith.cmpi eq, %iota3A_0, %add3A_341 : vector<128x128xi32>
    %jit3A_343 = arith.constant 0.000000e+00 : f32
    %broadcast_in_dim3A_344 = vector.shape_cast %dot_general3A_136 : vector<128x1xf32> to vector<128x1xf32>
    %broadcast_in_dim3A_345 = vector.broadcast %broadcast_in_dim3A_344 : vector<128x1xf32> to vector<128x128xf32>
    %broadcast_in_dim3A_346 = vector.broadcast %jit3A_343 : f32 to vector<128x128xf32>
    %select_n3A_347 = arith.select %eq3A_342, %broadcast_in_dim3A_345, %broadcast_in_dim3A_346 : vector<128x128xi1>, vector<128x128xf32>
    %swap3A_348 = arith.constant 512 : index
    %swap3A_349 = arith.constant 0 : index
    %swap3A_350 = vector.load %arg14[%swap3A_348, %swap3A_349] : memref<1024x128xf32, #tpu.memory_space<vmem>>, vector<128x128xf32>
    tpu.vector_store %arg14[%swap3A_348, %swap3A_349], %select_n3A_347 {strides = array<i32>} : memref<1024x128xf32, #tpu.memory_space<vmem>>, vector<128x128xf32>,
    %jit3A_351 = arith.constant 8 : i32
    %div3A_352 = vector.broadcast %jit3A_351 : i32 to vector<128x128xi32>
    %div3A_353 = arith.divsi %iota3A, %div3A_352 : vector<128x128xi32>
    %sign3A_354 = arith.constant 0 : i32
    %sign3A_355 = vector.broadcast %sign3A_354 : i32 to vector<128x128xi32>
    %sign3A_356 = arith.cmpi sgt, %iota3A, %sign3A_355 : vector<128x128xi32>
    %sign3A_357 = arith.extui %sign3A_356 : vector<128x128xi1> to vector<128x128xi32>
    %sign3A_358 = arith.constant 0 : i32
    %sign3A_359 = vector.broadcast %sign3A_358 : i32 to vector<128x128xi32>
    %sign3A_360 = arith.cmpi slt, %iota3A, %sign3A_359 : vector<128x128xi32>
    %sign3A_361 = arith.extui %sign3A_360 : vector<128x128xi1> to vector<128x128xi32>
    %sign3A_362 = arith.subi %sign3A_357, %sign3A_361 : vector<128x128xi32>
    %sign3A_363 = arith.constant 0 : i32
    %sign3A_364 = arith.cmpi sgt, %jit3A_351, %sign3A_363 : i32
    %sign3A_365 = arith.extui %sign3A_364 : i1 to i32
    %sign3A_366 = arith.constant 0 : i32
    %sign3A_367 = arith.cmpi slt, %jit3A_351, %sign3A_366 : i32
    %sign3A_368 = arith.extui %sign3A_367 : i1 to i32
    %sign3A_369 = arith.subi %sign3A_365, %sign3A_368 : i32
    %ne3A_370 = vector.broadcast %sign3A_369 : i32 to vector<128x128xi32>
    %ne3A_371 = arith.cmpi ne, %sign3A_362, %ne3A_370 : vector<128x128xi32>
    %rem3A_372 = vector.broadcast %jit3A_351 : i32 to vector<128x128xi32>
    %rem3A_373 = arith.remsi %iota3A, %rem3A_372 : vector<128x128xi32>
    %ne3A_374 = arith.constant 0 : i32
    %ne3A_375 = vector.broadcast %ne3A_374 : i32 to vector<128x128xi32>
    %ne3A_376 = arith.cmpi ne, %rem3A_373, %ne3A_375 : vector<128x128xi32>
    %and3A_377 = arith.andi %ne3A_371, %ne3A_376 : vector<128x128xi1>
    %sub3A_378 = arith.constant 1 : i32
    %sub3A_379 = vector.broadcast %sub3A_378 : i32 to vector<128x128xi32>
    %sub3A_380 = arith.subi %div3A_353, %sub3A_379 : vector<128x128xi32>
    %select_n3A_381 = arith.select %and3A_377, %sub3A_380, %div3A_353 : vector<128x128xi1>, vector<128x128xi32>
    %add3A_382 = arith.constant 80 : i32
    %add3A_383 = vector.broadcast %add3A_382 : i32 to vector<128x128xi32>
    %add3A_384 = arith.addi %add3A_383, %select_n3A_381 : vector<128x128xi32>
    %eq3A_385 = arith.cmpi eq, %iota3A_0, %add3A_384 : vector<128x128xi32>
    %jit3A_386 = arith.constant 0.000000e+00 : f32
    %broadcast_in_dim3A_387 = vector.shape_cast %dot_general3A_136 : vector<128x1xf32> to vector<128x1xf32>
    %broadcast_in_dim3A_388 = vector.broadcast %broadcast_in_dim3A_387 : vector<128x1xf32> to vector<128x128xf32>
    %broadcast_in_dim3A_389 = vector.broadcast %jit3A_386 : f32 to vector<128x128xf32>
    %select_n3A_390 = arith.select %eq3A_385, %broadcast_in_dim3A_388, %broadcast_in_dim3A_389 : vector<128x128xi1>, vector<128x128xf32>
    %swap3A_391 = arith.constant 640 : index
    %swap3A_392 = arith.constant 0 : index
    %swap3A_393 = vector.load %arg14[%swap3A_391, %swap3A_392] : memref<1024x128xf32, #tpu.memory_space<vmem>>, vector<128x128xf32>
    tpu.vector_store %arg14[%swap3A_391, %swap3A_392], %select_n3A_390 {strides = array<i32>} : memref<1024x128xf32, #tpu.memory_space<vmem>>, vector<128x128xf32>,
    %jit3A_394 = arith.constant 8 : i32
    %div3A_395 = vector.broadcast %jit3A_394 : i32 to vector<128x128xi32>
    %div3A_396 = arith.divsi %iota3A, %div3A_395 : vector<128x128xi32>
    %sign3A_397 = arith.constant 0 : i32
    %sign3A_398 = vector.broadcast %sign3A_397 : i32 to vector<128x128xi32>
    %sign3A_399 = arith.cmpi sgt, %iota3A, %sign3A_398 : vector<128x128xi32>
    %sign3A_400 = arith.extui %sign3A_399 : vector<128x128xi1> to vector<128x128xi32>
    %sign3A_401 = arith.constant 0 : i32
    %sign3A_402 = vector.broadcast %sign3A_401 : i32 to vector<128x128xi32>
    %sign3A_403 = arith.cmpi slt, %iota3A, %sign3A_402 : vector<128x128xi32>
    %sign3A_404 = arith.extui %sign3A_403 : vector<128x128xi1> to vector<128x128xi32>
    %sign3A_405 = arith.subi %sign3A_400, %sign3A_404 : vector<128x128xi32>
    %sign3A_406 = arith.constant 0 : i32
    %sign3A_407 = arith.cmpi sgt, %jit3A_394, %sign3A_406 : i32
    %sign3A_408 = arith.extui %sign3A_407 : i1 to i32
    %sign3A_409 = arith.constant 0 : i32
    %sign3A_410 = arith.cmpi slt, %jit3A_394, %sign3A_409 : i32
    %sign3A_411 = arith.extui %sign3A_410 : i1 to i32
    %sign3A_412 = arith.subi %sign3A_408, %sign3A_411 : i32
    %ne3A_413 = vector.broadcast %sign3A_412 : i32 to vector<128x128xi32>
    %ne3A_414 = arith.cmpi ne, %sign3A_405, %ne3A_413 : vector<128x128xi32>
    %rem3A_415 = vector.broadcast %jit3A_394 : i32 to vector<128x128xi32>
    %rem3A_416 = arith.remsi %iota3A, %rem3A_415 : vector<128x128xi32>
    %ne3A_417 = arith.constant 0 : i32
    %ne3A_418 = vector.broadcast %ne3A_417 : i32 to vector<128x128xi32>
    %ne3A_419 = arith.cmpi ne, %rem3A_416, %ne3A_418 : vector<128x128xi32>
    %and3A_420 = arith.andi %ne3A_414, %ne3A_419 : vector<128x128xi1>
    %sub3A_421 = arith.constant 1 : i32
    %sub3A_422 = vector.broadcast %sub3A_421 : i32 to vector<128x128xi32>
    %sub3A_423 = arith.subi %div3A_396, %sub3A_422 : vector<128x128xi32>
    %select_n3A_424 = arith.select %and3A_420, %sub3A_423, %div3A_396 : vector<128x128xi1>, vector<128x128xi32>
    %add3A_425 = arith.constant 96 : i32
    %add3A_426 = vector.broadcast %add3A_425 : i32 to vector<128x128xi32>
    %add3A_427 = arith.addi %add3A_426, %select_n3A_424 : vector<128x128xi32>
    %eq3A_428 = arith.cmpi eq, %iota3A_0, %add3A_427 : vector<128x128xi32>
    %jit3A_429 = arith.constant 0.000000e+00 : f32
    %broadcast_in_dim3A_430 = vector.shape_cast %dot_general3A_136 : vector<128x1xf32> to vector<128x1xf32>
    %broadcast_in_dim3A_431 = vector.broadcast %broadcast_in_dim3A_430 : vector<128x1xf32> to vector<128x128xf32>
    %broadcast_in_dim3A_432 = vector.broadcast %jit3A_429 : f32 to vector<128x128xf32>
    %select_n3A_433 = arith.select %eq3A_428, %broadcast_in_dim3A_431, %broadcast_in_dim3A_432 : vector<128x128xi1>, vector<128x128xf32>
    %swap3A_434 = arith.constant 768 : index
    %swap3A_435 = arith.constant 0 : index
    %swap3A_436 = vector.load %arg14[%swap3A_434, %swap3A_435] : memref<1024x128xf32, #tpu.memory_space<vmem>>, vector<128x128xf32>
    tpu.vector_store %arg14[%swap3A_434, %swap3A_435], %select_n3A_433 {strides = array<i32>} : memref<1024x128xf32, #tpu.memory_space<vmem>>, vector<128x128xf32>,
    %jit3A_437 = arith.constant 8 : i32
    %div3A_438 = vector.broadcast %jit3A_437 : i32 to vector<128x128xi32>
    %div3A_439 = arith.divsi %iota3A, %div3A_438 : vector<128x128xi32>
    %sign3A_440 = arith.constant 0 : i32
    %sign3A_441 = vector.broadcast %sign3A_440 : i32 to vector<128x128xi32>
    %sign3A_442 = arith.cmpi sgt, %iota3A, %sign3A_441 : vector<128x128xi32>
    %sign3A_443 = arith.extui %sign3A_442 : vector<128x128xi1> to vector<128x128xi32>
    %sign3A_444 = arith.constant 0 : i32
    %sign3A_445 = vector.broadcast %sign3A_444 : i32 to vector<128x128xi32>
    %sign3A_446 = arith.cmpi slt, %iota3A, %sign3A_445 : vector<128x128xi32>
    %sign3A_447 = arith.extui %sign3A_446 : vector<128x128xi1> to vector<128x128xi32>
    %sign3A_448 = arith.subi %sign3A_443, %sign3A_447 : vector<128x128xi32>
    %sign3A_449 = arith.constant 0 : i32
    %sign3A_450 = arith.cmpi sgt, %jit3A_437, %sign3A_449 : i32
    %sign3A_451 = arith.extui %sign3A_450 : i1 to i32
    %sign3A_452 = arith.constant 0 : i32
    %sign3A_453 = arith.cmpi slt, %jit3A_437, %sign3A_452 : i32
    %sign3A_454 = arith.extui %sign3A_453 : i1 to i32
    %sign3A_455 = arith.subi %sign3A_451, %sign3A_454 : i32
    %ne3A_456 = vector.broadcast %sign3A_455 : i32 to vector<128x128xi32>
    %ne3A_457 = arith.cmpi ne, %sign3A_448, %ne3A_456 : vector<128x128xi32>
    %rem3A_458 = vector.broadcast %jit3A_437 : i32 to vector<128x128xi32>
    %rem3A_459 = arith.remsi %iota3A, %rem3A_458 : vector<128x128xi32>
    %ne3A_460 = arith.constant 0 : i32
    %ne3A_461 = vector.broadcast %ne3A_460 : i32 to vector<128x128xi32>
    %ne3A_462 = arith.cmpi ne, %rem3A_459, %ne3A_461 : vector<128x128xi32>
    %and3A_463 = arith.andi %ne3A_457, %ne3A_462 : vector<128x128xi1>
    %sub3A_464 = arith.constant 1 : i32
    %sub3A_465 = vector.broadcast %sub3A_464 : i32 to vector<128x128xi32>
    %sub3A_466 = arith.subi %div3A_439, %sub3A_465 : vector<128x128xi32>
    %select_n3A_467 = arith.select %and3A_463, %sub3A_466, %div3A_439 : vector<128x128xi1>, vector<128x128xi32>
    %add3A_468 = arith.constant 112 : i32
    %add3A_469 = vector.broadcast %add3A_468 : i32 to vector<128x128xi32>
    %add3A_470 = arith.addi %add3A_469, %select_n3A_467 : vector<128x128xi32>
    %eq3A_471 = arith.cmpi eq, %iota3A_0, %add3A_470 : vector<128x128xi32>
    %jit3A_472 = arith.constant 0.000000e+00 : f32
    %broadcast_in_dim3A_473 = vector.shape_cast %dot_general3A_136 : vector<128x1xf32> to vector<128x1xf32>
    %broadcast_in_dim3A_474 = vector.broadcast %broadcast_in_dim3A_473 : vector<128x1xf32> to vector<128x128xf32>
    %broadcast_in_dim3A_475 = vector.broadcast %jit3A_472 : f32 to vector<128x128xf32>
    %select_n3A_476 = arith.select %eq3A_471, %broadcast_in_dim3A_474, %broadcast_in_dim3A_475 : vector<128x128xi1>, vector<128x128xf32>
    %swap3A_477 = arith.constant 896 : index
    %swap3A_478 = arith.constant 0 : index
    %swap3A_479 = vector.load %arg14[%swap3A_477, %swap3A_478] : memref<1024x128xf32, #tpu.memory_space<vmem>>, vector<128x128xf32>
    tpu.vector_store %arg14[%swap3A_477, %swap3A_478], %select_n3A_476 {strides = array<i32>} : memref<1024x128xf32, #tpu.memory_space<vmem>>, vector<128x128xf32>,
    %get3A_480 = arith.constant 0 : index
    %get3A_481 = arith.constant 0 : index
    %get3A_482 = vector.load %arg2[%get3A_480, %get3A_481] : memref<1x8xf32, #tpu.memory_space<vmem>>, vector<1x8xf32>
    %dot_general3A_483 = arith.constant dense<0.000000e+00> : vector<1x128xf32>
    %dot_general3A_484 = tpu.matmul %get3A_482, %convert_element_type3A_84, %dot_general3A_483 {dimension_numbers = #tpu.dot_dimension_numbers<[1], [0], [0], [1], [0, 0, 1, 1], [], []>, transpose_lhs_hint = false} : vector<1x8xf32>, vector<8x128xf32>, vector<1x128xf32> -> vector<1x128xf32>
    %swap3A_485 = arith.constant 0 : index
    %swap3A_486 = arith.constant 0 : index
    %swap3A_487 = vector.load %arg15[%swap3A_485, %swap3A_486] : memref<1x128xf32, #tpu.memory_space<vmem>>, vector<1x128xf32>
    tpu.vector_store %arg15[%swap3A_485, %swap3A_486], %dot_general3A_484 {strides = array<i32>} : memref<1x128xf32, #tpu.memory_space<vmem>>, vector<1x128xf32>,
    %get3A_488 = arith.constant 0 : index
    %get3A_489 = arith.constant 0 : index
    %get3A_490 = vector.load %arg3[%get3A_488, %get3A_489] : memref<1x8xf32, #tpu.memory_space<vmem>>, vector<1x8xf32>
    %dot_general3A_491 = arith.constant dense<0.000000e+00> : vector<1x128xf32>
    %dot_general3A_492 = tpu.matmul %get3A_490, %convert_element_type3A_84, %dot_general3A_491 {dimension_numbers = #tpu.dot_dimension_numbers<[1], [0], [0], [1], [0, 0, 1, 1], [], []>, transpose_lhs_hint = false} : vector<1x8xf32>, vector<8x128xf32>, vector<1x128xf32> -> vector<1x128xf32>
    %swap3A_493 = arith.constant 0 : index
    %swap3A_494 = arith.constant 0 : index
    %swap3A_495 = vector.load %arg16[%swap3A_493, %swap3A_494] : memref<1x128xf32, #tpu.memory_space<vmem>>, vector<1x128xf32>
    tpu.vector_store %arg16[%swap3A_493, %swap3A_494], %dot_general3A_492 {strides = array<i32>} : memref<1x128xf32, #tpu.memory_space<vmem>>, vector<1x128xf32>,
    %get3A_496 = arith.constant 0 : index
    %get3A_497 = arith.constant 0 : index
    %get3A_498 = vector.load %arg4[%get3A_496, %get3A_497] : memref<1x8xf32, #tpu.memory_space<vmem>>, vector<1x8xf32>
    %dot_general3A_499 = arith.constant dense<0.000000e+00> : vector<1x128xf32>
    %dot_general3A_500 = tpu.matmul %get3A_498, %convert_element_type3A_84, %dot_general3A_499 {dimension_numbers = #tpu.dot_dimension_numbers<[1], [0], [0], [1], [0, 0, 1, 1], [], []>, transpose_lhs_hint = false} : vector<1x8xf32>, vector<8x128xf32>, vector<1x128xf32> -> vector<1x128xf32>
    %swap3A_501 = arith.constant 0 : index
    %swap3A_502 = arith.constant 0 : index
    %swap3A_503 = vector.load %arg17[%swap3A_501, %swap3A_502] : memref<1x128xf32, #tpu.memory_space<vmem>>, vector<1x128xf32>
    tpu.vector_store %arg17[%swap3A_501, %swap3A_502], %dot_general3A_500 {strides = array<i32>} : memref<1x128xf32, #tpu.memory_space<vmem>>, vector<1x128xf32>,
    %get3A_504 = arith.constant 0 : index
    %get3A_505 = arith.constant 0 : index
    %get3A_506 = vector.load %arg5[%get3A_504, %get3A_505] : memref<1x8xf32, #tpu.memory_space<vmem>>, vector<1x8xf32>
    %dot_general3A_507 = arith.constant dense<0.000000e+00> : vector<1x128xf32>
    %dot_general3A_508 = tpu.matmul %get3A_506, %convert_element_type3A_84, %dot_general3A_507 {dimension_numbers = #tpu.dot_dimension_numbers<[1], [0], [0], [1], [0, 0, 1, 1], [], []>, transpose_lhs_hint = false} : vector<1x8xf32>, vector<8x128xf32>, vector<1x128xf32> -> vector<1x128xf32>
    %swap3A_509 = arith.constant 0 : index
    %swap3A_510 = arith.constant 0 : index
    %swap3A_511 = vector.load %arg18[%swap3A_509, %swap3A_510] : memref<1x128xf32, #tpu.memory_space<vmem>>, vector<1x128xf32>
    tpu.vector_store %arg18[%swap3A_509, %swap3A_510], %dot_general3A_508 {strides = array<i32>} : memref<1x128xf32, #tpu.memory_space<vmem>>, vector<1x128xf32>,
    %get3A_512 = arith.constant 0 : index
    %get3A_513 = arith.constant 0 : index
    %get3A_514 = vector.load %arg8[%get3A_512, %get3A_513] : memref<1x8xf32, #tpu.memory_space<vmem>>, vector<1x8xf32>
    %dot_general3A_515 = arith.constant dense<0.000000e+00> : vector<1x128xf32>
    %dot_general3A_516 = tpu.matmul %get3A_514, %convert_element_type3A_84, %dot_general3A_515 {dimension_numbers = #tpu.dot_dimension_numbers<[1], [0], [0], [1], [0, 0, 1, 1], [], []>, transpose_lhs_hint = false} : vector<1x8xf32>, vector<8x128xf32>, vector<1x128xf32> -> vector<1x128xf32>
    %swap3A_517 = arith.constant 0 : index
    %swap3A_518 = arith.constant 0 : index
    %swap3A_519 = vector.load %arg19[%swap3A_517, %swap3A_518] : memref<1x128xf32, #tpu.memory_space<vmem>>, vector<1x128xf32>
    tpu.vector_store %arg19[%swap3A_517, %swap3A_518], %dot_general3A_516 {strides = array<i32>} : memref<1x128xf32, #tpu.memory_space<vmem>>, vector<1x128xf32>,
    %get3A_520 = arith.constant 0 : index
    %get3A_521 = arith.constant 0 : index
    %get3A_522 = vector.load %arg9[%get3A_520, %get3A_521] : memref<1x8xf32, #tpu.memory_space<vmem>>, vector<1x8xf32>
    %dot_general3A_523 = arith.constant dense<0.000000e+00> : vector<1x128xf32>
    %dot_general3A_524 = tpu.matmul %get3A_522, %convert_element_type3A_84, %dot_general3A_523 {dimension_numbers = #tpu.dot_dimension_numbers<[1], [0], [0], [1], [0, 0, 1, 1], [], []>, transpose_lhs_hint = false} : vector<1x8xf32>, vector<8x128xf32>, vector<1x128xf32> -> vector<1x128xf32>
    %swap3A_525 = arith.constant 0 : index
    %swap3A_526 = arith.constant 0 : index
    %swap3A_527 = vector.load %arg20[%swap3A_525, %swap3A_526] : memref<1x128xf32, #tpu.memory_space<vmem>>, vector<1x128xf32>
    tpu.vector_store %arg20[%swap3A_525, %swap3A_526], %dot_general3A_524 {strides = array<i32>} : memref<1x128xf32, #tpu.memory_space<vmem>>, vector<1x128xf32>,
    %get3A_528 = arith.constant 0 : index
    %get3A_529 = arith.constant 0 : index
    %get3A_530 = vector.load %arg1[%get3A_528, %get3A_529] : memref<1x8xf32, #tpu.memory_space<vmem>>, vector<1x8xf32>
    %dot_general3A_531 = arith.constant dense<0.000000e+00> : vector<1x128xf32>
    %dot_general3A_532 = tpu.matmul %get3A_530, %convert_element_type3A_84, %dot_general3A_531 {dimension_numbers = #tpu.dot_dimension_numbers<[1], [0], [0], [1], [0, 0, 1, 1], [], []>, transpose_lhs_hint = false} : vector<1x8xf32>, vector<8x128xf32>, vector<1x128xf32> -> vector<1x128xf32>
    %swap3A_533 = arith.constant 0 : index
    %swap3A_534 = arith.constant 0 : index
    %swap3A_535 = vector.load %arg21[%swap3A_533, %swap3A_534] : memref<1x128xf32, #tpu.memory_space<vmem>>, vector<1x128xf32>
    tpu.vector_store %arg21[%swap3A_533, %swap3A_534], %dot_general3A_532 {strides = array<i32>} : memref<1x128xf32, #tpu.memory_space<vmem>>, vector<1x128xf32>,
    %get3A_536 = arith.constant 0 : index
    %get3A_537 = arith.constant 0 : index
    %get3A_538 = vector.load %arg7[%get3A_536, %get3A_537] : memref<1x8xf32, #tpu.memory_space<vmem>>, vector<1x8xf32>
    %dot_general3A_539 = arith.constant dense<0.000000e+00> : vector<1x128xf32>
    %dot_general3A_540 = tpu.matmul %get3A_538, %convert_element_type3A_84, %dot_general3A_539 {dimension_numbers = #tpu.dot_dimension_numbers<[1], [0], [0], [1], [0, 0, 1, 1], [], []>, transpose_lhs_hint = false} : vector<1x8xf32>, vector<8x128xf32>, vector<1x128xf32> -> vector<1x128xf32>
    %swap3A_541 = arith.constant 0 : index
    %swap3A_542 = arith.constant 0 : index
    %swap3A_543 = vector.load %arg22[%swap3A_541, %swap3A_542] : memref<1x128xf32, #tpu.memory_space<vmem>>, vector<1x128xf32>
    tpu.vector_store %arg22[%swap3A_541, %swap3A_542], %dot_general3A_540 {strides = array<i32>} : memref<1x128xf32, #tpu.memory_space<vmem>>, vector<1x128xf32>,
    return
  }
}

module attributes {stable_mosaic.version = 14 : i64} {
  func.func @_tables_body(%arg0: memref<10000x128xf32, #tpu.memory_space<vmem>>, %arg1: memref<64x128xf32, #tpu.memory_space<vmem>>, %arg2: memref<10000xi32, #tpu.memory_space<vmem>>, %arg3: memref<384x8xf32, #tpu.memory_space<vmem>>, %arg4: memref<1x8xf32, #tpu.memory_space<vmem>>, %arg5: memref<632x128xf32, #tpu.memory_space<vmem>>, %arg6: memref<632x128xf32, #tpu.memory_space<vmem>>) attributes {dimension_semantics = [], scalar_prefetch = 0 : i64, scratch_operands = 0 : i64, tpu.core_type = #tpu.core_type<tc>} {
    %get3A = arith.constant 0 : index
    %get3A_0 = arith.constant 0 : index
    %get3A_1 = vector.load %arg3[%get3A, %get3A_0] : memref<384x8xf32, #tpu.memory_space<vmem>>, vector<128x8xf32>
    %get3A_2 = arith.constant 128 : index
    %get3A_3 = arith.constant 0 : index
    %get3A_4 = vector.load %arg3[%get3A_2, %get3A_3] : memref<384x8xf32, #tpu.memory_space<vmem>>, vector<128x8xf32>
    %get3A_5 = arith.constant 256 : index
    %get3A_6 = arith.constant 0 : index
    %get3A_7 = vector.load %arg3[%get3A_5, %get3A_6] : memref<384x8xf32, #tpu.memory_space<vmem>>, vector<128x8xf32>
    %get3A_8 = arith.constant 0 : index
    %get3A_9 = arith.constant 0 : index
    %get3A_10 = vector.load %arg1[%get3A_8, %get3A_9] : memref<64x128xf32, #tpu.memory_space<vmem>>, vector<64x128xf32>
    %dot_general3A = arith.constant dense<0.000000e+00> : vector<64x8xf32>
    %dot_general3A_11 = tpu.matmul %get3A_10, %get3A_7, %dot_general3A {dimension_numbers = #tpu.dot_dimension_numbers<[1], [0], [0], [1], [0, 0, 1, 1], [], []>, transpose_lhs_hint = false} : vector<64x128xf32>, vector<128x8xf32>, vector<64x8xf32> -> vector<64x8xf32>
    %get3A_12 = arith.constant 0 : index
    %get3A_13 = arith.constant 0 : index
    %get3A_14 = vector.load %arg4[%get3A_12, %get3A_13] : memref<1x8xf32, #tpu.memory_space<vmem>>, vector<1x8xf32>
    %add3A = vector.broadcast %get3A_14 : vector<1x8xf32> to vector<64x8xf32>
    %add3A_15 = arith.addf %dot_general3A_11, %add3A : vector<64x8xf32>
    %get3A_16 = arith.constant 0 : index
    %get3A_17 = vector.load %arg2[%get3A_16] : memref<10000xi32, #tpu.memory_space<vmem>>, vector<10000xi32>
    %broadcast_in_dim3A = vector.shape_cast %get3A_17 : vector<10000xi32> to vector<1x10000xi32>
    %iota3A = tpu.iota {dimensions = array<i32: 0>} : vector<64x10000xi32>
    %eq3A = vector.broadcast %broadcast_in_dim3A : vector<1x10000xi32> to vector<64x10000xi32>
    %eq3A_18 = arith.cmpi eq, %eq3A, %iota3A : vector<64x10000xi32>
    %convert_element_type3A = arith.extui %eq3A_18 : vector<64x10000xi1> to vector<64x10000xi32>
    %convert_element_type3A_19 = arith.sitofp %convert_element_type3A : vector<64x10000xi32> to vector<64x10000xf32>
    %dot_general3A_20 = arith.constant dense<0.000000e+00> : vector<10000x8xf32>
    %dot_general3A_21 = tpu.matmul %convert_element_type3A_19, %add3A_15, %dot_general3A_20 {dimension_numbers = #tpu.dot_dimension_numbers<[0], [0], [1], [1], [0, 1, 1, 1], [], []>, transpose_lhs_hint = false} : vector<64x10000xf32>, vector<64x8xf32>, vector<10000x8xf32> -> vector<10000x8xf32>
    %get3A_22 = arith.constant 0 : index
    %get3A_23 = arith.constant 0 : index
    %get3A_24 = vector.load %arg0[%get3A_22, %get3A_23] : memref<10000x128xf32, #tpu.memory_space<vmem>>, vector<10000x128xf32>
    %dot_general3A_25 = arith.constant dense<0.000000e+00> : vector<10000x8xf32>
    %dot_general3A_26 = tpu.matmul %get3A_24, %get3A_1, %dot_general3A_25 {dimension_numbers = #tpu.dot_dimension_numbers<[1], [0], [0], [1], [0, 0, 1, 1], [], []>, transpose_lhs_hint = false} : vector<10000x128xf32>, vector<128x8xf32>, vector<10000x8xf32> -> vector<10000x8xf32>
    %add3A_27 = arith.addf %dot_general3A_26, %dot_general3A_21 : vector<10000x8xf32>
    %get3A_28 = arith.constant 0 : index
    %get3A_29 = arith.constant 0 : index
    %get3A_30 = vector.load %arg0[%get3A_28, %get3A_29] : memref<10000x128xf32, #tpu.memory_space<vmem>>, vector<10000x128xf32>
    %dot_general3A_31 = arith.constant dense<0.000000e+00> : vector<10000x8xf32>
    %dot_general3A_32 = tpu.matmul %get3A_30, %get3A_4, %dot_general3A_31 {dimension_numbers = #tpu.dot_dimension_numbers<[1], [0], [0], [1], [0, 0, 1, 1], [], []>, transpose_lhs_hint = false} : vector<10000x128xf32>, vector<128x8xf32>, vector<10000x8xf32> -> vector<10000x8xf32>
    %iota3A_33 = tpu.iota {dimensions = array<i32: 0>} : vector<8x128xi32>
    %iota3A_34 = tpu.iota {dimensions = array<i32: 1>} : vector<8x128xi32>
    %reshape3A = vector.shape_cast %add3A_27 : vector<10000x8xf32> to vector<625x16x8xf32>
    %reshape3A_35 = vector.shape_cast %dot_general3A_32 : vector<10000x8xf32> to vector<625x16x8xf32>
    %broadcast_in_dim3A_36 = arith.constant 0.000000e+00 : f32
    %broadcast_in_dim3A_37 = vector.broadcast %broadcast_in_dim3A_36 : f32 to vector<625x128xf32>
    %broadcast_in_dim3A_38 = arith.constant 0.000000e+00 : f32
    %broadcast_in_dim3A_39 = vector.broadcast %broadcast_in_dim3A_38 : f32 to vector<625x128xf32>
    %add3A_40 = arith.constant 0 : i32
    %add3A_41 = vector.broadcast %add3A_40 : i32 to vector<8x128xi32>
    %add3A_42 = arith.addi %add3A_41, %iota3A_33 : vector<8x128xi32>
    %eq3A_43 = arith.cmpi eq, %iota3A_34, %add3A_42 : vector<8x128xi32>
    %jit3A = arith.constant 1.000000e+00 : f32
    %jit3A_44 = arith.constant 0.000000e+00 : f32
    %broadcast_in_dim3A_45 = vector.broadcast %jit3A : f32 to vector<8x128xf32>
    %broadcast_in_dim3A_46 = vector.broadcast %jit3A_44 : f32 to vector<8x128xf32>
    %select_n3A = arith.select %eq3A_43, %broadcast_in_dim3A_45, %broadcast_in_dim3A_46 : vector<8x128xi1>, vector<8x128xf32>
    %slice3A = vector.extract_strided_slice %reshape3A {offsets = [0, 0, 0], sizes = [625, 1, 8], strides = [1, 1, 1]} : vector<625x16x8xf32> to vector<625x1x8xf32>
    %squeeze3A = vector.shape_cast %slice3A : vector<625x1x8xf32> to vector<625x8xf32>
    %dot_general3A_47 = arith.constant dense<0.000000e+00> : vector<625x128xf32>
    %dot_general3A_48 = tpu.matmul %squeeze3A, %select_n3A, %dot_general3A_47 {dimension_numbers = #tpu.dot_dimension_numbers<[1], [0], [0], [1], [0, 0, 1, 1], [], []>, transpose_lhs_hint = false} : vector<625x8xf32>, vector<8x128xf32>, vector<625x128xf32> -> vector<625x128xf32>
    %add3A_49 = arith.addf %broadcast_in_dim3A_37, %dot_general3A_48 : vector<625x128xf32>
    %slice3A_50 = vector.extract_strided_slice %reshape3A_35 {offsets = [0, 0, 0], sizes = [625, 1, 8], strides = [1, 1, 1]} : vector<625x16x8xf32> to vector<625x1x8xf32>
    %squeeze3A_51 = vector.shape_cast %slice3A_50 : vector<625x1x8xf32> to vector<625x8xf32>
    %dot_general3A_52 = arith.constant dense<0.000000e+00> : vector<625x128xf32>
    %dot_general3A_53 = tpu.matmul %squeeze3A_51, %select_n3A, %dot_general3A_52 {dimension_numbers = #tpu.dot_dimension_numbers<[1], [0], [0], [1], [0, 0, 1, 1], [], []>, transpose_lhs_hint = false} : vector<625x8xf32>, vector<8x128xf32>, vector<625x128xf32> -> vector<625x128xf32>
    %add3A_54 = arith.addf %broadcast_in_dim3A_39, %dot_general3A_53 : vector<625x128xf32>
    %add3A_55 = arith.constant 8 : i32
    %add3A_56 = vector.broadcast %add3A_55 : i32 to vector<8x128xi32>
    %add3A_57 = arith.addi %add3A_56, %iota3A_33 : vector<8x128xi32>
    %eq3A_58 = arith.cmpi eq, %iota3A_34, %add3A_57 : vector<8x128xi32>
    %jit3A_59 = arith.constant 1.000000e+00 : f32
    %jit3A_60 = arith.constant 0.000000e+00 : f32
    %broadcast_in_dim3A_61 = vector.broadcast %jit3A_59 : f32 to vector<8x128xf32>
    %broadcast_in_dim3A_62 = vector.broadcast %jit3A_60 : f32 to vector<8x128xf32>
    %select_n3A_63 = arith.select %eq3A_58, %broadcast_in_dim3A_61, %broadcast_in_dim3A_62 : vector<8x128xi1>, vector<8x128xf32>
    %slice3A_64 = vector.extract_strided_slice %reshape3A {offsets = [0, 1, 0], sizes = [625, 1, 8], strides = [1, 1, 1]} : vector<625x16x8xf32> to vector<625x1x8xf32>
    %squeeze3A_65 = vector.shape_cast %slice3A_64 : vector<625x1x8xf32> to vector<625x8xf32>
    %dot_general3A_66 = arith.constant dense<0.000000e+00> : vector<625x128xf32>
    %dot_general3A_67 = tpu.matmul %squeeze3A_65, %select_n3A_63, %dot_general3A_66 {dimension_numbers = #tpu.dot_dimension_numbers<[1], [0], [0], [1], [0, 0, 1, 1], [], []>, transpose_lhs_hint = false} : vector<625x8xf32>, vector<8x128xf32>, vector<625x128xf32> -> vector<625x128xf32>
    %add3A_68 = arith.addf %add3A_49, %dot_general3A_67 : vector<625x128xf32>
    %slice3A_69 = vector.extract_strided_slice %reshape3A_35 {offsets = [0, 1, 0], sizes = [625, 1, 8], strides = [1, 1, 1]} : vector<625x16x8xf32> to vector<625x1x8xf32>
    %squeeze3A_70 = vector.shape_cast %slice3A_69 : vector<625x1x8xf32> to vector<625x8xf32>
    %dot_general3A_71 = arith.constant dense<0.000000e+00> : vector<625x128xf32>
    %dot_general3A_72 = tpu.matmul %squeeze3A_70, %select_n3A_63, %dot_general3A_71 {dimension_numbers = #tpu.dot_dimension_numbers<[1], [0], [0], [1], [0, 0, 1, 1], [], []>, transpose_lhs_hint = false} : vector<625x8xf32>, vector<8x128xf32>, vector<625x128xf32> -> vector<625x128xf32>
    %add3A_73 = arith.addf %add3A_54, %dot_general3A_72 : vector<625x128xf32>
    %add3A_74 = arith.constant 16 : i32
    %add3A_75 = vector.broadcast %add3A_74 : i32 to vector<8x128xi32>
    %add3A_76 = arith.addi %add3A_75, %iota3A_33 : vector<8x128xi32>
    %eq3A_77 = arith.cmpi eq, %iota3A_34, %add3A_76 : vector<8x128xi32>
    %jit3A_78 = arith.constant 1.000000e+00 : f32
    %jit3A_79 = arith.constant 0.000000e+00 : f32
    %broadcast_in_dim3A_80 = vector.broadcast %jit3A_78 : f32 to vector<8x128xf32>
    %broadcast_in_dim3A_81 = vector.broadcast %jit3A_79 : f32 to vector<8x128xf32>
    %select_n3A_82 = arith.select %eq3A_77, %broadcast_in_dim3A_80, %broadcast_in_dim3A_81 : vector<8x128xi1>, vector<8x128xf32>
    %slice3A_83 = vector.extract_strided_slice %reshape3A {offsets = [0, 2, 0], sizes = [625, 1, 8], strides = [1, 1, 1]} : vector<625x16x8xf32> to vector<625x1x8xf32>
    %squeeze3A_84 = vector.shape_cast %slice3A_83 : vector<625x1x8xf32> to vector<625x8xf32>
    %dot_general3A_85 = arith.constant dense<0.000000e+00> : vector<625x128xf32>
    %dot_general3A_86 = tpu.matmul %squeeze3A_84, %select_n3A_82, %dot_general3A_85 {dimension_numbers = #tpu.dot_dimension_numbers<[1], [0], [0], [1], [0, 0, 1, 1], [], []>, transpose_lhs_hint = false} : vector<625x8xf32>, vector<8x128xf32>, vector<625x128xf32> -> vector<625x128xf32>
    %add3A_87 = arith.addf %add3A_68, %dot_general3A_86 : vector<625x128xf32>
    %slice3A_88 = vector.extract_strided_slice %reshape3A_35 {offsets = [0, 2, 0], sizes = [625, 1, 8], strides = [1, 1, 1]} : vector<625x16x8xf32> to vector<625x1x8xf32>
    %squeeze3A_89 = vector.shape_cast %slice3A_88 : vector<625x1x8xf32> to vector<625x8xf32>
    %dot_general3A_90 = arith.constant dense<0.000000e+00> : vector<625x128xf32>
    %dot_general3A_91 = tpu.matmul %squeeze3A_89, %select_n3A_82, %dot_general3A_90 {dimension_numbers = #tpu.dot_dimension_numbers<[1], [0], [0], [1], [0, 0, 1, 1], [], []>, transpose_lhs_hint = false} : vector<625x8xf32>, vector<8x128xf32>, vector<625x128xf32> -> vector<625x128xf32>
    %add3A_92 = arith.addf %add3A_73, %dot_general3A_91 : vector<625x128xf32>
    %add3A_93 = arith.constant 24 : i32
    %add3A_94 = vector.broadcast %add3A_93 : i32 to vector<8x128xi32>
    %add3A_95 = arith.addi %add3A_94, %iota3A_33 : vector<8x128xi32>
    %eq3A_96 = arith.cmpi eq, %iota3A_34, %add3A_95 : vector<8x128xi32>
    %jit3A_97 = arith.constant 1.000000e+00 : f32
    %jit3A_98 = arith.constant 0.000000e+00 : f32
    %broadcast_in_dim3A_99 = vector.broadcast %jit3A_97 : f32 to vector<8x128xf32>
    %broadcast_in_dim3A_100 = vector.broadcast %jit3A_98 : f32 to vector<8x128xf32>
    %select_n3A_101 = arith.select %eq3A_96, %broadcast_in_dim3A_99, %broadcast_in_dim3A_100 : vector<8x128xi1>, vector<8x128xf32>
    %slice3A_102 = vector.extract_strided_slice %reshape3A {offsets = [0, 3, 0], sizes = [625, 1, 8], strides = [1, 1, 1]} : vector<625x16x8xf32> to vector<625x1x8xf32>
    %squeeze3A_103 = vector.shape_cast %slice3A_102 : vector<625x1x8xf32> to vector<625x8xf32>
    %dot_general3A_104 = arith.constant dense<0.000000e+00> : vector<625x128xf32>
    %dot_general3A_105 = tpu.matmul %squeeze3A_103, %select_n3A_101, %dot_general3A_104 {dimension_numbers = #tpu.dot_dimension_numbers<[1], [0], [0], [1], [0, 0, 1, 1], [], []>, transpose_lhs_hint = false} : vector<625x8xf32>, vector<8x128xf32>, vector<625x128xf32> -> vector<625x128xf32>
    %add3A_106 = arith.addf %add3A_87, %dot_general3A_105 : vector<625x128xf32>
    %slice3A_107 = vector.extract_strided_slice %reshape3A_35 {offsets = [0, 3, 0], sizes = [625, 1, 8], strides = [1, 1, 1]} : vector<625x16x8xf32> to vector<625x1x8xf32>
    %squeeze3A_108 = vector.shape_cast %slice3A_107 : vector<625x1x8xf32> to vector<625x8xf32>
    %dot_general3A_109 = arith.constant dense<0.000000e+00> : vector<625x128xf32>
    %dot_general3A_110 = tpu.matmul %squeeze3A_108, %select_n3A_101, %dot_general3A_109 {dimension_numbers = #tpu.dot_dimension_numbers<[1], [0], [0], [1], [0, 0, 1, 1], [], []>, transpose_lhs_hint = false} : vector<625x8xf32>, vector<8x128xf32>, vector<625x128xf32> -> vector<625x128xf32>
    %add3A_111 = arith.addf %add3A_92, %dot_general3A_110 : vector<625x128xf32>
    %add3A_112 = arith.constant 32 : i32
    %add3A_113 = vector.broadcast %add3A_112 : i32 to vector<8x128xi32>
    %add3A_114 = arith.addi %add3A_113, %iota3A_33 : vector<8x128xi32>
    %eq3A_115 = arith.cmpi eq, %iota3A_34, %add3A_114 : vector<8x128xi32>
    %jit3A_116 = arith.constant 1.000000e+00 : f32
    %jit3A_117 = arith.constant 0.000000e+00 : f32
    %broadcast_in_dim3A_118 = vector.broadcast %jit3A_116 : f32 to vector<8x128xf32>
    %broadcast_in_dim3A_119 = vector.broadcast %jit3A_117 : f32 to vector<8x128xf32>
    %select_n3A_120 = arith.select %eq3A_115, %broadcast_in_dim3A_118, %broadcast_in_dim3A_119 : vector<8x128xi1>, vector<8x128xf32>
    %slice3A_121 = vector.extract_strided_slice %reshape3A {offsets = [0, 4, 0], sizes = [625, 1, 8], strides = [1, 1, 1]} : vector<625x16x8xf32> to vector<625x1x8xf32>
    %squeeze3A_122 = vector.shape_cast %slice3A_121 : vector<625x1x8xf32> to vector<625x8xf32>
    %dot_general3A_123 = arith.constant dense<0.000000e+00> : vector<625x128xf32>
    %dot_general3A_124 = tpu.matmul %squeeze3A_122, %select_n3A_120, %dot_general3A_123 {dimension_numbers = #tpu.dot_dimension_numbers<[1], [0], [0], [1], [0, 0, 1, 1], [], []>, transpose_lhs_hint = false} : vector<625x8xf32>, vector<8x128xf32>, vector<625x128xf32> -> vector<625x128xf32>
    %add3A_125 = arith.addf %add3A_106, %dot_general3A_124 : vector<625x128xf32>
    %slice3A_126 = vector.extract_strided_slice %reshape3A_35 {offsets = [0, 4, 0], sizes = [625, 1, 8], strides = [1, 1, 1]} : vector<625x16x8xf32> to vector<625x1x8xf32>
    %squeeze3A_127 = vector.shape_cast %slice3A_126 : vector<625x1x8xf32> to vector<625x8xf32>
    %dot_general3A_128 = arith.constant dense<0.000000e+00> : vector<625x128xf32>
    %dot_general3A_129 = tpu.matmul %squeeze3A_127, %select_n3A_120, %dot_general3A_128 {dimension_numbers = #tpu.dot_dimension_numbers<[1], [0], [0], [1], [0, 0, 1, 1], [], []>, transpose_lhs_hint = false} : vector<625x8xf32>, vector<8x128xf32>, vector<625x128xf32> -> vector<625x128xf32>
    %add3A_130 = arith.addf %add3A_111, %dot_general3A_129 : vector<625x128xf32>
    %add3A_131 = arith.constant 40 : i32
    %add3A_132 = vector.broadcast %add3A_131 : i32 to vector<8x128xi32>
    %add3A_133 = arith.addi %add3A_132, %iota3A_33 : vector<8x128xi32>
    %eq3A_134 = arith.cmpi eq, %iota3A_34, %add3A_133 : vector<8x128xi32>
    %jit3A_135 = arith.constant 1.000000e+00 : f32
    %jit3A_136 = arith.constant 0.000000e+00 : f32
    %broadcast_in_dim3A_137 = vector.broadcast %jit3A_135 : f32 to vector<8x128xf32>
    %broadcast_in_dim3A_138 = vector.broadcast %jit3A_136 : f32 to vector<8x128xf32>
    %select_n3A_139 = arith.select %eq3A_134, %broadcast_in_dim3A_137, %broadcast_in_dim3A_138 : vector<8x128xi1>, vector<8x128xf32>
    %slice3A_140 = vector.extract_strided_slice %reshape3A {offsets = [0, 5, 0], sizes = [625, 1, 8], strides = [1, 1, 1]} : vector<625x16x8xf32> to vector<625x1x8xf32>
    %squeeze3A_141 = vector.shape_cast %slice3A_140 : vector<625x1x8xf32> to vector<625x8xf32>
    %dot_general3A_142 = arith.constant dense<0.000000e+00> : vector<625x128xf32>
    %dot_general3A_143 = tpu.matmul %squeeze3A_141, %select_n3A_139, %dot_general3A_142 {dimension_numbers = #tpu.dot_dimension_numbers<[1], [0], [0], [1], [0, 0, 1, 1], [], []>, transpose_lhs_hint = false} : vector<625x8xf32>, vector<8x128xf32>, vector<625x128xf32> -> vector<625x128xf32>
    %add3A_144 = arith.addf %add3A_125, %dot_general3A_143 : vector<625x128xf32>
    %slice3A_145 = vector.extract_strided_slice %reshape3A_35 {offsets = [0, 5, 0], sizes = [625, 1, 8], strides = [1, 1, 1]} : vector<625x16x8xf32> to vector<625x1x8xf32>
    %squeeze3A_146 = vector.shape_cast %slice3A_145 : vector<625x1x8xf32> to vector<625x8xf32>
    %dot_general3A_147 = arith.constant dense<0.000000e+00> : vector<625x128xf32>
    %dot_general3A_148 = tpu.matmul %squeeze3A_146, %select_n3A_139, %dot_general3A_147 {dimension_numbers = #tpu.dot_dimension_numbers<[1], [0], [0], [1], [0, 0, 1, 1], [], []>, transpose_lhs_hint = false} : vector<625x8xf32>, vector<8x128xf32>, vector<625x128xf32> -> vector<625x128xf32>
    %add3A_149 = arith.addf %add3A_130, %dot_general3A_148 : vector<625x128xf32>
    %add3A_150 = arith.constant 48 : i32
    %add3A_151 = vector.broadcast %add3A_150 : i32 to vector<8x128xi32>
    %add3A_152 = arith.addi %add3A_151, %iota3A_33 : vector<8x128xi32>
    %eq3A_153 = arith.cmpi eq, %iota3A_34, %add3A_152 : vector<8x128xi32>
    %jit3A_154 = arith.constant 1.000000e+00 : f32
    %jit3A_155 = arith.constant 0.000000e+00 : f32
    %broadcast_in_dim3A_156 = vector.broadcast %jit3A_154 : f32 to vector<8x128xf32>
    %broadcast_in_dim3A_157 = vector.broadcast %jit3A_155 : f32 to vector<8x128xf32>
    %select_n3A_158 = arith.select %eq3A_153, %broadcast_in_dim3A_156, %broadcast_in_dim3A_157 : vector<8x128xi1>, vector<8x128xf32>
    %slice3A_159 = vector.extract_strided_slice %reshape3A {offsets = [0, 6, 0], sizes = [625, 1, 8], strides = [1, 1, 1]} : vector<625x16x8xf32> to vector<625x1x8xf32>
    %squeeze3A_160 = vector.shape_cast %slice3A_159 : vector<625x1x8xf32> to vector<625x8xf32>
    %dot_general3A_161 = arith.constant dense<0.000000e+00> : vector<625x128xf32>
    %dot_general3A_162 = tpu.matmul %squeeze3A_160, %select_n3A_158, %dot_general3A_161 {dimension_numbers = #tpu.dot_dimension_numbers<[1], [0], [0], [1], [0, 0, 1, 1], [], []>, transpose_lhs_hint = false} : vector<625x8xf32>, vector<8x128xf32>, vector<625x128xf32> -> vector<625x128xf32>
    %add3A_163 = arith.addf %add3A_144, %dot_general3A_162 : vector<625x128xf32>
    %slice3A_164 = vector.extract_strided_slice %reshape3A_35 {offsets = [0, 6, 0], sizes = [625, 1, 8], strides = [1, 1, 1]} : vector<625x16x8xf32> to vector<625x1x8xf32>
    %squeeze3A_165 = vector.shape_cast %slice3A_164 : vector<625x1x8xf32> to vector<625x8xf32>
    %dot_general3A_166 = arith.constant dense<0.000000e+00> : vector<625x128xf32>
    %dot_general3A_167 = tpu.matmul %squeeze3A_165, %select_n3A_158, %dot_general3A_166 {dimension_numbers = #tpu.dot_dimension_numbers<[1], [0], [0], [1], [0, 0, 1, 1], [], []>, transpose_lhs_hint = false} : vector<625x8xf32>, vector<8x128xf32>, vector<625x128xf32> -> vector<625x128xf32>
    %add3A_168 = arith.addf %add3A_149, %dot_general3A_167 : vector<625x128xf32>
    %add3A_169 = arith.constant 56 : i32
    %add3A_170 = vector.broadcast %add3A_169 : i32 to vector<8x128xi32>
    %add3A_171 = arith.addi %add3A_170, %iota3A_33 : vector<8x128xi32>
    %eq3A_172 = arith.cmpi eq, %iota3A_34, %add3A_171 : vector<8x128xi32>
    %jit3A_173 = arith.constant 1.000000e+00 : f32
    %jit3A_174 = arith.constant 0.000000e+00 : f32
    %broadcast_in_dim3A_175 = vector.broadcast %jit3A_173 : f32 to vector<8x128xf32>
    %broadcast_in_dim3A_176 = vector.broadcast %jit3A_174 : f32 to vector<8x128xf32>
    %select_n3A_177 = arith.select %eq3A_172, %broadcast_in_dim3A_175, %broadcast_in_dim3A_176 : vector<8x128xi1>, vector<8x128xf32>
    %slice3A_178 = vector.extract_strided_slice %reshape3A {offsets = [0, 7, 0], sizes = [625, 1, 8], strides = [1, 1, 1]} : vector<625x16x8xf32> to vector<625x1x8xf32>
    %squeeze3A_179 = vector.shape_cast %slice3A_178 : vector<625x1x8xf32> to vector<625x8xf32>
    %dot_general3A_180 = arith.constant dense<0.000000e+00> : vector<625x128xf32>
    %dot_general3A_181 = tpu.matmul %squeeze3A_179, %select_n3A_177, %dot_general3A_180 {dimension_numbers = #tpu.dot_dimension_numbers<[1], [0], [0], [1], [0, 0, 1, 1], [], []>, transpose_lhs_hint = false} : vector<625x8xf32>, vector<8x128xf32>, vector<625x128xf32> -> vector<625x128xf32>
    %add3A_182 = arith.addf %add3A_163, %dot_general3A_181 : vector<625x128xf32>
    %slice3A_183 = vector.extract_strided_slice %reshape3A_35 {offsets = [0, 7, 0], sizes = [625, 1, 8], strides = [1, 1, 1]} : vector<625x16x8xf32> to vector<625x1x8xf32>
    %squeeze3A_184 = vector.shape_cast %slice3A_183 : vector<625x1x8xf32> to vector<625x8xf32>
    %dot_general3A_185 = arith.constant dense<0.000000e+00> : vector<625x128xf32>
    %dot_general3A_186 = tpu.matmul %squeeze3A_184, %select_n3A_177, %dot_general3A_185 {dimension_numbers = #tpu.dot_dimension_numbers<[1], [0], [0], [1], [0, 0, 1, 1], [], []>, transpose_lhs_hint = false} : vector<625x8xf32>, vector<8x128xf32>, vector<625x128xf32> -> vector<625x128xf32>
    %add3A_187 = arith.addf %add3A_168, %dot_general3A_186 : vector<625x128xf32>
    %add3A_188 = arith.constant 64 : i32
    %add3A_189 = vector.broadcast %add3A_188 : i32 to vector<8x128xi32>
    %add3A_190 = arith.addi %add3A_189, %iota3A_33 : vector<8x128xi32>
    %eq3A_191 = arith.cmpi eq, %iota3A_34, %add3A_190 : vector<8x128xi32>
    %jit3A_192 = arith.constant 1.000000e+00 : f32
    %jit3A_193 = arith.constant 0.000000e+00 : f32
    %broadcast_in_dim3A_194 = vector.broadcast %jit3A_192 : f32 to vector<8x128xf32>
    %broadcast_in_dim3A_195 = vector.broadcast %jit3A_193 : f32 to vector<8x128xf32>
    %select_n3A_196 = arith.select %eq3A_191, %broadcast_in_dim3A_194, %broadcast_in_dim3A_195 : vector<8x128xi1>, vector<8x128xf32>
    %slice3A_197 = vector.extract_strided_slice %reshape3A {offsets = [0, 8, 0], sizes = [625, 1, 8], strides = [1, 1, 1]} : vector<625x16x8xf32> to vector<625x1x8xf32>
    %squeeze3A_198 = vector.shape_cast %slice3A_197 : vector<625x1x8xf32> to vector<625x8xf32>
    %dot_general3A_199 = arith.constant dense<0.000000e+00> : vector<625x128xf32>
    %dot_general3A_200 = tpu.matmul %squeeze3A_198, %select_n3A_196, %dot_general3A_199 {dimension_numbers = #tpu.dot_dimension_numbers<[1], [0], [0], [1], [0, 0, 1, 1], [], []>, transpose_lhs_hint = false} : vector<625x8xf32>, vector<8x128xf32>, vector<625x128xf32> -> vector<625x128xf32>
    %add3A_201 = arith.addf %add3A_182, %dot_general3A_200 : vector<625x128xf32>
    %slice3A_202 = vector.extract_strided_slice %reshape3A_35 {offsets = [0, 8, 0], sizes = [625, 1, 8], strides = [1, 1, 1]} : vector<625x16x8xf32> to vector<625x1x8xf32>
    %squeeze3A_203 = vector.shape_cast %slice3A_202 : vector<625x1x8xf32> to vector<625x8xf32>
    %dot_general3A_204 = arith.constant dense<0.000000e+00> : vector<625x128xf32>
    %dot_general3A_205 = tpu.matmul %squeeze3A_203, %select_n3A_196, %dot_general3A_204 {dimension_numbers = #tpu.dot_dimension_numbers<[1], [0], [0], [1], [0, 0, 1, 1], [], []>, transpose_lhs_hint = false} : vector<625x8xf32>, vector<8x128xf32>, vector<625x128xf32> -> vector<625x128xf32>
    %add3A_206 = arith.addf %add3A_187, %dot_general3A_205 : vector<625x128xf32>
    %add3A_207 = arith.constant 72 : i32
    %add3A_208 = vector.broadcast %add3A_207 : i32 to vector<8x128xi32>
    %add3A_209 = arith.addi %add3A_208, %iota3A_33 : vector<8x128xi32>
    %eq3A_210 = arith.cmpi eq, %iota3A_34, %add3A_209 : vector<8x128xi32>
    %jit3A_211 = arith.constant 1.000000e+00 : f32
    %jit3A_212 = arith.constant 0.000000e+00 : f32
    %broadcast_in_dim3A_213 = vector.broadcast %jit3A_211 : f32 to vector<8x128xf32>
    %broadcast_in_dim3A_214 = vector.broadcast %jit3A_212 : f32 to vector<8x128xf32>
    %select_n3A_215 = arith.select %eq3A_210, %broadcast_in_dim3A_213, %broadcast_in_dim3A_214 : vector<8x128xi1>, vector<8x128xf32>
    %slice3A_216 = vector.extract_strided_slice %reshape3A {offsets = [0, 9, 0], sizes = [625, 1, 8], strides = [1, 1, 1]} : vector<625x16x8xf32> to vector<625x1x8xf32>
    %squeeze3A_217 = vector.shape_cast %slice3A_216 : vector<625x1x8xf32> to vector<625x8xf32>
    %dot_general3A_218 = arith.constant dense<0.000000e+00> : vector<625x128xf32>
    %dot_general3A_219 = tpu.matmul %squeeze3A_217, %select_n3A_215, %dot_general3A_218 {dimension_numbers = #tpu.dot_dimension_numbers<[1], [0], [0], [1], [0, 0, 1, 1], [], []>, transpose_lhs_hint = false} : vector<625x8xf32>, vector<8x128xf32>, vector<625x128xf32> -> vector<625x128xf32>
    %add3A_220 = arith.addf %add3A_201, %dot_general3A_219 : vector<625x128xf32>
    %slice3A_221 = vector.extract_strided_slice %reshape3A_35 {offsets = [0, 9, 0], sizes = [625, 1, 8], strides = [1, 1, 1]} : vector<625x16x8xf32> to vector<625x1x8xf32>
    %squeeze3A_222 = vector.shape_cast %slice3A_221 : vector<625x1x8xf32> to vector<625x8xf32>
    %dot_general3A_223 = arith.constant dense<0.000000e+00> : vector<625x128xf32>
    %dot_general3A_224 = tpu.matmul %squeeze3A_222, %select_n3A_215, %dot_general3A_223 {dimension_numbers = #tpu.dot_dimension_numbers<[1], [0], [0], [1], [0, 0, 1, 1], [], []>, transpose_lhs_hint = false} : vector<625x8xf32>, vector<8x128xf32>, vector<625x128xf32> -> vector<625x128xf32>
    %add3A_225 = arith.addf %add3A_206, %dot_general3A_224 : vector<625x128xf32>
    %add3A_226 = arith.constant 80 : i32
    %add3A_227 = vector.broadcast %add3A_226 : i32 to vector<8x128xi32>
    %add3A_228 = arith.addi %add3A_227, %iota3A_33 : vector<8x128xi32>
    %eq3A_229 = arith.cmpi eq, %iota3A_34, %add3A_228 : vector<8x128xi32>
    %jit3A_230 = arith.constant 1.000000e+00 : f32
    %jit3A_231 = arith.constant 0.000000e+00 : f32
    %broadcast_in_dim3A_232 = vector.broadcast %jit3A_230 : f32 to vector<8x128xf32>
    %broadcast_in_dim3A_233 = vector.broadcast %jit3A_231 : f32 to vector<8x128xf32>
    %select_n3A_234 = arith.select %eq3A_229, %broadcast_in_dim3A_232, %broadcast_in_dim3A_233 : vector<8x128xi1>, vector<8x128xf32>
    %slice3A_235 = vector.extract_strided_slice %reshape3A {offsets = [0, 10, 0], sizes = [625, 1, 8], strides = [1, 1, 1]} : vector<625x16x8xf32> to vector<625x1x8xf32>
    %squeeze3A_236 = vector.shape_cast %slice3A_235 : vector<625x1x8xf32> to vector<625x8xf32>
    %dot_general3A_237 = arith.constant dense<0.000000e+00> : vector<625x128xf32>
    %dot_general3A_238 = tpu.matmul %squeeze3A_236, %select_n3A_234, %dot_general3A_237 {dimension_numbers = #tpu.dot_dimension_numbers<[1], [0], [0], [1], [0, 0, 1, 1], [], []>, transpose_lhs_hint = false} : vector<625x8xf32>, vector<8x128xf32>, vector<625x128xf32> -> vector<625x128xf32>
    %add3A_239 = arith.addf %add3A_220, %dot_general3A_238 : vector<625x128xf32>
    %slice3A_240 = vector.extract_strided_slice %reshape3A_35 {offsets = [0, 10, 0], sizes = [625, 1, 8], strides = [1, 1, 1]} : vector<625x16x8xf32> to vector<625x1x8xf32>
    %squeeze3A_241 = vector.shape_cast %slice3A_240 : vector<625x1x8xf32> to vector<625x8xf32>
    %dot_general3A_242 = arith.constant dense<0.000000e+00> : vector<625x128xf32>
    %dot_general3A_243 = tpu.matmul %squeeze3A_241, %select_n3A_234, %dot_general3A_242 {dimension_numbers = #tpu.dot_dimension_numbers<[1], [0], [0], [1], [0, 0, 1, 1], [], []>, transpose_lhs_hint = false} : vector<625x8xf32>, vector<8x128xf32>, vector<625x128xf32> -> vector<625x128xf32>
    %add3A_244 = arith.addf %add3A_225, %dot_general3A_243 : vector<625x128xf32>
    %add3A_245 = arith.constant 88 : i32
    %add3A_246 = vector.broadcast %add3A_245 : i32 to vector<8x128xi32>
    %add3A_247 = arith.addi %add3A_246, %iota3A_33 : vector<8x128xi32>
    %eq3A_248 = arith.cmpi eq, %iota3A_34, %add3A_247 : vector<8x128xi32>
    %jit3A_249 = arith.constant 1.000000e+00 : f32
    %jit3A_250 = arith.constant 0.000000e+00 : f32
    %broadcast_in_dim3A_251 = vector.broadcast %jit3A_249 : f32 to vector<8x128xf32>
    %broadcast_in_dim3A_252 = vector.broadcast %jit3A_250 : f32 to vector<8x128xf32>
    %select_n3A_253 = arith.select %eq3A_248, %broadcast_in_dim3A_251, %broadcast_in_dim3A_252 : vector<8x128xi1>, vector<8x128xf32>
    %slice3A_254 = vector.extract_strided_slice %reshape3A {offsets = [0, 11, 0], sizes = [625, 1, 8], strides = [1, 1, 1]} : vector<625x16x8xf32> to vector<625x1x8xf32>
    %squeeze3A_255 = vector.shape_cast %slice3A_254 : vector<625x1x8xf32> to vector<625x8xf32>
    %dot_general3A_256 = arith.constant dense<0.000000e+00> : vector<625x128xf32>
    %dot_general3A_257 = tpu.matmul %squeeze3A_255, %select_n3A_253, %dot_general3A_256 {dimension_numbers = #tpu.dot_dimension_numbers<[1], [0], [0], [1], [0, 0, 1, 1], [], []>, transpose_lhs_hint = false} : vector<625x8xf32>, vector<8x128xf32>, vector<625x128xf32> -> vector<625x128xf32>
    %add3A_258 = arith.addf %add3A_239, %dot_general3A_257 : vector<625x128xf32>
    %slice3A_259 = vector.extract_strided_slice %reshape3A_35 {offsets = [0, 11, 0], sizes = [625, 1, 8], strides = [1, 1, 1]} : vector<625x16x8xf32> to vector<625x1x8xf32>
    %squeeze3A_260 = vector.shape_cast %slice3A_259 : vector<625x1x8xf32> to vector<625x8xf32>
    %dot_general3A_261 = arith.constant dense<0.000000e+00> : vector<625x128xf32>
    %dot_general3A_262 = tpu.matmul %squeeze3A_260, %select_n3A_253, %dot_general3A_261 {dimension_numbers = #tpu.dot_dimension_numbers<[1], [0], [0], [1], [0, 0, 1, 1], [], []>, transpose_lhs_hint = false} : vector<625x8xf32>, vector<8x128xf32>, vector<625x128xf32> -> vector<625x128xf32>
    %add3A_263 = arith.addf %add3A_244, %dot_general3A_262 : vector<625x128xf32>
    %add3A_264 = arith.constant 96 : i32
    %add3A_265 = vector.broadcast %add3A_264 : i32 to vector<8x128xi32>
    %add3A_266 = arith.addi %add3A_265, %iota3A_33 : vector<8x128xi32>
    %eq3A_267 = arith.cmpi eq, %iota3A_34, %add3A_266 : vector<8x128xi32>
    %jit3A_268 = arith.constant 1.000000e+00 : f32
    %jit3A_269 = arith.constant 0.000000e+00 : f32
    %broadcast_in_dim3A_270 = vector.broadcast %jit3A_268 : f32 to vector<8x128xf32>
    %broadcast_in_dim3A_271 = vector.broadcast %jit3A_269 : f32 to vector<8x128xf32>
    %select_n3A_272 = arith.select %eq3A_267, %broadcast_in_dim3A_270, %broadcast_in_dim3A_271 : vector<8x128xi1>, vector<8x128xf32>
    %slice3A_273 = vector.extract_strided_slice %reshape3A {offsets = [0, 12, 0], sizes = [625, 1, 8], strides = [1, 1, 1]} : vector<625x16x8xf32> to vector<625x1x8xf32>
    %squeeze3A_274 = vector.shape_cast %slice3A_273 : vector<625x1x8xf32> to vector<625x8xf32>
    %dot_general3A_275 = arith.constant dense<0.000000e+00> : vector<625x128xf32>
    %dot_general3A_276 = tpu.matmul %squeeze3A_274, %select_n3A_272, %dot_general3A_275 {dimension_numbers = #tpu.dot_dimension_numbers<[1], [0], [0], [1], [0, 0, 1, 1], [], []>, transpose_lhs_hint = false} : vector<625x8xf32>, vector<8x128xf32>, vector<625x128xf32> -> vector<625x128xf32>
    %add3A_277 = arith.addf %add3A_258, %dot_general3A_276 : vector<625x128xf32>
    %slice3A_278 = vector.extract_strided_slice %reshape3A_35 {offsets = [0, 12, 0], sizes = [625, 1, 8], strides = [1, 1, 1]} : vector<625x16x8xf32> to vector<625x1x8xf32>
    %squeeze3A_279 = vector.shape_cast %slice3A_278 : vector<625x1x8xf32> to vector<625x8xf32>
    %dot_general3A_280 = arith.constant dense<0.000000e+00> : vector<625x128xf32>
    %dot_general3A_281 = tpu.matmul %squeeze3A_279, %select_n3A_272, %dot_general3A_280 {dimension_numbers = #tpu.dot_dimension_numbers<[1], [0], [0], [1], [0, 0, 1, 1], [], []>, transpose_lhs_hint = false} : vector<625x8xf32>, vector<8x128xf32>, vector<625x128xf32> -> vector<625x128xf32>
    %add3A_282 = arith.addf %add3A_263, %dot_general3A_281 : vector<625x128xf32>
    %add3A_283 = arith.constant 104 : i32
    %add3A_284 = vector.broadcast %add3A_283 : i32 to vector<8x128xi32>
    %add3A_285 = arith.addi %add3A_284, %iota3A_33 : vector<8x128xi32>
    %eq3A_286 = arith.cmpi eq, %iota3A_34, %add3A_285 : vector<8x128xi32>
    %jit3A_287 = arith.constant 1.000000e+00 : f32
    %jit3A_288 = arith.constant 0.000000e+00 : f32
    %broadcast_in_dim3A_289 = vector.broadcast %jit3A_287 : f32 to vector<8x128xf32>
    %broadcast_in_dim3A_290 = vector.broadcast %jit3A_288 : f32 to vector<8x128xf32>
    %select_n3A_291 = arith.select %eq3A_286, %broadcast_in_dim3A_289, %broadcast_in_dim3A_290 : vector<8x128xi1>, vector<8x128xf32>
    %slice3A_292 = vector.extract_strided_slice %reshape3A {offsets = [0, 13, 0], sizes = [625, 1, 8], strides = [1, 1, 1]} : vector<625x16x8xf32> to vector<625x1x8xf32>
    %squeeze3A_293 = vector.shape_cast %slice3A_292 : vector<625x1x8xf32> to vector<625x8xf32>
    %dot_general3A_294 = arith.constant dense<0.000000e+00> : vector<625x128xf32>
    %dot_general3A_295 = tpu.matmul %squeeze3A_293, %select_n3A_291, %dot_general3A_294 {dimension_numbers = #tpu.dot_dimension_numbers<[1], [0], [0], [1], [0, 0, 1, 1], [], []>, transpose_lhs_hint = false} : vector<625x8xf32>, vector<8x128xf32>, vector<625x128xf32> -> vector<625x128xf32>
    %add3A_296 = arith.addf %add3A_277, %dot_general3A_295 : vector<625x128xf32>
    %slice3A_297 = vector.extract_strided_slice %reshape3A_35 {offsets = [0, 13, 0], sizes = [625, 1, 8], strides = [1, 1, 1]} : vector<625x16x8xf32> to vector<625x1x8xf32>
    %squeeze3A_298 = vector.shape_cast %slice3A_297 : vector<625x1x8xf32> to vector<625x8xf32>
    %dot_general3A_299 = arith.constant dense<0.000000e+00> : vector<625x128xf32>
    %dot_general3A_300 = tpu.matmul %squeeze3A_298, %select_n3A_291, %dot_general3A_299 {dimension_numbers = #tpu.dot_dimension_numbers<[1], [0], [0], [1], [0, 0, 1, 1], [], []>, transpose_lhs_hint = false} : vector<625x8xf32>, vector<8x128xf32>, vector<625x128xf32> -> vector<625x128xf32>
    %add3A_301 = arith.addf %add3A_282, %dot_general3A_300 : vector<625x128xf32>
    %add3A_302 = arith.constant 112 : i32
    %add3A_303 = vector.broadcast %add3A_302 : i32 to vector<8x128xi32>
    %add3A_304 = arith.addi %add3A_303, %iota3A_33 : vector<8x128xi32>
    %eq3A_305 = arith.cmpi eq, %iota3A_34, %add3A_304 : vector<8x128xi32>
    %jit3A_306 = arith.constant 1.000000e+00 : f32
    %jit3A_307 = arith.constant 0.000000e+00 : f32
    %broadcast_in_dim3A_308 = vector.broadcast %jit3A_306 : f32 to vector<8x128xf32>
    %broadcast_in_dim3A_309 = vector.broadcast %jit3A_307 : f32 to vector<8x128xf32>
    %select_n3A_310 = arith.select %eq3A_305, %broadcast_in_dim3A_308, %broadcast_in_dim3A_309 : vector<8x128xi1>, vector<8x128xf32>
    %slice3A_311 = vector.extract_strided_slice %reshape3A {offsets = [0, 14, 0], sizes = [625, 1, 8], strides = [1, 1, 1]} : vector<625x16x8xf32> to vector<625x1x8xf32>
    %squeeze3A_312 = vector.shape_cast %slice3A_311 : vector<625x1x8xf32> to vector<625x8xf32>
    %dot_general3A_313 = arith.constant dense<0.000000e+00> : vector<625x128xf32>
    %dot_general3A_314 = tpu.matmul %squeeze3A_312, %select_n3A_310, %dot_general3A_313 {dimension_numbers = #tpu.dot_dimension_numbers<[1], [0], [0], [1], [0, 0, 1, 1], [], []>, transpose_lhs_hint = false} : vector<625x8xf32>, vector<8x128xf32>, vector<625x128xf32> -> vector<625x128xf32>
    %add3A_315 = arith.addf %add3A_296, %dot_general3A_314 : vector<625x128xf32>
    %slice3A_316 = vector.extract_strided_slice %reshape3A_35 {offsets = [0, 14, 0], sizes = [625, 1, 8], strides = [1, 1, 1]} : vector<625x16x8xf32> to vector<625x1x8xf32>
    %squeeze3A_317 = vector.shape_cast %slice3A_316 : vector<625x1x8xf32> to vector<625x8xf32>
    %dot_general3A_318 = arith.constant dense<0.000000e+00> : vector<625x128xf32>
    %dot_general3A_319 = tpu.matmul %squeeze3A_317, %select_n3A_310, %dot_general3A_318 {dimension_numbers = #tpu.dot_dimension_numbers<[1], [0], [0], [1], [0, 0, 1, 1], [], []>, transpose_lhs_hint = false} : vector<625x8xf32>, vector<8x128xf32>, vector<625x128xf32> -> vector<625x128xf32>
    %add3A_320 = arith.addf %add3A_301, %dot_general3A_319 : vector<625x128xf32>
    %add3A_321 = arith.constant 120 : i32
    %add3A_322 = vector.broadcast %add3A_321 : i32 to vector<8x128xi32>
    %add3A_323 = arith.addi %add3A_322, %iota3A_33 : vector<8x128xi32>
    %eq3A_324 = arith.cmpi eq, %iota3A_34, %add3A_323 : vector<8x128xi32>
    %jit3A_325 = arith.constant 1.000000e+00 : f32
    %jit3A_326 = arith.constant 0.000000e+00 : f32
    %broadcast_in_dim3A_327 = vector.broadcast %jit3A_325 : f32 to vector<8x128xf32>
    %broadcast_in_dim3A_328 = vector.broadcast %jit3A_326 : f32 to vector<8x128xf32>
    %select_n3A_329 = arith.select %eq3A_324, %broadcast_in_dim3A_327, %broadcast_in_dim3A_328 : vector<8x128xi1>, vector<8x128xf32>
    %slice3A_330 = vector.extract_strided_slice %reshape3A {offsets = [0, 15, 0], sizes = [625, 1, 8], strides = [1, 1, 1]} : vector<625x16x8xf32> to vector<625x1x8xf32>
    %squeeze3A_331 = vector.shape_cast %slice3A_330 : vector<625x1x8xf32> to vector<625x8xf32>
    %dot_general3A_332 = arith.constant dense<0.000000e+00> : vector<625x128xf32>
    %dot_general3A_333 = tpu.matmul %squeeze3A_331, %select_n3A_329, %dot_general3A_332 {dimension_numbers = #tpu.dot_dimension_numbers<[1], [0], [0], [1], [0, 0, 1, 1], [], []>, transpose_lhs_hint = false} : vector<625x8xf32>, vector<8x128xf32>, vector<625x128xf32> -> vector<625x128xf32>
    %add3A_334 = arith.addf %add3A_315, %dot_general3A_333 : vector<625x128xf32>
    %slice3A_335 = vector.extract_strided_slice %reshape3A_35 {offsets = [0, 15, 0], sizes = [625, 1, 8], strides = [1, 1, 1]} : vector<625x16x8xf32> to vector<625x1x8xf32>
    %squeeze3A_336 = vector.shape_cast %slice3A_335 : vector<625x1x8xf32> to vector<625x8xf32>
    %dot_general3A_337 = arith.constant dense<0.000000e+00> : vector<625x128xf32>
    %dot_general3A_338 = tpu.matmul %squeeze3A_336, %select_n3A_329, %dot_general3A_337 {dimension_numbers = #tpu.dot_dimension_numbers<[1], [0], [0], [1], [0, 0, 1, 1], [], []>, transpose_lhs_hint = false} : vector<625x8xf32>, vector<8x128xf32>, vector<625x128xf32> -> vector<625x128xf32>
    %add3A_339 = arith.addf %add3A_320, %dot_general3A_338 : vector<625x128xf32>
    %swap3A = arith.constant 0 : index
    %swap3A_340 = arith.constant 0 : index
    %swap3A_341 = vector.load %arg5[%swap3A, %swap3A_340] : memref<632x128xf32, #tpu.memory_space<vmem>>, vector<625x128xf32>
    tpu.vector_store %arg5[%swap3A, %swap3A_340], %add3A_334 {strides = array<i32>} : memref<632x128xf32, #tpu.memory_space<vmem>>, vector<625x128xf32>,
    %swap3A_342 = arith.constant 0 : index
    %swap3A_343 = arith.constant 0 : index
    %swap3A_344 = vector.load %arg6[%swap3A_342, %swap3A_343] : memref<632x128xf32, #tpu.memory_space<vmem>>, vector<625x128xf32>
    tpu.vector_store %arg6[%swap3A_342, %swap3A_343], %add3A_339 {strides = array<i32>} : memref<632x128xf32, #tpu.memory_space<vmem>>, vector<625x128xf32>,
    return
  }
}

module attributes {stable_mosaic.version = 14 : i64} {
  func.func @_mlp_body(%arg0: i32, %arg1: memref<2048x128xf32, #tpu.memory_space<vmem>>, %arg2: memref<2048x128xf32, #tpu.memory_space<vmem>>, %arg3: memref<128x128xf32, #tpu.memory_space<vmem>>, %arg4: memref<128x128xf32, #tpu.memory_space<vmem>>, %arg5: memref<1x128xf32, #tpu.memory_space<vmem>>, %arg6: memref<1x128xf32, #tpu.memory_space<vmem>>, %arg7: memref<1x128xf32, #tpu.memory_space<vmem>>, %arg8: memref<128x128xf32, #tpu.memory_space<vmem>>, %arg9: memref<1x128xf32, #tpu.memory_space<vmem>>, %arg10: memref<1x128xf32, #tpu.memory_space<vmem>>, %arg11: memref<1x128xf32, #tpu.memory_space<vmem>>, %arg12: memref<1024x128xf32, #tpu.memory_space<vmem>>, %arg13: memref<1x128xf32, #tpu.memory_space<vmem>>, %arg14: memref<1x128xf32, #tpu.memory_space<vmem>>, %arg15: memref<1xf32, #tpu.memory_space<smem>>, %arg16: memref<256x128xf32, #tpu.memory_space<vmem>>) attributes {dimension_semantics = [#tpu.dimension_semantics<arbitrary>], iteration_bounds = array<i64: 5>, scalar_prefetch = 0 : i64, scratch_operands = 0 : i64, tpu.core_type = #tpu.core_type<tc>, window_params = [{transform_indices = @transform_0, window_bounds = array<i64: 2048, 128>}, {transform_indices = @transform_1, window_bounds = array<i64: 2048, 128>}, {pipeline_mode = #tpu.pipeline_mode<synchronous>, transform_indices = @transform_2, window_bounds = array<i64: 128, 128>}, {pipeline_mode = #tpu.pipeline_mode<synchronous>, transform_indices = @transform_3, window_bounds = array<i64: 128, 128>}, {pipeline_mode = #tpu.pipeline_mode<synchronous>, transform_indices = @transform_4, window_bounds = array<i64: 1, 128>}, {pipeline_mode = #tpu.pipeline_mode<synchronous>, transform_indices = @transform_5, window_bounds = array<i64: 1, 128>}, {pipeline_mode = #tpu.pipeline_mode<synchronous>, transform_indices = @transform_6, window_bounds = array<i64: 1, 128>}, {pipeline_mode = #tpu.pipeline_mode<synchronous>, transform_indices = @transform_7, window_bounds = array<i64: 128, 128>}, {pipeline_mode = #tpu.pipeline_mode<synchronous>, transform_indices = @transform_8, window_bounds = array<i64: 1, 128>}, {pipeline_mode = #tpu.pipeline_mode<synchronous>, transform_indices = @transform_9, window_bounds = array<i64: 1, 128>}, {pipeline_mode = #tpu.pipeline_mode<synchronous>, transform_indices = @transform_10, window_bounds = array<i64: 1, 128>}, {pipeline_mode = #tpu.pipeline_mode<synchronous>, transform_indices = @transform_11, window_bounds = array<i64: 1024, 128>}, {pipeline_mode = #tpu.pipeline_mode<synchronous>, transform_indices = @transform_12, window_bounds = array<i64: 1, 128>}, {pipeline_mode = #tpu.pipeline_mode<synchronous>, transform_indices = @transform_13, window_bounds = array<i64: 1, 128>}, {transform_indices = @transform_14, window_bounds = array<i64: 1>}, {transform_indices = @transform_15, window_bounds = array<i64: 256, 128>}]} {
    %get3A = arith.constant 0 : index
    %get3A_0 = arith.constant 0 : index
    %get3A_1 = vector.load %arg3[%get3A, %get3A_0] : memref<128x128xf32, #tpu.memory_space<vmem>>, vector<128x128xf32>
    %get3A_2 = arith.constant 0 : index
    %get3A_3 = arith.constant 0 : index
    %get3A_4 = vector.load %arg1[%get3A_2, %get3A_3] : memref<2048x128xf32, #tpu.memory_space<vmem>>, vector<2048x128xf32>
    %get3A_5 = arith.constant 0 : index
    %get3A_6 = arith.constant 0 : index
    %get3A_7 = vector.load %arg2[%get3A_5, %get3A_6] : memref<2048x128xf32, #tpu.memory_space<vmem>>, vector<2048x128xf32>
    %add3A = arith.addf %get3A_4, %get3A_7 : vector<2048x128xf32>
    %get3A_8 = arith.constant 0 : index
    %get3A_9 = arith.constant 0 : index
    %get3A_10 = vector.load %arg13[%get3A_8, %get3A_9] : memref<1x128xf32, #tpu.memory_space<vmem>>, vector<1x128xf32>
    %get3A_11 = arith.constant 0 : index
    %get3A_12 = arith.constant 0 : index
    %get3A_13 = vector.load %arg14[%get3A_11, %get3A_12] : memref<1x128xf32, #tpu.memory_space<vmem>>, vector<1x128xf32>
    %dot_general3A = arith.constant dense<0.000000e+00> : vector<2048x128xf32>
    %dot_general3A_14 = tpu.matmul %add3A, %get3A_1, %dot_general3A {dimension_numbers = #tpu.dot_dimension_numbers<[1], [0], [0], [1], [0, 0, 1, 1], [], []>, transpose_lhs_hint = false} : vector<2048x128xf32>, vector<128x128xf32>, vector<2048x128xf32> -> vector<2048x128xf32>
    %sub3A = arith.subf %add3A, %dot_general3A_14 : vector<2048x128xf32>
    %mul3A = arith.mulf %sub3A, %sub3A : vector<2048x128xf32>
    %dot_general3A_15 = arith.constant dense<0.000000e+00> : vector<2048x128xf32>
    %dot_general3A_16 = tpu.matmul %mul3A, %get3A_1, %dot_general3A_15 {dimension_numbers = #tpu.dot_dimension_numbers<[1], [0], [0], [1], [0, 0, 1, 1], [], []>, transpose_lhs_hint = false} : vector<2048x128xf32>, vector<128x128xf32>, vector<2048x128xf32> -> vector<2048x128xf32>
    %add3A_17 = arith.constant 9.99999974E-6 : f32
    %add3A_18 = vector.broadcast %add3A_17 : f32 to vector<2048x128xf32>
    %add3A_19 = arith.addf %dot_general3A_16, %add3A_18 : vector<2048x128xf32>
    %rsqrt3A = math.rsqrt %add3A_19 : vector<2048x128xf32>
    %mul3A_20 = arith.mulf %sub3A, %rsqrt3A : vector<2048x128xf32>
    %mul3A_21 = vector.broadcast %get3A_10 : vector<1x128xf32> to vector<2048x128xf32>
    %mul3A_22 = arith.mulf %mul3A_20, %mul3A_21 : vector<2048x128xf32>
    %add3A_23 = vector.broadcast %get3A_13 : vector<1x128xf32> to vector<2048x128xf32>
    %add3A_24 = arith.addf %mul3A_22, %add3A_23 : vector<2048x128xf32>
    %tanh3A = math.tanh %add3A_24 : vector<2048x128xf32>
    %get3A_25 = arith.constant 0 : index
    %get3A_26 = arith.constant 0 : index
    %get3A_27 = vector.load %arg4[%get3A_25, %get3A_26] : memref<128x128xf32, #tpu.memory_space<vmem>>, vector<128x128xf32>
    %dot_general3A_28 = arith.constant dense<0.000000e+00> : vector<2048x128xf32>
    %dot_general3A_29 = tpu.matmul %tanh3A, %get3A_27, %dot_general3A_28 {dimension_numbers = #tpu.dot_dimension_numbers<[1], [0], [0], [1], [0, 0, 1, 1], [], []>, transpose_lhs_hint = false} : vector<2048x128xf32>, vector<128x128xf32>, vector<2048x128xf32> -> vector<2048x128xf32>
    %get3A_30 = arith.constant 0 : index
    %get3A_31 = arith.constant 0 : index
    %get3A_32 = vector.load %arg5[%get3A_30, %get3A_31] : memref<1x128xf32, #tpu.memory_space<vmem>>, vector<1x128xf32>
    %add3A_33 = vector.broadcast %get3A_32 : vector<1x128xf32> to vector<2048x128xf32>
    %add3A_34 = arith.addf %dot_general3A_29, %add3A_33 : vector<2048x128xf32>
    %get3A_35 = arith.constant 0 : index
    %get3A_36 = arith.constant 0 : index
    %get3A_37 = vector.load %arg6[%get3A_35, %get3A_36] : memref<1x128xf32, #tpu.memory_space<vmem>>, vector<1x128xf32>
    %get3A_38 = arith.constant 0 : index
    %get3A_39 = arith.constant 0 : index
    %get3A_40 = vector.load %arg7[%get3A_38, %get3A_39] : memref<1x128xf32, #tpu.memory_space<vmem>>, vector<1x128xf32>
    %dot_general3A_41 = arith.constant dense<0.000000e+00> : vector<2048x128xf32>
    %dot_general3A_42 = tpu.matmul %add3A_34, %get3A_1, %dot_general3A_41 {dimension_numbers = #tpu.dot_dimension_numbers<[1], [0], [0], [1], [0, 0, 1, 1], [], []>, transpose_lhs_hint = false} : vector<2048x128xf32>, vector<128x128xf32>, vector<2048x128xf32> -> vector<2048x128xf32>
    %sub3A_43 = arith.subf %add3A_34, %dot_general3A_42 : vector<2048x128xf32>
    %mul3A_44 = arith.mulf %sub3A_43, %sub3A_43 : vector<2048x128xf32>
    %dot_general3A_45 = arith.constant dense<0.000000e+00> : vector<2048x128xf32>
    %dot_general3A_46 = tpu.matmul %mul3A_44, %get3A_1, %dot_general3A_45 {dimension_numbers = #tpu.dot_dimension_numbers<[1], [0], [0], [1], [0, 0, 1, 1], [], []>, transpose_lhs_hint = false} : vector<2048x128xf32>, vector<128x128xf32>, vector<2048x128xf32> -> vector<2048x128xf32>
    %add3A_47 = arith.constant 9.99999974E-6 : f32
    %add3A_48 = vector.broadcast %add3A_47 : f32 to vector<2048x128xf32>
    %add3A_49 = arith.addf %dot_general3A_46, %add3A_48 : vector<2048x128xf32>
    %rsqrt3A_50 = math.rsqrt %add3A_49 : vector<2048x128xf32>
    %mul3A_51 = arith.mulf %sub3A_43, %rsqrt3A_50 : vector<2048x128xf32>
    %mul3A_52 = vector.broadcast %get3A_37 : vector<1x128xf32> to vector<2048x128xf32>
    %mul3A_53 = arith.mulf %mul3A_51, %mul3A_52 : vector<2048x128xf32>
    %add3A_54 = vector.broadcast %get3A_40 : vector<1x128xf32> to vector<2048x128xf32>
    %add3A_55 = arith.addf %mul3A_53, %add3A_54 : vector<2048x128xf32>
    %tanh3A_56 = math.tanh %add3A_55 : vector<2048x128xf32>
    %get3A_57 = arith.constant 0 : index
    %get3A_58 = arith.constant 0 : index
    %get3A_59 = vector.load %arg8[%get3A_57, %get3A_58] : memref<128x128xf32, #tpu.memory_space<vmem>>, vector<128x128xf32>
    %dot_general3A_60 = arith.constant dense<0.000000e+00> : vector<2048x128xf32>
    %dot_general3A_61 = tpu.matmul %tanh3A_56, %get3A_59, %dot_general3A_60 {dimension_numbers = #tpu.dot_dimension_numbers<[1], [0], [0], [1], [0, 0, 1, 1], [], []>, transpose_lhs_hint = false} : vector<2048x128xf32>, vector<128x128xf32>, vector<2048x128xf32> -> vector<2048x128xf32>
    %get3A_62 = arith.constant 0 : index
    %get3A_63 = arith.constant 0 : index
    %get3A_64 = vector.load %arg9[%get3A_62, %get3A_63] : memref<1x128xf32, #tpu.memory_space<vmem>>, vector<1x128xf32>
    %add3A_65 = vector.broadcast %get3A_64 : vector<1x128xf32> to vector<2048x128xf32>
    %add3A_66 = arith.addf %dot_general3A_61, %add3A_65 : vector<2048x128xf32>
    %get3A_67 = arith.constant 0 : index
    %get3A_68 = arith.constant 0 : index
    %get3A_69 = vector.load %arg10[%get3A_67, %get3A_68] : memref<1x128xf32, #tpu.memory_space<vmem>>, vector<1x128xf32>
    %get3A_70 = arith.constant 0 : index
    %get3A_71 = arith.constant 0 : index
    %get3A_72 = vector.load %arg11[%get3A_70, %get3A_71] : memref<1x128xf32, #tpu.memory_space<vmem>>, vector<1x128xf32>
    %dot_general3A_73 = arith.constant dense<0.000000e+00> : vector<2048x128xf32>
    %dot_general3A_74 = tpu.matmul %add3A_66, %get3A_1, %dot_general3A_73 {dimension_numbers = #tpu.dot_dimension_numbers<[1], [0], [0], [1], [0, 0, 1, 1], [], []>, transpose_lhs_hint = false} : vector<2048x128xf32>, vector<128x128xf32>, vector<2048x128xf32> -> vector<2048x128xf32>
    %sub3A_75 = arith.subf %add3A_66, %dot_general3A_74 : vector<2048x128xf32>
    %mul3A_76 = arith.mulf %sub3A_75, %sub3A_75 : vector<2048x128xf32>
    %dot_general3A_77 = arith.constant dense<0.000000e+00> : vector<2048x128xf32>
    %dot_general3A_78 = tpu.matmul %mul3A_76, %get3A_1, %dot_general3A_77 {dimension_numbers = #tpu.dot_dimension_numbers<[1], [0], [0], [1], [0, 0, 1, 1], [], []>, transpose_lhs_hint = false} : vector<2048x128xf32>, vector<128x128xf32>, vector<2048x128xf32> -> vector<2048x128xf32>
    %add3A_79 = arith.constant 9.99999974E-6 : f32
    %add3A_80 = vector.broadcast %add3A_79 : f32 to vector<2048x128xf32>
    %add3A_81 = arith.addf %dot_general3A_78, %add3A_80 : vector<2048x128xf32>
    %rsqrt3A_82 = math.rsqrt %add3A_81 : vector<2048x128xf32>
    %mul3A_83 = arith.mulf %sub3A_75, %rsqrt3A_82 : vector<2048x128xf32>
    %mul3A_84 = vector.broadcast %get3A_69 : vector<1x128xf32> to vector<2048x128xf32>
    %mul3A_85 = arith.mulf %mul3A_83, %mul3A_84 : vector<2048x128xf32>
    %add3A_86 = vector.broadcast %get3A_72 : vector<1x128xf32> to vector<2048x128xf32>
    %add3A_87 = arith.addf %mul3A_85, %add3A_86 : vector<2048x128xf32>
    %tanh3A_88 = math.tanh %add3A_87 : vector<2048x128xf32>
    %reshape3A = vector.shape_cast %tanh3A_88 : vector<2048x128xf32> to vector<256x8x128xf32>
    %slice3A = vector.extract_strided_slice %reshape3A {offsets = [0, 0, 0], sizes = [256, 1, 128], strides = [1, 1, 1]} : vector<256x8x128xf32> to vector<256x1x128xf32>
    %squeeze3A = vector.shape_cast %slice3A : vector<256x1x128xf32> to vector<256x128xf32>
    %get3A_89 = arith.constant 0 : index
    %get3A_90 = arith.constant 0 : index
    %get3A_91 = vector.load %arg12[%get3A_89, %get3A_90] : memref<1024x128xf32, #tpu.memory_space<vmem>>, vector<128x128xf32>
    %dot_general3A_92 = arith.constant dense<0.000000e+00> : vector<256x128xf32>
    %dot_general3A_93 = tpu.matmul %squeeze3A, %get3A_91, %dot_general3A_92 {dimension_numbers = #tpu.dot_dimension_numbers<[1], [0], [0], [1], [0, 0, 1, 1], [], []>, transpose_lhs_hint = false} : vector<256x128xf32>, vector<128x128xf32>, vector<256x128xf32> -> vector<256x128xf32>
    %slice3A_94 = vector.extract_strided_slice %reshape3A {offsets = [0, 1, 0], sizes = [256, 1, 128], strides = [1, 1, 1]} : vector<256x8x128xf32> to vector<256x1x128xf32>
    %squeeze3A_95 = vector.shape_cast %slice3A_94 : vector<256x1x128xf32> to vector<256x128xf32>
    %get3A_96 = arith.constant 128 : index
    %get3A_97 = arith.constant 0 : index
    %get3A_98 = vector.load %arg12[%get3A_96, %get3A_97] : memref<1024x128xf32, #tpu.memory_space<vmem>>, vector<128x128xf32>
    %dot_general3A_99 = arith.constant dense<0.000000e+00> : vector<256x128xf32>
    %dot_general3A_100 = tpu.matmul %squeeze3A_95, %get3A_98, %dot_general3A_99 {dimension_numbers = #tpu.dot_dimension_numbers<[1], [0], [0], [1], [0, 0, 1, 1], [], []>, transpose_lhs_hint = false} : vector<256x128xf32>, vector<128x128xf32>, vector<256x128xf32> -> vector<256x128xf32>
    %add3A_101 = arith.addf %dot_general3A_93, %dot_general3A_100 : vector<256x128xf32>
    %slice3A_102 = vector.extract_strided_slice %reshape3A {offsets = [0, 2, 0], sizes = [256, 1, 128], strides = [1, 1, 1]} : vector<256x8x128xf32> to vector<256x1x128xf32>
    %squeeze3A_103 = vector.shape_cast %slice3A_102 : vector<256x1x128xf32> to vector<256x128xf32>
    %get3A_104 = arith.constant 256 : index
    %get3A_105 = arith.constant 0 : index
    %get3A_106 = vector.load %arg12[%get3A_104, %get3A_105] : memref<1024x128xf32, #tpu.memory_space<vmem>>, vector<128x128xf32>
    %dot_general3A_107 = arith.constant dense<0.000000e+00> : vector<256x128xf32>
    %dot_general3A_108 = tpu.matmul %squeeze3A_103, %get3A_106, %dot_general3A_107 {dimension_numbers = #tpu.dot_dimension_numbers<[1], [0], [0], [1], [0, 0, 1, 1], [], []>, transpose_lhs_hint = false} : vector<256x128xf32>, vector<128x128xf32>, vector<256x128xf32> -> vector<256x128xf32>
    %add3A_109 = arith.addf %add3A_101, %dot_general3A_108 : vector<256x128xf32>
    %slice3A_110 = vector.extract_strided_slice %reshape3A {offsets = [0, 3, 0], sizes = [256, 1, 128], strides = [1, 1, 1]} : vector<256x8x128xf32> to vector<256x1x128xf32>
    %squeeze3A_111 = vector.shape_cast %slice3A_110 : vector<256x1x128xf32> to vector<256x128xf32>
    %get3A_112 = arith.constant 384 : index
    %get3A_113 = arith.constant 0 : index
    %get3A_114 = vector.load %arg12[%get3A_112, %get3A_113] : memref<1024x128xf32, #tpu.memory_space<vmem>>, vector<128x128xf32>
    %dot_general3A_115 = arith.constant dense<0.000000e+00> : vector<256x128xf32>
    %dot_general3A_116 = tpu.matmul %squeeze3A_111, %get3A_114, %dot_general3A_115 {dimension_numbers = #tpu.dot_dimension_numbers<[1], [0], [0], [1], [0, 0, 1, 1], [], []>, transpose_lhs_hint = false} : vector<256x128xf32>, vector<128x128xf32>, vector<256x128xf32> -> vector<256x128xf32>
    %add3A_117 = arith.addf %add3A_109, %dot_general3A_116 : vector<256x128xf32>
    %slice3A_118 = vector.extract_strided_slice %reshape3A {offsets = [0, 4, 0], sizes = [256, 1, 128], strides = [1, 1, 1]} : vector<256x8x128xf32> to vector<256x1x128xf32>
    %squeeze3A_119 = vector.shape_cast %slice3A_118 : vector<256x1x128xf32> to vector<256x128xf32>
    %get3A_120 = arith.constant 512 : index
    %get3A_121 = arith.constant 0 : index
    %get3A_122 = vector.load %arg12[%get3A_120, %get3A_121] : memref<1024x128xf32, #tpu.memory_space<vmem>>, vector<128x128xf32>
    %dot_general3A_123 = arith.constant dense<0.000000e+00> : vector<256x128xf32>
    %dot_general3A_124 = tpu.matmul %squeeze3A_119, %get3A_122, %dot_general3A_123 {dimension_numbers = #tpu.dot_dimension_numbers<[1], [0], [0], [1], [0, 0, 1, 1], [], []>, transpose_lhs_hint = false} : vector<256x128xf32>, vector<128x128xf32>, vector<256x128xf32> -> vector<256x128xf32>
    %add3A_125 = arith.addf %add3A_117, %dot_general3A_124 : vector<256x128xf32>
    %slice3A_126 = vector.extract_strided_slice %reshape3A {offsets = [0, 5, 0], sizes = [256, 1, 128], strides = [1, 1, 1]} : vector<256x8x128xf32> to vector<256x1x128xf32>
    %squeeze3A_127 = vector.shape_cast %slice3A_126 : vector<256x1x128xf32> to vector<256x128xf32>
    %get3A_128 = arith.constant 640 : index
    %get3A_129 = arith.constant 0 : index
    %get3A_130 = vector.load %arg12[%get3A_128, %get3A_129] : memref<1024x128xf32, #tpu.memory_space<vmem>>, vector<128x128xf32>
    %dot_general3A_131 = arith.constant dense<0.000000e+00> : vector<256x128xf32>
    %dot_general3A_132 = tpu.matmul %squeeze3A_127, %get3A_130, %dot_general3A_131 {dimension_numbers = #tpu.dot_dimension_numbers<[1], [0], [0], [1], [0, 0, 1, 1], [], []>, transpose_lhs_hint = false} : vector<256x128xf32>, vector<128x128xf32>, vector<256x128xf32> -> vector<256x128xf32>
    %add3A_133 = arith.addf %add3A_125, %dot_general3A_132 : vector<256x128xf32>
    %slice3A_134 = vector.extract_strided_slice %reshape3A {offsets = [0, 6, 0], sizes = [256, 1, 128], strides = [1, 1, 1]} : vector<256x8x128xf32> to vector<256x1x128xf32>
    %squeeze3A_135 = vector.shape_cast %slice3A_134 : vector<256x1x128xf32> to vector<256x128xf32>
    %get3A_136 = arith.constant 768 : index
    %get3A_137 = arith.constant 0 : index
    %get3A_138 = vector.load %arg12[%get3A_136, %get3A_137] : memref<1024x128xf32, #tpu.memory_space<vmem>>, vector<128x128xf32>
    %dot_general3A_139 = arith.constant dense<0.000000e+00> : vector<256x128xf32>
    %dot_general3A_140 = tpu.matmul %squeeze3A_135, %get3A_138, %dot_general3A_139 {dimension_numbers = #tpu.dot_dimension_numbers<[1], [0], [0], [1], [0, 0, 1, 1], [], []>, transpose_lhs_hint = false} : vector<256x128xf32>, vector<128x128xf32>, vector<256x128xf32> -> vector<256x128xf32>
    %add3A_141 = arith.addf %add3A_133, %dot_general3A_140 : vector<256x128xf32>
    %slice3A_142 = vector.extract_strided_slice %reshape3A {offsets = [0, 7, 0], sizes = [256, 1, 128], strides = [1, 1, 1]} : vector<256x8x128xf32> to vector<256x1x128xf32>
    %squeeze3A_143 = vector.shape_cast %slice3A_142 : vector<256x1x128xf32> to vector<256x128xf32>
    %get3A_144 = arith.constant 896 : index
    %get3A_145 = arith.constant 0 : index
    %get3A_146 = vector.load %arg12[%get3A_144, %get3A_145] : memref<1024x128xf32, #tpu.memory_space<vmem>>, vector<128x128xf32>
    %dot_general3A_147 = arith.constant dense<0.000000e+00> : vector<256x128xf32>
    %dot_general3A_148 = tpu.matmul %squeeze3A_143, %get3A_146, %dot_general3A_147 {dimension_numbers = #tpu.dot_dimension_numbers<[1], [0], [0], [1], [0, 0, 1, 1], [], []>, transpose_lhs_hint = false} : vector<256x128xf32>, vector<128x128xf32>, vector<256x128xf32> -> vector<256x128xf32>
    %add3A_149 = arith.addf %add3A_141, %dot_general3A_148 : vector<256x128xf32>
    %get3A_150 = arith.constant 0 : index
    %get3A_151 = memref.load %arg15[%get3A_150] : memref<1xf32, #tpu.memory_space<smem>>
    %add3A_152 = vector.broadcast %get3A_151 : f32 to vector<256x128xf32>
    %add3A_153 = arith.addf %add3A_149, %add3A_152 : vector<256x128xf32>
    %swap3A = arith.constant 0 : index
    %swap3A_154 = arith.constant 0 : index
    %swap3A_155 = vector.load %arg16[%swap3A, %swap3A_154] : memref<256x128xf32, #tpu.memory_space<vmem>>, vector<256x128xf32>
    tpu.vector_store %arg16[%swap3A, %swap3A_154], %add3A_153 {strides = array<i32>} : memref<256x128xf32, #tpu.memory_space<vmem>>, vector<256x128xf32>,
    return
  }
  func.func @transform_0(%arg0: i32) -> (i32, i32) {
    %c0_i32 = arith.constant 0 : i32
    %c0_i32_0 = arith.constant 0 : i32
    return %arg0, %c0_i32 : i32, i32
  }
  func.func @transform_1(%arg0: i32) -> (i32, i32) {
    %c0_i32 = arith.constant 0 : i32
    %c0_i32_0 = arith.constant 0 : i32
    return %arg0, %c0_i32 : i32, i32
  }
  func.func @transform_2(%arg0: i32) -> (i32, i32) {
    %c0_i32 = arith.constant 0 : i32
    %c0_i32_0 = arith.constant 0 : i32
    %c0_i32_1 = arith.constant 0 : i32
    return %c0_i32, %c0_i32_0 : i32, i32
  }
  func.func @transform_3(%arg0: i32) -> (i32, i32) {
    %c0_i32 = arith.constant 0 : i32
    %c0_i32_0 = arith.constant 0 : i32
    %c0_i32_1 = arith.constant 0 : i32
    return %c0_i32, %c0_i32_0 : i32, i32
  }
  func.func @transform_4(%arg0: i32) -> (i32, i32) {
    %c0_i32 = arith.constant 0 : i32
    %c0_i32_0 = arith.constant 0 : i32
    %c0_i32_1 = arith.constant 0 : i32
    return %c0_i32, %c0_i32_0 : i32, i32
  }
  func.func @transform_5(%arg0: i32) -> (i32, i32) {
    %c0_i32 = arith.constant 0 : i32
    %c0_i32_0 = arith.constant 0 : i32
    %c0_i32_1 = arith.constant 0 : i32
    return %c0_i32, %c0_i32_0 : i32, i32
  }
  func.func @transform_6(%arg0: i32) -> (i32, i32) {
    %c0_i32 = arith.constant 0 : i32
    %c0_i32_0 = arith.constant 0 : i32
    %c0_i32_1 = arith.constant 0 : i32
    return %c0_i32, %c0_i32_0 : i32, i32
  }
  func.func @transform_7(%arg0: i32) -> (i32, i32) {
    %c0_i32 = arith.constant 0 : i32
    %c0_i32_0 = arith.constant 0 : i32
    %c0_i32_1 = arith.constant 0 : i32
    return %c0_i32, %c0_i32_0 : i32, i32
  }
  func.func @transform_8(%arg0: i32) -> (i32, i32) {
    %c0_i32 = arith.constant 0 : i32
    %c0_i32_0 = arith.constant 0 : i32
    %c0_i32_1 = arith.constant 0 : i32
    return %c0_i32, %c0_i32_0 : i32, i32
  }
  func.func @transform_9(%arg0: i32) -> (i32, i32) {
    %c0_i32 = arith.constant 0 : i32
    %c0_i32_0 = arith.constant 0 : i32
    %c0_i32_1 = arith.constant 0 : i32
    return %c0_i32, %c0_i32_0 : i32, i32
  }
  func.func @transform_10(%arg0: i32) -> (i32, i32) {
    %c0_i32 = arith.constant 0 : i32
    %c0_i32_0 = arith.constant 0 : i32
    %c0_i32_1 = arith.constant 0 : i32
    return %c0_i32, %c0_i32_0 : i32, i32
  }
  func.func @transform_11(%arg0: i32) -> (i32, i32) {
    %c0_i32 = arith.constant 0 : i32
    %c0_i32_0 = arith.constant 0 : i32
    %c0_i32_1 = arith.constant 0 : i32
    return %c0_i32, %c0_i32_0 : i32, i32
  }
  func.func @transform_12(%arg0: i32) -> (i32, i32) {
    %c0_i32 = arith.constant 0 : i32
    %c0_i32_0 = arith.constant 0 : i32
    %c0_i32_1 = arith.constant 0 : i32
    return %c0_i32, %c0_i32_0 : i32, i32
  }
  func.func @transform_13(%arg0: i32) -> (i32, i32) {
    %c0_i32 = arith.constant 0 : i32
    %c0_i32_0 = arith.constant 0 : i32
    %c0_i32_1 = arith.constant 0 : i32
    return %c0_i32, %c0_i32_0 : i32, i32
  }
  func.func @transform_14(%arg0: i32) -> i32 {
    %c0_i32 = arith.constant 0 : i32
    %c0_i32_0 = arith.constant 0 : i32
    return %c0_i32 : i32
  }
  func.func @transform_15(%arg0: i32) -> (i32, i32) {
    %c0_i32 = arith.constant 0 : i32
    %c0_i32_0 = arith.constant 0 : i32
    return %arg0, %c0_i32 : i32, i32
  }
}

</mosaic_0001>

<sc_bundles>
// kernel: kernel.11.cloned.1.call-start
scs
__scs_entry_jumppad:
0x0: {  	(pc) =	sbr.rel $0x88, $3  }
0x1: {  	(tag) =	ssettag $0x0;
	lr =	simm.s32 $0x1  }
0x2: {  	[smem:$0x3F8F] =	sst lr;
	_ =	strace $0xD0000000  }
0x3: {  	_ = 	snop  }
0x4: {  	_ = 	snop  }
0x5: {  	_ = 	snop  }
0x6: {  	_ = 	snop  }
0x7: {  	_ = 	snop  }
__scs_overlays_trampoline_lowered:
0x8: {  	[smem:$0x3F9E] =	sst s0  }
0x9: {  	[smem:$0x3F9F] =	sst s1  }
0xa: {  	[smem:$0x3FA0] =	sst s2  }
0xb: {  	[smem:$0x3FA1] =	sst s3  }
0xc: {  	[smem:$0x3FA2] =	sst s4  }
0xd: {  	[smem:$0x3FA3] =	sst s5  }
0xe: {  	[smem:$0x3FA4] =	sst s6  }
0xf: {  	[smem:$0x3FA5] =	sst s7  }
0x10: {  	[smem:$0x3FA6] =	sst s8  }
0x11: {  	[smem:$0x3FA7] =	sst s9;
	s0 =	simm.s32 @!p0 $0x0  }
0x12: {  	s1 =	sld [smem:$0x3F8D];
	s0 =	simm.s32 @p0 $0x1  }
0x13: {  	[smem:$0x3FA8] =	sst s0;
	s0 =	simm.s32 @!p1 $0x0  }
0x14: {  	s2 =	sld [smem:$0x3F8C];
	s0 =	simm.s32 @p1 $0x1  }
0x15: {  	[smem:$0x3FA9] =	sst s0;
	s0 =	simm.s32 @!p2 $0x0  }
0x16: {  	s3 =	sld [smem:$0x3FDB];
	s0 =	simm.s32 @p2 $0x1  }
0x17: {  	s4 =	simm.s32 $0x1BF5;
	[smem:$0x3FAB] =	sst s0  }
0x18: {  	s0 =	sld [smem:$0x3F8E];
	_ =	swait.ge [sflag:s4], $0x0  }
0x19: {  	s7 =	sld [smem:$0x3F8F]  }
0x1a: {  	s8 =	sadd.s32 $0xFFFFE003, lr  }
0x1b: {  	s9 =	sadd.s32 $0xFFFFFEF7, lr;
	s5 =	simm.s32 $0xFFFFFFFF;
	p2 =	slt.u32 s8, $0xFFFFF086  }
0x1c: {  	p1 =	slt.u32 s9, $0xF7A;
	s5 =	simm.s32 @!p2 $0x0  }
0x1d: {  	s5 =	simm.s32 @p1 $0x1;
	p0 =	seq.s32 s7, s2  }
0x1e: {  	s7 =	smul.u32 @!p0 $0xF7A, s2;
	p2 =	seq.s32 @!p0 s5, $0x0  }
0x1f: {  	s9 =	smul.u32 $0xF7A, s1;
	s8 =	simm.s32 @!p0 $0x1BF5;
	p2 =	por !p2, p0  }
0x20: {  	[sflag:s8] =	ssyncset.s32 @!p0 $0xFFFFF086;
	s6 =	sadd.s32 @!p0 s3, s7;
	s7 =	simm.s32 @!p0 $0x108  }
0x21: {  	s3 =	sadd.s32 s3, s9;
	s6 =	sadd.s32 @!p0 $0x88, s6;
	s7 =	simm.s32 @p2 $0x1082  }
0x22: {  	[simem:s7], [sflag:s8] =	dma.local @!p0 [hbm:s6], $0xF7A  }
0x23: {  	s9 =	sor.u32 $0xD0000000, s2;
	s6 =	simm.s32 $0x108;
	_ =	swait.ge @!p0 [sflag:s8], $0x0  }
0x24: {  	s3 =	sadd.s32 $0x88, s3;
	s6 =	simm.s32 @!p1 $0x1082;
	[sflag:s4] =	ssyncset.s32 $0xFFFFF086  }
0x25: {  	[simem:s6], [sflag:s4] =	dma.local [hbm:s3], $0xF7A  }
0x26: {  	[smem:$0x3F8F] =	sst s1;
	(tag) =	ssettag s2;
	_ =	strace s9  }
0x27: {  	s1 =	sld [smem:$0x3F9F]  }
0x28: {  	s2 =	sld [smem:$0x3FA0]  }
0x29: {  	s4 =	sld [smem:$0x3FA2]  }
0x2a: {  	p0 =	seq.s32 s5, $0x0;
	s5 =	sld [smem:$0x3FA3]  }
0x2b: {  	s6 =	sld [smem:$0x3FA4]  }
0x2c: {  	s7 =	sld [smem:$0x3FA5]  }
0x2d: {  	s3 =	simm.s32 $0x108;
	s8 =	sld [smem:$0x3FA6]  }
0x2e: {  	s3 =	simm.s32 @!p0 $0x1082;
	s9 =	sld [smem:$0x3FA7]  }
0x2f: {  	lr =	sadd.s32 s0, s3;
	s0 =	sld [smem:$0x3F9E]  }
0x30: {  	s3 =	sld [smem:$0x3FA1]  }
0x31: {  	[smem:$0x3FAA] =	sst s10  }
0x32: {  	s10 =	sld [smem:$0x3FA8];
	_ =	sdelay $0x3  }
0x33: {  	p0 =	seq.s32 s10, $0x1;
	s10 =	sld [smem:$0x3FAA];
	_ =	sdelay $0x3  }
0x34: {  	[smem:$0x3FAA] =	sst s10  }
0x35: {  	s10 =	sld [smem:$0x3FA9];
	_ =	sdelay $0x3  }
0x36: {  	p1 =	seq.s32 s10, $0x1;
	s10 =	sld [smem:$0x3FAA];
	_ =	sdelay $0x3  }
0x37: {  	[smem:$0x3FAA] =	sst s10  }
0x38: {  	s10 =	sld [smem:$0x3FAB]  }
0x39: {  	_ = 	snop;
	(pc) =	sbr.ind lr, $3  }
0x3a: {  	_ = 	snop  }
0x3b: {  	_ = 	snop  }
0x3c: {  	p2 =	seq.s32 s10, $0x1;
	s10 =	sld [smem:$0x3FAA]  }
0x3d: {  	_ =	shalt  }
0x3e: {  	_ =	shalt  }
0x3f: {  	_ =	shalt  }
0x40: {  	_ =	shalt  }
0x41: {  	_ =	shalt  }
0x42: {  	_ =	shalt  }
0x43: {  	_ =	shalt  }
0x44: {  	_ =	shalt  }
0x45: {  	_ =	shalt  }
0x46: {  	_ =	shalt  }
0x47: {  	_ =	shalt  }
0x48: {  	_ =	shalt  }
0x49: {  	_ =	shalt  }
0x4a: {  	_ =	shalt  }
0x4b: {  	_ =	shalt  }
0x4c: {  	_ =	shalt  }
0x4d: {  	_ =	shalt  }
0x4e: {  	_ =	shalt  }
0x4f: {  	_ =	shalt  }
0x50: {  	_ =	shalt  }
0x51: {  	_ =	shalt  }
0x52: {  	_ =	shalt  }
0x53: {  	_ =	shalt  }
0x54: {  	_ =	shalt  }
0x55: {  	_ =	shalt  }
0x56: {  	_ =	shalt  }
0x57: {  	_ =	shalt  }
0x58: {  	_ =	shalt  }
0x59: {  	_ =	shalt  }
0x5a: {  	_ =	shalt  }
0x5b: {  	_ =	shalt  }
0x5c: {  	_ =	shalt  }
0x5d: {  	_ =	shalt  }
0x5e: {  	_ =	shalt  }
0x5f: {  	_ =	shalt  }
0x60: {  	_ =	shalt  }
0x61: {  	_ =	shalt  }
0x62: {  	_ =	shalt  }
0x63: {  	_ =	shalt  }
0x64: {  	_ =	shalt  }
0x65: {  	_ =	shalt  }
0x66: {  	_ =	shalt  }
0x67: {  	_ =	shalt  }
0x68: {  	_ =	shalt  }
0x69: {  	_ =	shalt  }
0x6a: {  	_ =	shalt  }
0x6b: {  	_ =	shalt  }
0x6c: {  	_ =	shalt  }
0x6d: {  	_ =	shalt  }
0x6e: {  	_ =	shalt  }
0x6f: {  	_ =	shalt  }
0x70: {  	_ =	shalt  }
0x71: {  	_ =	shalt  }
0x72: {  	_ =	shalt  }
0x73: {  	_ =	shalt  }
0x74: {  	_ =	shalt  }
0x75: {  	_ =	shalt  }
0x76: {  	_ =	shalt  }
0x77: {  	_ =	shalt  }
0x78: {  	_ =	shalt  }
0x79: {  	_ =	shalt  }
0x7a: {  	_ =	shalt  }
0x7b: {  	_ =	shalt  }
0x7c: {  	_ =	shalt  }
0x7d: {  	_ =	shalt  }
0x7e: {  	_ =	shalt  }
0x7f: {  	_ =	shalt  }
0x80: {  	_ =	shalt  }
0x81: {  	_ =	shalt  }
0x82: {  	_ =	shalt  }
0x83: {  	_ =	shalt  }
0x84: {  	_ =	shalt  }
0x85: {  	_ =	shalt  }
0x86: {  	_ =	shalt  }
0x87: {  	_ =	shalt  }
.Lfunc_end0:
.L_simem_size_0:
called_computation.1_lowered:
.L_overlay_start_0:
0x88: {  	s2 =	sld [smem:$0x3FD9]  }
0x89: {  	s3 =	sld [smem:$0x3FFE];
	_ =	sdelay $0x1  }
0x8a: {  	s1 =	srdreg.scid  }
0x8b: {  	s0 =	sand.u32 $0x1, s1  }
0x8c: {  	s17 =	sshll.u32 s0, $0xA;
	s2 =	sadd.s32 s3, s2  }
0x8d: {  	s2 =	sadd.s32 s2, s17  }
0x8e: {  	[smem:$0x3FB6] =	sst s2  }
0x8f: {  	_ = 	snop  }
0x90: {  	s2 =	sld [smem:$0x3FD0];
	(tm) =	ssettm $0x1  }
0x91: {  	s18 =	sld [smem:$0x3FFB];
	_ =	sdelay $0x3  }
0x92: {  	_ =	strace s18  }
0x93: {  	s3 =	sld [smem:$0x3FFC];
	_ =	sdelay $0x3  }
0x94: {  	_ =	strace s3  }
0x95: {  	s3 =	sld [smem:$0x3FFD];
	_ =	sdelay $0x3  }
0x96: {  	_ =	strace s3  }
0x97: {  	_ =	strace $0x8FFFFFFF  }
0x98: {  	s19 =	sld [smem:$0x3FDB];
	_ =	sdelay $0x1  }
0x99: {  	s4 =	simm.s32 $_scs_section_size  }
0x9a: {  	s5 =	simm.s32 $_size__tile_overlayer_lowered;
	s6 =	simm.s32 $_tile_overlayer_lowered  }
0x9b: {  	s22 =	simm.s32 $0x1BFF;
	s21 =	sshll.u32 s6, $0x1;
	s3 =	sadd.s32 s4, s19  }
0x9c: {  	s7 =	simm.s32 $0x0;
	s20 =	sshll.u32 s5, $0x1;
	s5 =	sadd.s32 s21, s3  }
0x9d: {  	[timem:s7], [sflag:s22] =	dma.local [hbm:s5], s20  }
0x9e: {  	_ =	swait.ge [sflag:s22], s20  }
0x9f: {  	s4 =	ssub.s32 $0x0, s20;
	[sflag:s22] =	ssyncset.done $0x0  }
0xa0: {  	[sflag:s22] =	ssyncadd.s32 s4;
	_ =	sdelay $0x1  }
0xa1: {  	s23 =	simm.s32 $0x1B8B  }
0xa2: {  	_ =	swait.ge [sflag:s23], $0x1  }
0xa3: {  	[sflag:s23] =	ssyncset.done $0x0  }
0xa4: {  	s25 =	simm.s32 $0x1B8E;
	s24 =	sld [smem:$0x3FFE];
	[sflag:s23] =	ssyncadd.s32 $0xFFFFFFFF  }
0xa5: {  	s26 =	simm.s32 $execute0_lowered;
	[smem:$0x3FD2] =	sst s25  }
0xa6: {  	s5 =	sshll.u32 s26, $0x1;
	_ =	strace $0x80000046;
	[dreg:$0x1] =	wrdreg $0xFFFFFFFF  }
0xa7: {  	s28 =	simm.s32 $_size_execute0_lowered;
	s3 =	sadd.s32 s3, s5;
	[dreg:$0x0] =	wrdreg $0x0  }
0xa8: {  	s5 =	sshll.u32 s28, $0x1;
	[dreg:$0x2] =	wrdreg s3  }
0xa9: {  	[dreg:$0x3] =	wrdreg s5  }
0xaa: {  	[dreg:$0x4] =	wrdreg $0xC0  }
0xab: {  	_ =	task [dreg:s7], $0x5FFFF  }
0xac: {  	[dreg:$0x1] =	wrdreg $0xFFFFFFFF  }
0xad: {  	[dreg:$0x0] =	wrdreg $0x60  }
0xae: {  	[dreg:$0x2] =	wrdreg s2  }
0xaf: {  	[dreg:$0x3] =	wrdreg s24  }
0xb0: {  	[dreg:$0x4] =	wrdreg $0xA  }
0xb1: {  	_ =	task.clear_ibuf [dreg:s7], $0x5FFFF;
	_ =	strace $0x90000046  }
0xb2: {  	s29 =	simm.s32 $0xA;
	_ =	strace $0x80000048  }
0xb3: {  	_ =	swait.ge [sflag:s29], $0x1  }
0xb4: {  	[sflag:s29] =	ssyncadd.s32 $0xFFFFFFFF  }
0xb5: {  	_ =	strace $0x90000048  }
0xb6: {  	_ =	sfence  }
0xb7: {  	s30 =	sld [smem:$0x0];
	_ =	sdelay $0x2  }
0xb8: {  	s31 =	sshll.u32 s1, $0xD;
	s1 =	sshrl.u32 s1, $0x2  }
0xb9: {  	s3 =	sand.u32 $0x4000, s31;
	s1 =	sadd.s32 s1, s30  }
0xba: {  	s0 =	sor.u32 s3, s0;
	s1 =	sshll.u32 s1, $0x11  }
0xbb: {  	s0 =	sor.u32 s1, s0  }
0xbc: {  	s0 =	sadd.s32 $0x8F2B, s0  }
0xbd: {  	[sflag:s0] =	ssyncadd.remote.s32 $0x1  }
0xbe: {  	_ =	sfence.sel $0xFFFF  }
0xbf: {  	[dreg:$0x0] =	wrdreg $0xFFFFFFFF;
	(pc) =	sbr.abs _section_cstart, $3  }
0xc0: {  	[dreg:$0x1] =	wrdreg $0xFFFFFFFF  }
0xc1: {  	_ =	task.clear_ibuf [dreg:s7], $0x2FFFF;
	_ =	strace $0x9FFFFFFF  }
0xc2: {  	(tm) =	ssettm $0x7FFFFFFF  }
0xc3: {  	_ =	shalt  }
tec
execute0_lowered:
.L_overlay_start_1:
0x0: {  	(tag) =	ssettag $0x1  }
0x1: {  	s0 =	srdreg.scid;
	s3 =	rddreg [dreg:$0x0]  }
0x2: {  	s1 =	stileid.u32;
	s5 =	rddreg [dreg:$0x1];
	s2 =	simm.s32 $0x0  }
0x3: {  	s13 =	simm.s32 $0x5;
	s12 =	simm.s32 $0x3E8;
	p0 =	por $0x0, $0x0  }
0x4: {  	s14 =	simm.s32 $0x2;
	s0 =	sand.u32 $0x1, s0;
	s1 =	sshll.u32 s1, $0x1  }
0x5: {  	[smem:$0x7FF] =	sst s2;
	s7 =	sadd.s32 $0x4000, s5;
	s4 =	sadd.s32 $0x17A00, s5  }
0x6: {  	s9 =	sadd.s32 $0x1A200, s5;
	s1 =	sor.u32 s0, s1;
	s0 =	ssub.s32 $0x2, s0  }
0x7: {  	s10 =	sadd.s32 $0x42200, s5;
	s6 =	smul.u32 $0x1388, s1;
	s11 =	sshrl.u32 s0, $0x1  }
0x8: {  	_ =	strace $0x80000047;
	s1 =	smul.u32 $0x9C40, s1;
	s0 =	ssub.s32 s0, s11  }
0x9: {  	s8 =	sshrl.u32 s6, $0x3;
	s17 =	sadd.s32 s9, s6;
	s18 =	sadd.s32 s10, s6  }
0xa: {  	s19 =	sadd.s32 $0x274E8, s6;
	s20 =	sadd.s32 $0x756E8, s6;
	s1 =	sshrl.u32 s1, $0x3  }
0xb: {  	s23 =	sadd.s32 $0x27CB8, s6;
	s6 =	sadd.s32 $0x75EB8, s6;
	[dreg:$0x5] =	wrdreg s17  }
0xc: {  	s0 =	smax.u32 s0, $0x1;
	s8 =	sadd.s32 s7, s8;
	[dreg:$0x6] =	wrdreg s18  }
0xd: {  	s5 =	sshrl.u32 s19, $0x3;
	s11 =	sshrl.u32 s20, $0x3;
	s21 =	sadd.s32 $0x3E8, s1  }
0xe: {  	s22 =	sadd.s32 $0x7D0, s1;
	s6 =	sshrl.u32 s6, $0x3;
	s24 =	sadd.s32 $0xBB8, s1  }
0xf: {  	s1 =	sadd.s32 $0xFA0, s1;
	p1 =	sne.s32 s0, $0x1;
	s15 =	sadd.s32 $0x4E20, s8  }
0x10: {  	s16 =	sadd.s32 $0xEA60, s8;
	s31 =	sadd.s32 s7, s5;
	s30 =	sadd.s32 s7, s11  }
0x11: {  	s28 =	sadd.s32 s9, s21;
	s29 =	sadd.s32 s10, s21;
	s26 =	sadd.s32 $0x4F1A, s8  }
0x12: {  	s25 =	sadd.s32 $0xEB5A, s8;
	s21 =	sadd.s32 s9, s22;
	s22 =	sadd.s32 s10, s22  }
0x13: {  	s5 =	sshrl.u32 s23, $0x3;
	s19 =	sadd.s32 s7, s6;
	s17 =	sadd.s32 s9, s24  }
0x14: {  	s18 =	sadd.s32 s10, s24;
	s11 =	sadd.s32 $0xEC54, s8;
	s6 =	sadd.s32 s10, s1  }
.Ltmp0:
0x15: {  	s23 =	simm.s32 $0x4650;
	[dreg:$0x3] =	wrdreg s15;
	(pc) =	sbr.rel @!p1 .LBB2_3-.Ltmp0, $4  }
0x16: {  	s24 =	simm.s32 $0x6590;
	s10 =	simm.s32 $0x3;
	[dreg:$0x4] =	wrdreg s16  }
0x17: {  	s20 =	sadd.s32 s7, s5;
	s15 =	sadd.s32 $0x5014, s8;
	s5 =	sadd.s32 s9, s1  }
0x18: {  	s8 =	simm.s32 $0x7D0;
	s9 =	simm.s32 $0x2710;
	s1 =	sadd.s32 $0xFFFFFFFF, s0  }
0x19: {  	s16 =	simm.s32 $0x1;
	s7 =	simm.s32 $0x4;
	s0 =	rddreg [dreg:$0x3]  }
0x1a: {  	[tilespmem:s2], [sflag:$0x5] =	stream.linear.gather [hbm4b:s0+s2], $0x3E8, $0x38;
	[tilespmem:$0x84D0] =	vst v63  }
0x1b: {  	_ =	swait.ge [sflag:s13], $0x3E8  }
0x1c: {  	[sflag:s13] =	ssyncset.done $0x0  }
0x1d: {  	s0 =	rddreg [dreg:$0x4];
	[sflag:s13] =	ssyncadd.s32 $0xFFFFFC18  }
0x1e: {  	[tilespmem:s12], [sflag:$0x5] =	stream.linear.gather [hbm4b:s0+s2], $0x3E8, $0x38;
	[tilespmem:$0x84D0] =	vst v63  }
0x1f: {  	_ =	swait.ge [sflag:s13], $0x3E8  }
0x20: {  	[sflag:s13] =	ssyncset.done $0x0  }
0x21: {  	[sflag:s13] =	ssyncadd.s32 $0xFFFFFC18  }
0x22: {  	[tilespmem:s8], [sflag:$0x1] =	stream.indirect.gather [hbm4b:s3+s12], $0x8, s2, s12, $0xb8;
	[tilespmem:$0x84D0] =	vst v63  }
0x23: {  	_ = 	snop  }
0x24: {  	[tilespmem:s9], [sflag:$0x2] =	stream.indirect.gather [hbm4b:s4+s12], $0x8, s12, s12, $0xb8;
	[tilespmem:$0x84D0] =	vst v63  }
0x25: {  	_ =	swait.ge [sflag:s16], $0x1F40  }
0x26: {  	[sflag:s16] =	ssyncset.done $0x0  }
0x27: {  	[sflag:s16] =	ssyncadd.s32 $0xFFFFE0C0  }
0x28: {  	_ =	swait.ge [sflag:s14], $0x1F40  }
0x29: {  	[dreg:$0x7] =	wrdreg s1;
	[sflag:s14] =	ssyncset.done $0x0  }
0x2a: {  	s0 =	rddreg [dreg:$0x5];
	[sflag:s14] =	ssyncadd.s32 $0xFFFFE0C0  }
0x2b: {  	[hbm4b:s0+s2] =	stream.linear.scatter [tilespmem:s8], [sflag:$0x3], $0x1F40, $0x38;
	[tilespmem:$0x84D0] =	vst v63  }
0x2c: {  	s1 =	rddreg [dreg:$0x6]  }
0x2d: {  	[hbm4b:s1+s2] =	stream.linear.scatter [tilespmem:s9], [sflag:$0x3], $0x1F40, $0x38;
	[tilespmem:$0x84D0] =	vst v63  }
0x2e: {  	_ = 	snop  }
0x2f: {  	[tilespmem:s2], [sflag:$0x5] =	stream.linear.gather [hbm4b:s31+s2], $0x3E8, $0x38;
	[tilespmem:$0x84D0] =	vst v63  }
0x30: {  	_ =	swait.ge [sflag:s13], $0x3E8  }
0x31: {  	[sflag:s13] =	ssyncset.done $0x0  }
0x32: {  	[sflag:s13] =	ssyncadd.s32 $0xFFFFFC18  }
0x33: {  	[tilespmem:s12], [sflag:$0x5] =	stream.linear.gather [hbm4b:s30+s2], $0x3E8, $0x38;
	[tilespmem:$0x84D0] =	vst v63  }
0x34: {  	_ =	swait.ge [sflag:s13], $0x3E8  }
0x35: {  	[sflag:s13] =	ssyncset.done $0x0  }
0x36: {  	[sflag:s13] =	ssyncadd.s32 $0xFFFFFC18  }
0x37: {  	[tilespmem:s23], [sflag:$0x1] =	stream.indirect.gather [hbm4b:s3+s12], $0x8, s2, s12, $0xb8;
	[tilespmem:$0x84D0] =	vst v63  }
0x38: {  	_ = 	snop  }
0x39: {  	[tilespmem:s24], [sflag:$0x2] =	stream.indirect.gather [hbm4b:s4+s12], $0x8, s12, s12, $0xb8;
	[tilespmem:$0x84D0] =	vst v63  }
0x3a: {  	_ =	swait.ge [sflag:s16], $0x1F40  }
0x3b: {  	[sflag:s16] =	ssyncset.done $0x0  }
0x3c: {  	[sflag:s16] =	ssyncadd.s32 $0xFFFFE0C0  }
0x3d: {  	_ =	swait.ge [sflag:s14], $0x1F40  }
0x3e: {  	[sflag:s14] =	ssyncset.done $0x0  }
0x3f: {  	[sflag:s14] =	ssyncadd.s32 $0xFFFFE0C0  }
0x40: {  	[hbm4b:s28+s2] =	stream.linear.scatter [tilespmem:s23], [sflag:$0x4], $0x1F40, $0x38;
	[tilespmem:$0x84D0] =	vst v63  }
0x41: {  	_ = 	snop  }
0x42: {  	[hbm4b:s29+s2] =	stream.linear.scatter [tilespmem:s24], [sflag:$0x4], $0x1F40, $0x38;
	[tilespmem:$0x84D0] =	vst v63  }
0x43: {  	_ =	swait.ge [sflag:s10], $0x1F40  }
0x44: {  	[sflag:s10] =	ssyncset.done $0x0  }
0x45: {  	[sflag:s10] =	ssyncadd.s32 $0xFFFFE0C0  }
0x46: {  	_ =	swait.ge [sflag:s10], $0x1F40  }
0x47: {  	[sflag:s10] =	ssyncset.done $0x0  }
0x48: {  	[sflag:s10] =	ssyncadd.s32 $0xFFFFE0C0  }
0x49: {  	[tilespmem:s2], [sflag:$0x5] =	stream.linear.gather [hbm4b:s26+s2], $0x3E8, $0x38;
	[tilespmem:$0x84D0] =	vst v63  }
0x4a: {  	_ =	swait.ge [sflag:s13], $0x3E8  }
0x4b: {  	[sflag:s13] =	ssyncset.done $0x0  }
0x4c: {  	[sflag:s13] =	ssyncadd.s32 $0xFFFFFC18  }
0x4d: {  	[tilespmem:s12], [sflag:$0x5] =	stream.linear.gather [hbm4b:s25+s2], $0x3E8, $0x38;
	[tilespmem:$0x84D0] =	vst v63  }
0x4e: {  	_ =	swait.ge [sflag:s13], $0x3E8  }
0x4f: {  	[sflag:s13] =	ssyncset.done $0x0  }
0x50: {  	[sflag:s13] =	ssyncadd.s32 $0xFFFFFC18  }
0x51: {  	[tilespmem:s8], [sflag:$0x1] =	stream.indirect.gather [hbm4b:s3+s12], $0x8, s2, s12, $0xb8;
	[tilespmem:$0x84D0] =	vst v63  }
0x52: {  	_ = 	snop  }
0x53: {  	[tilespmem:s9], [sflag:$0x2] =	stream.indirect.gather [hbm4b:s4+s12], $0x8, s12, s12, $0xb8;
	[tilespmem:$0x84D0] =	vst v63  }
0x54: {  	_ =	swait.ge [sflag:s16], $0x1F40  }
0x55: {  	[sflag:s16] =	ssyncset.done $0x0  }
0x56: {  	[sflag:s16] =	ssyncadd.s32 $0xFFFFE0C0  }
0x57: {  	_ =	swait.ge [sflag:s14], $0x1F40  }
0x58: {  	[sflag:s14] =	ssyncset.done $0x0  }
0x59: {  	[sflag:s14] =	ssyncadd.s32 $0xFFFFE0C0  }
0x5a: {  	[hbm4b:s21+s2] =	stream.linear.scatter [tilespmem:s8], [sflag:$0x3], $0x1F40, $0x38;
	[tilespmem:$0x84D0] =	vst v63  }
0x5b: {  	_ = 	snop  }
0x5c: {  	[hbm4b:s22+s2] =	stream.linear.scatter [tilespmem:s9], [sflag:$0x3], $0x1F40, $0x38;
	[tilespmem:$0x84D0] =	vst v63  }
0x5d: {  	_ =	swait.ge [sflag:s7], $0x1F40  }
0x5e: {  	[sflag:s7] =	ssyncset.done $0x0  }
0x5f: {  	[sflag:s7] =	ssyncadd.s32 $0xFFFFE0C0  }
0x60: {  	_ =	swait.ge [sflag:s7], $0x1F40  }
0x61: {  	[sflag:s7] =	ssyncset.done $0x0  }
0x62: {  	[sflag:s7] =	ssyncadd.s32 $0xFFFFE0C0  }
0x63: {  	[tilespmem:s2], [sflag:$0x5] =	stream.linear.gather [hbm4b:s20+s2], $0x3E8, $0x38;
	[tilespmem:$0x84D0] =	vst v63  }
0x64: {  	_ =	swait.ge [sflag:s13], $0x3E8  }
0x65: {  	[sflag:s13] =	ssyncset.done $0x0  }
0x66: {  	[sflag:s13] =	ssyncadd.s32 $0xFFFFFC18  }
0x67: {  	[tilespmem:s12], [sflag:$0x5] =	stream.linear.gather [hbm4b:s19+s2], $0x3E8, $0x38;
	[tilespmem:$0x84D0] =	vst v63  }
0x68: {  	_ =	swait.ge [sflag:s13], $0x3E8  }
0x69: {  	[sflag:s13] =	ssyncset.done $0x0  }
0x6a: {  	[sflag:s13] =	ssyncadd.s32 $0xFFFFFC18  }
0x6b: {  	[tilespmem:s23], [sflag:$0x1] =	stream.indirect.gather [hbm4b:s3+s12], $0x8, s2, s12, $0xb8;
	[tilespmem:$0x84D0] =	vst v63  }
0x6c: {  	_ = 	snop  }
0x6d: {  	[tilespmem:s24], [sflag:$0x2] =	stream.indirect.gather [hbm4b:s4+s12], $0x8, s12, s12, $0xb8;
	[tilespmem:$0x84D0] =	vst v63  }
0x6e: {  	_ =	swait.ge [sflag:s16], $0x1F40  }
0x6f: {  	[sflag:s16] =	ssyncset.done $0x0  }
0x70: {  	[sflag:s16] =	ssyncadd.s32 $0xFFFFE0C0  }
0x71: {  	_ =	swait.ge [sflag:s14], $0x1F40  }
0x72: {  	[sflag:s14] =	ssyncset.done $0x0  }
0x73: {  	[sflag:s14] =	ssyncadd.s32 $0xFFFFE0C0  }
0x74: {  	[hbm4b:s17+s2] =	stream.linear.scatter [tilespmem:s23], [sflag:$0x4], $0x1F40, $0x38;
	[tilespmem:$0x84D0] =	vst v63  }
0x75: {  	_ = 	snop  }
0x76: {  	[hbm4b:s18+s2] =	stream.linear.scatter [tilespmem:s24], [sflag:$0x4], $0x1F40, $0x38;
	[tilespmem:$0x84D0] =	vst v63  }
0x77: {  	_ =	swait.ge [sflag:s10], $0x1F40  }
0x78: {  	[sflag:s10] =	ssyncset.done $0x0  }
0x79: {  	[sflag:s10] =	ssyncadd.s32 $0xFFFFE0C0  }
0x7a: {  	_ =	swait.ge [sflag:s10], $0x1F40  }
0x7b: {  	[sflag:s10] =	ssyncset.done $0x0  }
0x7c: {  	[sflag:s10] =	ssyncadd.s32 $0xFFFFE0C0  }
0x7d: {  	[tilespmem:s2], [sflag:$0x5] =	stream.linear.gather [hbm4b:s15+s2], $0x3E8, $0x38;
	[tilespmem:$0x84D0] =	vst v63  }
0x7e: {  	_ =	swait.ge [sflag:s13], $0x3E8  }
0x7f: {  	[sflag:s13] =	ssyncset.done $0x0  }
0x80: {  	[sflag:s13] =	ssyncadd.s32 $0xFFFFFC18  }
0x81: {  	[tilespmem:s12], [sflag:$0x5] =	stream.linear.gather [hbm4b:s11+s2], $0x3E8, $0x38;
	[tilespmem:$0x84D0] =	vst v63  }
0x82: {  	_ =	swait.ge [sflag:s13], $0x3E8  }
0x83: {  	[sflag:s13] =	ssyncset.done $0x0  }
0x84: {  	[sflag:s13] =	ssyncadd.s32 $0xFFFFFC18  }
0x85: {  	[tilespmem:s8], [sflag:$0x1] =	stream.indirect.gather [hbm4b:s3+s12], $0x8, s2, s12, $0xb8;
	[tilespmem:$0x84D0] =	vst v63  }
0x86: {  	_ = 	snop  }
0x87: {  	[tilespmem:s9], [sflag:$0x2] =	stream.indirect.gather [hbm4b:s4+s12], $0x8, s12, s12, $0xb8;
	[tilespmem:$0x84D0] =	vst v63  }
0x88: {  	_ =	swait.ge [sflag:s16], $0x1F40  }
0x89: {  	[sflag:s16] =	ssyncset.done $0x0  }
0x8a: {  	[sflag:s16] =	ssyncadd.s32 $0xFFFFE0C0  }
0x8b: {  	_ =	swait.ge [sflag:s14], $0x1F40  }
0x8c: {  	[sflag:s14] =	ssyncset.done $0x0  }
0x8d: {  	[sflag:s14] =	ssyncadd.s32 $0xFFFFE0C0  }
0x8e: {  	[hbm4b:s5+s2] =	stream.linear.scatter [tilespmem:s8], [sflag:$0x3], $0x1F40, $0x38;
	[tilespmem:$0x84D0] =	vst v63  }
0x8f: {  	_ = 	snop  }
0x90: {  	[hbm4b:s6+s2] =	stream.linear.scatter [tilespmem:s9], [sflag:$0x3], $0x1F40, $0x38;
	[tilespmem:$0x84D0] =	vst v63  }
0x91: {  	_ =	swait.ge [sflag:s10], $0x1F40  }
0x92: {  	[sflag:s10] =	ssyncset.done $0x0  }
0x93: {  	[sflag:s10] =	ssyncadd.s32 $0xFFFFE0C0  }
0x94: {  	_ =	swait.ge [sflag:s10], $0x1F40  }
0x95: {  	[sflag:s10] =	ssyncset.done $0x0  }
0x96: {  	[sflag:s10] =	ssyncadd.s32 $0xFFFFE0C0  }
0x97: {  	_ =	swait.ge [sflag:s7], $0x1F40  }
0x98: {  	s1 =	rddreg [dreg:$0x7]  }
0x99: {  	p1 =	sne.s32 s1, $0x1  }
.Ltmp1:
0x9a: {  	_ = 	snop;
	(pc) =	sbr.rel @!p1 .LBB2_3-.Ltmp1, $4  }
0x9b: {  	[sflag:s7] =	ssyncset.done $0x0  }
0x9c: {  	[sflag:s7] =	ssyncadd.s32 $0xFFFFE0C0  }
0x9d: {  	p0 =	por $0x1, $0x1;
	_ =	swait.ge [sflag:s7], $0x1F40  }
0x9e: {  	s1 =	sadd.s32 $0xFFFFFFFF, s1;
	s0 =	rddreg [dreg:$0x3];
	[sflag:s7] =	ssyncset.done $0x0  }
.LBB2_2:
0x9f: {  	[sflag:s7] =	ssyncadd.s32 $0xFFFFE0C0  }
0xa0: {  	[tilespmem:s2], [sflag:$0x5] =	stream.linear.gather [hbm4b:s0+s2], $0x3E8, $0x38;
	[tilespmem:$0x84D0] =	vst v63  }
0xa1: {  	_ =	swait.ge [sflag:s13], $0x3E8  }
0xa2: {  	[sflag:s13] =	ssyncset.done $0x0  }
0xa3: {  	s23 =	rddreg [dreg:$0x4];
	[sflag:s13] =	ssyncadd.s32 $0xFFFFFC18  }
0xa4: {  	[tilespmem:s12], [sflag:$0x5] =	stream.linear.gather [hbm4b:s23+s2], $0x3E8, $0x38;
	[tilespmem:$0x84D0] =	vst v63  }
0xa5: {  	_ =	swait.ge [sflag:s13], $0x3E8  }
0xa6: {  	[sflag:s13] =	ssyncset.done $0x0  }
0xa7: {  	[sflag:s13] =	ssyncadd.s32 $0xFFFFFC18  }
0xa8: {  	[tilespmem:s8], [sflag:$0x1] =	stream.indirect.gather [hbm4b:s3+s12], $0x8, s2, s12, $0xb8;
	[tilespmem:$0x84D0] =	vst v63  }
0xa9: {  	s23 =	smov.u32 s31;
	s31 =	smov.u32 s30;
	s30 =	smov.u32 s29  }
0xaa: {  	[tilespmem:s9], [sflag:$0x2] =	stream.indirect.gather [hbm4b:s4+s12], $0x8, s12, s12, $0xb8;
	[tilespmem:$0x84D0] =	vst v63  }
0xab: {  	s29 =	smov.u32 s28;
	s28 =	smov.u32 s26;
	_ =	swait.ge [sflag:s16], $0x1F40  }
0xac: {  	s26 =	smov.u32 s25;
	s25 =	smov.u32 s22;
	[sflag:s16] =	ssyncset.done $0x0  }
0xad: {  	s22 =	smov.u32 s21;
	s21 =	smov.u32 s20;
	[sflag:s16] =	ssyncadd.s32 $0xFFFFE0C0  }
0xae: {  	s20 =	smov.u32 s19;
	s19 =	smov.u32 s18;
	_ =	swait.ge [sflag:s14], $0x1F40  }
0xaf: {  	s18 =	smov.u32 s17;
	s17 =	smov.u32 s15;
	[sflag:s14] =	ssyncset.done $0x0  }
0xb0: {  	s15 =	smov.u32 s11;
	s0 =	rddreg [dreg:$0x5];
	[sflag:s14] =	ssyncadd.s32 $0xFFFFE0C0  }
0xb1: {  	[hbm4b:s0+s2] =	stream.linear.scatter [tilespmem:s8], [sflag:$0x3], $0x1F40, $0x38;
	[tilespmem:$0x84D0] =	vst v63  }
0xb2: {  	s11 =	smov.u32 s6;
	s6 =	smov.u32 s5;
	s5 =	rddreg [dreg:$0x6]  }
0xb3: {  	[hbm4b:s5+s2] =	stream.linear.scatter [tilespmem:s9], [sflag:$0x3], $0x1F40, $0x38;
	[tilespmem:$0x84D0] =	vst v63  }
0xb4: {  	s5 =	smov.u32 s6  }
0xb5: {  	s6 =	smov.u32 s11;
	s11 =	smov.u32 s15;
	s15 =	smov.u32 s17  }
0xb6: {  	s17 =	smov.u32 s18;
	s18 =	smov.u32 s19;
	s19 =	smov.u32 s20  }
0xb7: {  	s20 =	smov.u32 s21;
	s21 =	smov.u32 s22;
	s22 =	smov.u32 s25  }
0xb8: {  	s25 =	smov.u32 s26;
	s26 =	smov.u32 s28;
	s28 =	smov.u32 s29  }
0xb9: {  	s29 =	smov.u32 s30;
	s30 =	smov.u32 s31;
	s31 =	smov.u32 s23  }
0xba: {  	[tilespmem:s2], [sflag:$0x5] =	stream.linear.gather [hbm4b:s31+s2], $0x3E8, $0x38;
	[tilespmem:$0x84D0] =	vst v63  }
0xbb: {  	_ =	swait.ge [sflag:s13], $0x3E8  }
0xbc: {  	[sflag:s13] =	ssyncset.done $0x0  }
0xbd: {  	[sflag:s13] =	ssyncadd.s32 $0xFFFFFC18  }
0xbe: {  	[tilespmem:s12], [sflag:$0x5] =	stream.linear.gather [hbm4b:s30+s2], $0x3E8, $0x38;
	[tilespmem:$0x84D0] =	vst v63  }
0xbf: {  	_ =	swait.ge [sflag:s13], $0x3E8  }
0xc0: {  	[sflag:s13] =	ssyncset.done $0x0  }
0xc1: {  	s23 =	simm.s32 $0x4650;
	[sflag:s13] =	ssyncadd.s32 $0xFFFFFC18  }
0xc2: {  	[tilespmem:s23], [sflag:$0x1] =	stream.indirect.gather [hbm4b:s3+s12], $0x8, s2, s12, $0xb8;
	[tilespmem:$0x84D0] =	vst v63  }
0xc3: {  	_ = 	snop  }
0xc4: {  	[tilespmem:s24], [sflag:$0x2] =	stream.indirect.gather [hbm4b:s4+s12], $0x8, s12, s12, $0xb8;
	[tilespmem:$0x84D0] =	vst v63  }
0xc5: {  	_ =	swait.ge [sflag:s16], $0x1F40  }
0xc6: {  	[sflag:s16] =	ssyncset.done $0x0  }
0xc7: {  	[sflag:s16] =	ssyncadd.s32 $0xFFFFE0C0  }
0xc8: {  	_ =	swait.ge [sflag:s14], $0x1F40  }
0xc9: {  	[sflag:s14] =	ssyncset.done $0x0  }
0xca: {  	[sflag:s14] =	ssyncadd.s32 $0xFFFFE0C0  }
0xcb: {  	[hbm4b:s28+s2] =	stream.linear.scatter [tilespmem:s23], [sflag:$0x4], $0x1F40, $0x38;
	[tilespmem:$0x84D0] =	vst v63  }
0xcc: {  	_ = 	snop  }
0xcd: {  	[hbm4b:s29+s2] =	stream.linear.scatter [tilespmem:s24], [sflag:$0x4], $0x1F40, $0x38;
	[tilespmem:$0x84D0] =	vst v63  }
0xce: {  	_ =	swait.ge [sflag:s10], $0x1F40  }
0xcf: {  	[sflag:s10] =	ssyncset.done $0x0  }
0xd0: {  	[sflag:s10] =	ssyncadd.s32 $0xFFFFE0C0  }
0xd1: {  	_ =	swait.ge [sflag:s10], $0x1F40  }
0xd2: {  	[sflag:s10] =	ssyncset.done $0x0  }
0xd3: {  	[sflag:s10] =	ssyncadd.s32 $0xFFFFE0C0  }
0xd4: {  	[tilespmem:s2], [sflag:$0x5] =	stream.linear.gather [hbm4b:s26+s2], $0x3E8, $0x38;
	[tilespmem:$0x84D0] =	vst v63  }
0xd5: {  	_ =	swait.ge [sflag:s13], $0x3E8  }
0xd6: {  	[sflag:s13] =	ssyncset.done $0x0  }
0xd7: {  	[sflag:s13] =	ssyncadd.s32 $0xFFFFFC18  }
0xd8: {  	[tilespmem:s12], [sflag:$0x5] =	stream.linear.gather [hbm4b:s25+s2], $0x3E8, $0x38;
	[tilespmem:$0x84D0] =	vst v63  }
0xd9: {  	_ =	swait.ge [sflag:s13], $0x3E8  }
0xda: {  	[sflag:s13] =	ssyncset.done $0x0  }
0xdb: {  	[sflag:s13] =	ssyncadd.s32 $0xFFFFFC18  }
0xdc: {  	[tilespmem:s8], [sflag:$0x1] =	stream.indirect.gather [hbm4b:s3+s12], $0x8, s2, s12, $0xb8;
	[tilespmem:$0x84D0] =	vst v63  }
0xdd: {  	_ = 	snop  }
0xde: {  	[tilespmem:s9], [sflag:$0x2] =	stream.indirect.gather [hbm4b:s4+s12], $0x8, s12, s12, $0xb8;
	[tilespmem:$0x84D0] =	vst v63  }
0xdf: {  	_ =	swait.ge [sflag:s16], $0x1F40  }
0xe0: {  	[sflag:s16] =	ssyncset.done $0x0  }
0xe1: {  	[sflag:s16] =	ssyncadd.s32 $0xFFFFE0C0  }
0xe2: {  	_ =	swait.ge [sflag:s14], $0x1F40  }
0xe3: {  	[sflag:s14] =	ssyncset.done $0x0  }
0xe4: {  	[sflag:s14] =	ssyncadd.s32 $0xFFFFE0C0  }
0xe5: {  	[hbm4b:s21+s2] =	stream.linear.scatter [tilespmem:s8], [sflag:$0x3], $0x1F40, $0x38;
	[tilespmem:$0x84D0] =	vst v63  }
0xe6: {  	_ = 	snop  }
0xe7: {  	[hbm4b:s22+s2] =	stream.linear.scatter [tilespmem:s9], [sflag:$0x3], $0x1F40, $0x38;
	[tilespmem:$0x84D0] =	vst v63  }
0xe8: {  	_ =	swait.ge [sflag:s7], $0x1F40  }
0xe9: {  	[sflag:s7] =	ssyncset.done $0x0  }
0xea: {  	[sflag:s7] =	ssyncadd.s32 $0xFFFFE0C0  }
0xeb: {  	_ =	swait.ge [sflag:s7], $0x1F40  }
0xec: {  	[sflag:s7] =	ssyncset.done $0x0  }
0xed: {  	[sflag:s7] =	ssyncadd.s32 $0xFFFFE0C0  }
0xee: {  	[tilespmem:s2], [sflag:$0x5] =	stream.linear.gather [hbm4b:s20+s2], $0x3E8, $0x38;
	[tilespmem:$0x84D0] =	vst v63  }
0xef: {  	_ =	swait.ge [sflag:s13], $0x3E8  }
0xf0: {  	[sflag:s13] =	ssyncset.done $0x0  }
0xf1: {  	[sflag:s13] =	ssyncadd.s32 $0xFFFFFC18  }
0xf2: {  	[tilespmem:s12], [sflag:$0x5] =	stream.linear.gather [hbm4b:s19+s2], $0x3E8, $0x38;
	[tilespmem:$0x84D0] =	vst v63  }
0xf3: {  	_ =	swait.ge [sflag:s13], $0x3E8  }
0xf4: {  	[sflag:s13] =	ssyncset.done $0x0  }
0xf5: {  	[sflag:s13] =	ssyncadd.s32 $0xFFFFFC18  }
0xf6: {  	[tilespmem:s23], [sflag:$0x1] =	stream.indirect.gather [hbm4b:s3+s12], $0x8, s2, s12, $0xb8;
	[tilespmem:$0x84D0] =	vst v63  }
0xf7: {  	_ = 	snop  }
0xf8: {  	[tilespmem:s24], [sflag:$0x2] =	stream.indirect.gather [hbm4b:s4+s12], $0x8, s12, s12, $0xb8;
	[tilespmem:$0x84D0] =	vst v63  }
0xf9: {  	_ =	swait.ge [sflag:s16], $0x1F40  }
0xfa: {  	[sflag:s16] =	ssyncset.done $0x0  }
0xfb: {  	[sflag:s16] =	ssyncadd.s32 $0xFFFFE0C0  }
0xfc: {  	_ =	swait.ge [sflag:s14], $0x1F40  }
0xfd: {  	[sflag:s14] =	ssyncset.done $0x0  }
0xfe: {  	[sflag:s14] =	ssyncadd.s32 $0xFFFFE0C0  }
0xff: {  	[hbm4b:s17+s2] =	stream.linear.scatter [tilespmem:s23], [sflag:$0x4], $0x1F40, $0x38;
	[tilespmem:$0x84D0] =	vst v63  }
0x100: {  	_ = 	snop  }
0x101: {  	[hbm4b:s18+s2] =	stream.linear.scatter [tilespmem:s24], [sflag:$0x4], $0x1F40, $0x38;
	[tilespmem:$0x84D0] =	vst v63  }
0x102: {  	_ =	swait.ge [sflag:s10], $0x1F40  }
0x103: {  	[sflag:s10] =	ssyncset.done $0x0  }
0x104: {  	[sflag:s10] =	ssyncadd.s32 $0xFFFFE0C0  }
0x105: {  	_ =	swait.ge [sflag:s10], $0x1F40  }
0x106: {  	[sflag:s10] =	ssyncset.done $0x0  }
0x107: {  	[sflag:s10] =	ssyncadd.s32 $0xFFFFE0C0  }
0x108: {  	[tilespmem:s2], [sflag:$0x5] =	stream.linear.gather [hbm4b:s15+s2], $0x3E8, $0x38;
	[tilespmem:$0x84D0] =	vst v63  }
0x109: {  	_ =	swait.ge [sflag:s13], $0x3E8  }
0x10a: {  	[sflag:s13] =	ssyncset.done $0x0  }
0x10b: {  	[sflag:s13] =	ssyncadd.s32 $0xFFFFFC18  }
0x10c: {  	[tilespmem:s12], [sflag:$0x5] =	stream.linear.gather [hbm4b:s11+s2], $0x3E8, $0x38;
	[tilespmem:$0x84D0] =	vst v63  }
0x10d: {  	_ =	swait.ge [sflag:s13], $0x3E8  }
0x10e: {  	[sflag:s13] =	ssyncset.done $0x0  }
0x10f: {  	[sflag:s13] =	ssyncadd.s32 $0xFFFFFC18  }
0x110: {  	[tilespmem:s8], [sflag:$0x1] =	stream.indirect.gather [hbm4b:s3+s12], $0x8, s2, s12, $0xb8;
	[tilespmem:$0x84D0] =	vst v63  }
0x111: {  	_ = 	snop  }
0x112: {  	[tilespmem:s9], [sflag:$0x2] =	stream.indirect.gather [hbm4b:s4+s12], $0x8, s12, s12, $0xb8;
	[tilespmem:$0x84D0] =	vst v63  }
0x113: {  	_ =	swait.ge [sflag:s16], $0x1F40  }
0x114: {  	[sflag:s16] =	ssyncset.done $0x0  }
0x115: {  	[sflag:s16] =	ssyncadd.s32 $0xFFFFE0C0  }
0x116: {  	_ =	swait.ge [sflag:s14], $0x1F40  }
0x117: {  	[sflag:s14] =	ssyncset.done $0x0  }
0x118: {  	[sflag:s14] =	ssyncadd.s32 $0xFFFFE0C0  }
0x119: {  	[hbm4b:s5+s2] =	stream.linear.scatter [tilespmem:s8], [sflag:$0x3], $0x1F40, $0x38;
	[tilespmem:$0x84D0] =	vst v63  }
0x11a: {  	_ = 	snop  }
0x11b: {  	[hbm4b:s6+s2] =	stream.linear.scatter [tilespmem:s9], [sflag:$0x3], $0x1F40, $0x38;
	[tilespmem:$0x84D0] =	vst v63  }
0x11c: {  	_ =	swait.ge [sflag:s10], $0x1F40  }
0x11d: {  	[sflag:s10] =	ssyncset.done $0x0  }
0x11e: {  	[sflag:s10] =	ssyncadd.s32 $0xFFFFE0C0  }
0x11f: {  	_ =	swait.ge [sflag:s10], $0x1F40  }
0x120: {  	[sflag:s10] =	ssyncset.done $0x0  }
0x121: {  	p1 =	sne.s32 s1, $0x1;
	[sflag:s10] =	ssyncadd.s32 $0xFFFFE0C0  }
.Ltmp2:
0x122: {  	_ =	swait.ge [sflag:s7], $0x1F40;
	(pc) =	sbr.rel @p1 .LBB2_2-.Ltmp2, $4  }
0x123: {  	[sflag:s7] =	ssyncset.done $0x0  }
0x124: {  	[sflag:s7] =	ssyncadd.s32 $0xFFFFE0C0  }
0x125: {  	_ =	swait.ge [sflag:s7], $0x1F40  }
0x126: {  	s1 =	sadd.s32 $0xFFFFFFFF, s1;
	s0 =	rddreg [dreg:$0x3];
	[sflag:s7] =	ssyncset.done $0x0  }
.LBB2_3:
0x127: {  	[sflag:s7] =	ssyncadd.s32 @p0 $0xFFFFE0C0  }
0x128: {  	[tilespmem:s2], [sflag:$0x5] =	stream.linear.gather [hbm4b:s0+s2], $0x3E8, $0x38;
	[tilespmem:$0x84D0] =	vst v63  }
0x129: {  	_ =	swait.ge [sflag:s13], $0x3E8  }
0x12a: {  	[sflag:s13] =	ssyncset.done $0x0  }
0x12b: {  	s1 =	rddreg [dreg:$0x4];
	[sflag:s13] =	ssyncadd.s32 $0xFFFFFC18  }
0x12c: {  	[tilespmem:s12], [sflag:$0x5] =	stream.linear.gather [hbm4b:s1+s2], $0x3E8, $0x38;
	[tilespmem:$0x84D0] =	vst v63  }
0x12d: {  	_ =	swait.ge [sflag:s13], $0x3E8  }
0x12e: {  	[sflag:s13] =	ssyncset.done $0x0  }
0x12f: {  	[sflag:s13] =	ssyncadd.s32 $0xFFFFFC18  }
0x130: {  	[tilespmem:s8], [sflag:$0x1] =	stream.indirect.gather [hbm4b:s3+s12], $0x8, s2, s12, $0xb8;
	[tilespmem:$0x84D0] =	vst v63  }
0x131: {  	_ = 	snop  }
0x132: {  	[tilespmem:s9], [sflag:$0x2] =	stream.indirect.gather [hbm4b:s4+s12], $0x8, s12, s12, $0xb8;
	[tilespmem:$0x84D0] =	vst v63  }
0x133: {  	_ =	swait.ge [sflag:s16], $0x1F40  }
0x134: {  	[sflag:s16] =	ssyncset.done $0x0  }
0x135: {  	[sflag:s16] =	ssyncadd.s32 $0xFFFFE0C0  }
0x136: {  	_ =	swait.ge [sflag:s14], $0x1F40  }
0x137: {  	[sflag:s14] =	ssyncset.done $0x0  }
0x138: {  	s0 =	rddreg [dreg:$0x5];
	[sflag:s14] =	ssyncadd.s32 $0xFFFFE0C0  }
0x139: {  	[hbm4b:s0+s2] =	stream.linear.scatter [tilespmem:s8], [sflag:$0x3], $0x1F40, $0x38;
	[tilespmem:$0x84D0] =	vst v63  }
0x13a: {  	s1 =	rddreg [dreg:$0x6]  }
0x13b: {  	[hbm4b:s1+s2] =	stream.linear.scatter [tilespmem:s9], [sflag:$0x3], $0x1F40, $0x38;
	[tilespmem:$0x84D0] =	vst v63  }
0x13c: {  	_ = 	snop  }
0x13d: {  	[tilespmem:s2], [sflag:$0x5] =	stream.linear.gather [hbm4b:s31+s2], $0x3E8, $0x38;
	[tilespmem:$0x84D0] =	vst v63  }
0x13e: {  	_ =	swait.ge [sflag:s13], $0x3E8  }
0x13f: {  	[sflag:s13] =	ssyncset.done $0x0  }
0x140: {  	[sflag:s13] =	ssyncadd.s32 $0xFFFFFC18  }
0x141: {  	[tilespmem:s12], [sflag:$0x5] =	stream.linear.gather [hbm4b:s30+s2], $0x3E8, $0x38;
	[tilespmem:$0x84D0] =	vst v63  }
0x142: {  	_ =	swait.ge [sflag:s13], $0x3E8  }
0x143: {  	[sflag:s13] =	ssyncset.done $0x0  }
0x144: {  	[sflag:s13] =	ssyncadd.s32 $0xFFFFFC18  }
0x145: {  	[tilespmem:s23], [sflag:$0x1] =	stream.indirect.gather [hbm4b:s3+s12], $0x8, s2, s12, $0xb8;
	[tilespmem:$0x84D0] =	vst v63  }
0x146: {  	_ = 	snop  }
0x147: {  	[tilespmem:s24], [sflag:$0x2] =	stream.indirect.gather [hbm4b:s4+s12], $0x8, s12, s12, $0xb8;
	[tilespmem:$0x84D0] =	vst v63  }
0x148: {  	_ =	swait.ge [sflag:s16], $0x1F40  }
0x149: {  	[sflag:s16] =	ssyncset.done $0x0  }
0x14a: {  	[sflag:s16] =	ssyncadd.s32 $0xFFFFE0C0  }
0x14b: {  	_ =	swait.ge [sflag:s14], $0x1F40  }
0x14c: {  	[sflag:s14] =	ssyncset.done $0x0  }
0x14d: {  	[sflag:s14] =	ssyncadd.s32 $0xFFFFE0C0  }
0x14e: {  	[hbm4b:s28+s2] =	stream.linear.scatter [tilespmem:s23], [sflag:$0x4], $0x1F40, $0x38;
	[tilespmem:$0x84D0] =	vst v63  }
0x14f: {  	_ = 	snop  }
0x150: {  	[hbm4b:s29+s2] =	stream.linear.scatter [tilespmem:s24], [sflag:$0x4], $0x1F40, $0x38;
	[tilespmem:$0x84D0] =	vst v63  }
0x151: {  	_ =	swait.ge [sflag:s10], $0x1F40  }
0x152: {  	[sflag:s10] =	ssyncset.done $0x0  }
0x153: {  	[sflag:s10] =	ssyncadd.s32 $0xFFFFE0C0  }
0x154: {  	_ =	swait.ge [sflag:s10], $0x1F40  }
0x155: {  	[sflag:s10] =	ssyncset.done $0x0  }
0x156: {  	[sflag:s10] =	ssyncadd.s32 $0xFFFFE0C0  }
0x157: {  	[tilespmem:s2], [sflag:$0x5] =	stream.linear.gather [hbm4b:s26+s2], $0x3E8, $0x38;
	[tilespmem:$0x84D0] =	vst v63  }
0x158: {  	_ =	swait.ge [sflag:s13], $0x3E8  }
0x159: {  	[sflag:s13] =	ssyncset.done $0x0  }
0x15a: {  	[sflag:s13] =	ssyncadd.s32 $0xFFFFFC18  }
0x15b: {  	[tilespmem:s12], [sflag:$0x5] =	stream.linear.gather [hbm4b:s25+s2], $0x3E8, $0x38;
	[tilespmem:$0x84D0] =	vst v63  }
0x15c: {  	_ =	swait.ge [sflag:s13], $0x3E8  }
0x15d: {  	[sflag:s13] =	ssyncset.done $0x0  }
0x15e: {  	[sflag:s13] =	ssyncadd.s32 $0xFFFFFC18  }
0x15f: {  	[tilespmem:s8], [sflag:$0x1] =	stream.indirect.gather [hbm4b:s3+s12], $0x8, s2, s12, $0xb8;
	[tilespmem:$0x84D0] =	vst v63  }
0x160: {  	_ = 	snop  }
0x161: {  	[tilespmem:s9], [sflag:$0x2] =	stream.indirect.gather [hbm4b:s4+s12], $0x8, s12, s12, $0xb8;
	[tilespmem:$0x84D0] =	vst v63  }
0x162: {  	_ =	swait.ge [sflag:s16], $0x1F40  }
0x163: {  	[sflag:s16] =	ssyncset.done $0x0  }
0x164: {  	[sflag:s16] =	ssyncadd.s32 $0xFFFFE0C0  }
0x165: {  	_ =	swait.ge [sflag:s14], $0x1F40  }
0x166: {  	[sflag:s14] =	ssyncset.done $0x0  }
0x167: {  	[sflag:s14] =	ssyncadd.s32 $0xFFFFE0C0  }
0x168: {  	[hbm4b:s21+s2] =	stream.linear.scatter [tilespmem:s8], [sflag:$0x3], $0x1F40, $0x38;
	[tilespmem:$0x84D0] =	vst v63  }
0x169: {  	_ = 	snop  }
0x16a: {  	[hbm4b:s22+s2] =	stream.linear.scatter [tilespmem:s9], [sflag:$0x3], $0x1F40, $0x38;
	[tilespmem:$0x84D0] =	vst v63  }
0x16b: {  	_ =	swait.ge [sflag:s7], $0x1F40  }
0x16c: {  	[sflag:s7] =	ssyncset.done $0x0  }
0x16d: {  	[sflag:s7] =	ssyncadd.s32 $0xFFFFE0C0  }
0x16e: {  	_ =	swait.ge [sflag:s7], $0x1F40  }
0x16f: {  	[sflag:s7] =	ssyncset.done $0x0  }
0x170: {  	[sflag:s7] =	ssyncadd.s32 $0xFFFFE0C0  }
0x171: {  	[tilespmem:s2], [sflag:$0x5] =	stream.linear.gather [hbm4b:s20+s2], $0x3E8, $0x38;
	[tilespmem:$0x84D0] =	vst v63  }
0x172: {  	_ =	swait.ge [sflag:s13], $0x3E8  }
0x173: {  	[sflag:s13] =	ssyncset.done $0x0  }
0x174: {  	[sflag:s13] =	ssyncadd.s32 $0xFFFFFC18  }
0x175: {  	[tilespmem:s12], [sflag:$0x5] =	stream.linear.gather [hbm4b:s19+s2], $0x3E8, $0x38;
	[tilespmem:$0x84D0] =	vst v63  }
0x176: {  	_ =	swait.ge [sflag:s13], $0x3E8  }
0x177: {  	[sflag:s13] =	ssyncset.done $0x0  }
0x178: {  	[sflag:s13] =	ssyncadd.s32 $0xFFFFFC18  }
0x179: {  	[tilespmem:s23], [sflag:$0x1] =	stream.indirect.gather [hbm4b:s3+s12], $0x8, s2, s12, $0xb8;
	[tilespmem:$0x84D0] =	vst v63  }
0x17a: {  	_ = 	snop  }
0x17b: {  	[tilespmem:s24], [sflag:$0x2] =	stream.indirect.gather [hbm4b:s4+s12], $0x8, s12, s12, $0xb8;
	[tilespmem:$0x84D0] =	vst v63  }
0x17c: {  	_ =	swait.ge [sflag:s16], $0x1F40  }
0x17d: {  	[sflag:s16] =	ssyncset.done $0x0  }
0x17e: {  	[sflag:s16] =	ssyncadd.s32 $0xFFFFE0C0  }
0x17f: {  	_ =	swait.ge [sflag:s14], $0x1F40  }
0x180: {  	[sflag:s14] =	ssyncset.done $0x0  }
0x181: {  	[sflag:s14] =	ssyncadd.s32 $0xFFFFE0C0  }
0x182: {  	[hbm4b:s17+s2] =	stream.linear.scatter [tilespmem:s23], [sflag:$0x4], $0x1F40, $0x38;
	[tilespmem:$0x84D0] =	vst v63  }
0x183: {  	_ = 	snop  }
0x184: {  	[hbm4b:s18+s2] =	stream.linear.scatter [tilespmem:s24], [sflag:$0x4], $0x1F40, $0x38;
	[tilespmem:$0x84D0] =	vst v63  }
0x185: {  	_ =	swait.ge [sflag:s10], $0x1F40  }
0x186: {  	[sflag:s10] =	ssyncset.done $0x0  }
0x187: {  	[sflag:s10] =	ssyncadd.s32 $0xFFFFE0C0  }
0x188: {  	_ =	swait.ge [sflag:s10], $0x1F40  }
0x189: {  	[sflag:s10] =	ssyncset.done $0x0  }
0x18a: {  	[sflag:s10] =	ssyncadd.s32 $0xFFFFE0C0  }
0x18b: {  	[tilespmem:s2], [sflag:$0x5] =	stream.linear.gather [hbm4b:s15+s2], $0x3E8, $0x38;
	[tilespmem:$0x84D0] =	vst v63  }
0x18c: {  	_ =	swait.ge [sflag:s13], $0x3E8  }
0x18d: {  	[sflag:s13] =	ssyncset.done $0x0  }
0x18e: {  	[sflag:s13] =	ssyncadd.s32 $0xFFFFFC18  }
0x18f: {  	[tilespmem:s12], [sflag:$0x5] =	stream.linear.gather [hbm4b:s11+s2], $0x3E8, $0x38;
	[tilespmem:$0x84D0] =	vst v63  }
0x190: {  	_ =	swait.ge [sflag:s13], $0x3E8  }
0x191: {  	[sflag:s13] =	ssyncset.done $0x0  }
0x192: {  	[sflag:s13] =	ssyncadd.s32 $0xFFFFFC18  }
0x193: {  	[tilespmem:s8], [sflag:$0x1] =	stream.indirect.gather [hbm4b:s3+s12], $0x8, s2, s12, $0xb8;
	[tilespmem:$0x84D0] =	vst v63  }
0x194: {  	_ = 	snop  }
0x195: {  	[tilespmem:s9], [sflag:$0x2] =	stream.indirect.gather [hbm4b:s4+s12], $0x8, s12, s12, $0xb8;
	[tilespmem:$0x84D0] =	vst v63  }
0x196: {  	_ =	swait.ge [sflag:s16], $0x1F40  }
0x197: {  	[sflag:s16] =	ssyncset.done $0x0  }
0x198: {  	[sflag:s16] =	ssyncadd.s32 $0xFFFFE0C0  }
0x199: {  	_ =	swait.ge [sflag:s14], $0x1F40  }
0x19a: {  	[sflag:s14] =	ssyncset.done $0x0  }
0x19b: {  	[sflag:s14] =	ssyncadd.s32 $0xFFFFE0C0  }
0x19c: {  	[hbm4b:s5+s2] =	stream.linear.scatter [tilespmem:s8], [sflag:$0x3], $0x1F40, $0x38;
	[tilespmem:$0x84D0] =	vst v63  }
0x19d: {  	_ = 	snop  }
0x19e: {  	[hbm4b:s6+s2] =	stream.linear.scatter [tilespmem:s9], [sflag:$0x3], $0x1F40, $0x38;
	[tilespmem:$0x84D0] =	vst v63  }
0x19f: {  	_ =	swait.ge [sflag:s10], $0x1F40  }
0x1a0: {  	[sflag:s10] =	ssyncset.done $0x0  }
0x1a1: {  	[sflag:s10] =	ssyncadd.s32 $0xFFFFE0C0  }
0x1a2: {  	_ =	swait.ge [sflag:s10], $0x1F40  }
0x1a3: {  	[sflag:s10] =	ssyncset.done $0x0  }
0x1a4: {  	[sflag:s10] =	ssyncadd.s32 $0xFFFFE0C0  }
0x1a5: {  	_ =	swait.ge [sflag:s7], $0x1F40  }
0x1a6: {  	[sflag:s7] =	ssyncset.done $0x0  }
0x1a7: {  	[sflag:s7] =	ssyncadd.s32 $0xFFFFE0C0  }
0x1a8: {  	_ =	swait.ge [sflag:s7], $0x1F40  }
0x1a9: {  	[sflag:s7] =	ssyncset.done $0x0  }
0x1aa: {  	[sflag:s7] =	ssyncadd.s32 $0xFFFFE0C0  }
0x1ab: {  	_ =	sfence.sel $0x180000  }
0x1ac: {  	[bflag:$0x0] =	sbarrier.arrive $0xFFFF  }
0x1ad: {  	_ =	strace $0x90000047  }
0x1ae: {  	s31 =	stileid.u32;
	[bflag:$0x2] =	sbarrier.arrive $0xFFFF  }
0x1af: {  	p0 =	sne.s32 s31, $0x0;
	s0 =	rddreg [dreg:$0x2]  }
0x1b0: {  	s0 =	sadd.s32 @!p0 $0x100000, s0  }
0x1b1: {  	[sflag:s0] =	ssyncadd.tile.s32 @!p0 $0x1;
	_ =	shalt  }
.Lfunc_end2:
_tile_overlayer_lowered:
.L_overlay_start_2:
0x1b2: {  	(tag) =	ssettag $0x2  }
0x1b3: {  	s0 =	rddreg [dreg:$0x0];
	s2 =	stileid.u32  }
0x1b4: {  	s1 =	rddreg [dreg:$0x1];
	p0 =	sne.s32 s2, $0x0  }
0x1b5: {  	s3 =	rddreg [dreg:$0x2];
	[bflag:$0x3] =	sbarrier.arrive $0xFFFF;
	s2 =	simm.s32 @!p0 $0x1C05  }
0x1b6: {  	[timem:s3], [sflag:s2] =	dma.local @!p0 [hbm:s0], s1  }
0x1b7: {  	s0 =	simm.s32 @!p0 $0x5  }
0x1b8: {  	_ =	swait.ge @!p0 [sflag:s0], s1  }
0x1b9: {  	s1 =	ssub.s32 @!p0 $0x0, s1;
	[sflag:s0] =	ssyncset.done @!p0 $0x0  }
0x1ba: {  	[sflag:s0] =	ssyncadd.s32 @!p0 s1  }
0x1bb: {  	[bflag:$0x3] =	sbarrier.arrive $0xFFFF  }
0x1bc: {  	_ =	shalt  }

// kernel: kernel.8.cloned.1.call-start
scs
__scs_entry_jumppad:
0x0: {  	(pc) =	sbr.rel $0x88, $3  }
0x1: {  	(tag) =	ssettag $0x0;
	lr =	simm.s32 $0x1  }
0x2: {  	[smem:$0x3F8F] =	sst lr;
	_ =	strace $0xD0000000  }
0x3: {  	_ = 	snop  }
0x4: {  	_ = 	snop  }
0x5: {  	_ = 	snop  }
0x6: {  	_ = 	snop  }
0x7: {  	_ = 	snop  }
__scs_overlays_trampoline_lowered:
0x8: {  	[smem:$0x3F9E] =	sst s0  }
0x9: {  	[smem:$0x3F9F] =	sst s1  }
0xa: {  	[smem:$0x3FA0] =	sst s2  }
0xb: {  	[smem:$0x3FA1] =	sst s3  }
0xc: {  	[smem:$0x3FA2] =	sst s4  }
0xd: {  	[smem:$0x3FA3] =	sst s5  }
0xe: {  	[smem:$0x3FA4] =	sst s6  }
0xf: {  	[smem:$0x3FA5] =	sst s7  }
0x10: {  	[smem:$0x3FA6] =	sst s8  }
0x11: {  	[smem:$0x3FA7] =	sst s9;
	s0 =	simm.s32 @!p0 $0x0  }
0x12: {  	s1 =	sld [smem:$0x3F8D];
	s0 =	simm.s32 @p0 $0x1  }
0x13: {  	[smem:$0x3FA8] =	sst s0;
	s0 =	simm.s32 @!p1 $0x0  }
0x14: {  	s2 =	sld [smem:$0x3F8C];
	s0 =	simm.s32 @p1 $0x1  }
0x15: {  	[smem:$0x3FA9] =	sst s0;
	s0 =	simm.s32 @!p2 $0x0  }
0x16: {  	s3 =	sld [smem:$0x3FDB];
	s0 =	simm.s32 @p2 $0x1  }
0x17: {  	s4 =	simm.s32 $0x1BF5;
	[smem:$0x3FAB] =	sst s0  }
0x18: {  	s0 =	sld [smem:$0x3F8E];
	_ =	swait.ge [sflag:s4], $0x0  }
0x19: {  	s7 =	sld [smem:$0x3F8F]  }
0x1a: {  	s8 =	sadd.s32 $0xFFFFE003, lr  }
0x1b: {  	s9 =	sadd.s32 $0xFFFFFEF7, lr;
	s5 =	simm.s32 $0xFFFFFFFF;
	p2 =	slt.u32 s8, $0xFFFFF086  }
0x1c: {  	p1 =	slt.u32 s9, $0xF7A;
	s5 =	simm.s32 @!p2 $0x0  }
0x1d: {  	s5 =	simm.s32 @p1 $0x1;
	p0 =	seq.s32 s7, s2  }
0x1e: {  	s7 =	smul.u32 @!p0 $0xF7A, s2;
	p2 =	seq.s32 @!p0 s5, $0x0  }
0x1f: {  	s9 =	smul.u32 $0xF7A, s1;
	s8 =	simm.s32 @!p0 $0x1BF5;
	p2 =	por !p2, p0  }
0x20: {  	[sflag:s8] =	ssyncset.s32 @!p0 $0xFFFFF086;
	s6 =	sadd.s32 @!p0 s3, s7;
	s7 =	simm.s32 @!p0 $0x108  }
0x21: {  	s3 =	sadd.s32 s3, s9;
	s6 =	sadd.s32 @!p0 $0x88, s6;
	s7 =	simm.s32 @p2 $0x1082  }
0x22: {  	[simem:s7], [sflag:s8] =	dma.local @!p0 [hbm:s6], $0xF7A  }
0x23: {  	s9 =	sor.u32 $0xD0000000, s2;
	s6 =	simm.s32 $0x108;
	_ =	swait.ge @!p0 [sflag:s8], $0x0  }
0x24: {  	s3 =	sadd.s32 $0x88, s3;
	s6 =	simm.s32 @!p1 $0x1082;
	[sflag:s4] =	ssyncset.s32 $0xFFFFF086  }
0x25: {  	[simem:s6], [sflag:s4] =	dma.local [hbm:s3], $0xF7A  }
0x26: {  	[smem:$0x3F8F] =	sst s1;
	(tag) =	ssettag s2;
	_ =	strace s9  }
0x27: {  	s1 =	sld [smem:$0x3F9F]  }
0x28: {  	s2 =	sld [smem:$0x3FA0]  }
0x29: {  	s4 =	sld [smem:$0x3FA2]  }
0x2a: {  	p0 =	seq.s32 s5, $0x0;
	s5 =	sld [smem:$0x3FA3]  }
0x2b: {  	s6 =	sld [smem:$0x3FA4]  }
0x2c: {  	s7 =	sld [smem:$0x3FA5]  }
0x2d: {  	s3 =	simm.s32 $0x108;
	s8 =	sld [smem:$0x3FA6]  }
0x2e: {  	s3 =	simm.s32 @!p0 $0x1082;
	s9 =	sld [smem:$0x3FA7]  }
0x2f: {  	lr =	sadd.s32 s0, s3;
	s0 =	sld [smem:$0x3F9E]  }
0x30: {  	s3 =	sld [smem:$0x3FA1]  }
0x31: {  	[smem:$0x3FAA] =	sst s10  }
0x32: {  	s10 =	sld [smem:$0x3FA8];
	_ =	sdelay $0x3  }
0x33: {  	p0 =	seq.s32 s10, $0x1;
	s10 =	sld [smem:$0x3FAA];
	_ =	sdelay $0x3  }
0x34: {  	[smem:$0x3FAA] =	sst s10  }
0x35: {  	s10 =	sld [smem:$0x3FA9];
	_ =	sdelay $0x3  }
0x36: {  	p1 =	seq.s32 s10, $0x1;
	s10 =	sld [smem:$0x3FAA];
	_ =	sdelay $0x3  }
0x37: {  	[smem:$0x3FAA] =	sst s10  }
0x38: {  	s10 =	sld [smem:$0x3FAB]  }
0x39: {  	_ = 	snop;
	(pc) =	sbr.ind lr, $3  }
0x3a: {  	_ = 	snop  }
0x3b: {  	_ = 	snop  }
0x3c: {  	p2 =	seq.s32 s10, $0x1;
	s10 =	sld [smem:$0x3FAA]  }
0x3d: {  	_ =	shalt  }
0x3e: {  	_ =	shalt  }
0x3f: {  	_ =	shalt  }
0x40: {  	_ =	shalt  }
0x41: {  	_ =	shalt  }
0x42: {  	_ =	shalt  }
0x43: {  	_ =	shalt  }
0x44: {  	_ =	shalt  }
0x45: {  	_ =	shalt  }
0x46: {  	_ =	shalt  }
0x47: {  	_ =	shalt  }
0x48: {  	_ =	shalt  }
0x49: {  	_ =	shalt  }
0x4a: {  	_ =	shalt  }
0x4b: {  	_ =	shalt  }
0x4c: {  	_ =	shalt  }
0x4d: {  	_ =	shalt  }
0x4e: {  	_ =	shalt  }
0x4f: {  	_ =	shalt  }
0x50: {  	_ =	shalt  }
0x51: {  	_ =	shalt  }
0x52: {  	_ =	shalt  }
0x53: {  	_ =	shalt  }
0x54: {  	_ =	shalt  }
0x55: {  	_ =	shalt  }
0x56: {  	_ =	shalt  }
0x57: {  	_ =	shalt  }
0x58: {  	_ =	shalt  }
0x59: {  	_ =	shalt  }
0x5a: {  	_ =	shalt  }
0x5b: {  	_ =	shalt  }
0x5c: {  	_ =	shalt  }
0x5d: {  	_ =	shalt  }
0x5e: {  	_ =	shalt  }
0x5f: {  	_ =	shalt  }
0x60: {  	_ =	shalt  }
0x61: {  	_ =	shalt  }
0x62: {  	_ =	shalt  }
0x63: {  	_ =	shalt  }
0x64: {  	_ =	shalt  }
0x65: {  	_ =	shalt  }
0x66: {  	_ =	shalt  }
0x67: {  	_ =	shalt  }
0x68: {  	_ =	shalt  }
0x69: {  	_ =	shalt  }
0x6a: {  	_ =	shalt  }
0x6b: {  	_ =	shalt  }
0x6c: {  	_ =	shalt  }
0x6d: {  	_ =	shalt  }
0x6e: {  	_ =	shalt  }
0x6f: {  	_ =	shalt  }
0x70: {  	_ =	shalt  }
0x71: {  	_ =	shalt  }
0x72: {  	_ =	shalt  }
0x73: {  	_ =	shalt  }
0x74: {  	_ =	shalt  }
0x75: {  	_ =	shalt  }
0x76: {  	_ =	shalt  }
0x77: {  	_ =	shalt  }
0x78: {  	_ =	shalt  }
0x79: {  	_ =	shalt  }
0x7a: {  	_ =	shalt  }
0x7b: {  	_ =	shalt  }
0x7c: {  	_ =	shalt  }
0x7d: {  	_ =	shalt  }
0x7e: {  	_ =	shalt  }
0x7f: {  	_ =	shalt  }
0x80: {  	_ =	shalt  }
0x81: {  	_ =	shalt  }
0x82: {  	_ =	shalt  }
0x83: {  	_ =	shalt  }
0x84: {  	_ =	shalt  }
0x85: {  	_ =	shalt  }
0x86: {  	_ =	shalt  }
0x87: {  	_ =	shalt  }
.Lfunc_end0:
.L_simem_size_0:
called_computation_lowered:
.L_overlay_start_0:
0x88: {  	s2 =	sld [smem:$0x3FD9]  }
0x89: {  	s3 =	sld [smem:$0x3FFE];
	_ =	sdelay $0x1  }
0x8a: {  	s1 =	srdreg.scid  }
0x8b: {  	s0 =	sand.u32 $0x1, s1  }
0x8c: {  	s17 =	sshll.u32 s0, $0xA;
	s2 =	sadd.s32 s3, s2  }
0x8d: {  	s2 =	sadd.s32 s2, s17  }
0x8e: {  	[smem:$0x3FB6] =	sst s2  }
0x8f: {  	_ = 	snop  }
0x90: {  	s18 =	sld [smem:$0x3FD0];
	(tm) =	ssettm $0x1  }
0x91: {  	s19 =	sld [smem:$0x3FFB];
	_ =	sdelay $0x3  }
0x92: {  	_ =	strace s19  }
0x93: {  	s2 =	sld [smem:$0x3FFC];
	_ =	sdelay $0x3  }
0x94: {  	_ =	strace s2  }
0x95: {  	s2 =	sld [smem:$0x3FFD];
	_ =	sdelay $0x3  }
0x96: {  	_ =	strace s2  }
0x97: {  	_ =	strace $0x8FFFFFFF  }
0x98: {  	s20 =	sld [smem:$0x3FDB];
	_ =	sdelay $0x1  }
0x99: {  	s4 =	simm.s32 $_scs_section_size  }
0x9a: {  	s5 =	simm.s32 $_size__tile_overlayer_lowered;
	s6 =	simm.s32 $_tile_overlayer_lowered  }
0x9b: {  	s7 =	simm.s32 $0x1BFF;
	s21 =	sshll.u32 s6, $0x1;
	s4 =	sadd.s32 s4, s20  }
0x9c: {  	s22 =	simm.s32 $0x0;
	s5 =	sshll.u32 s5, $0x1;
	s6 =	sadd.s32 s21, s4  }
0x9d: {  	[timem:s22], [sflag:s7] =	dma.local [hbm:s6], s5  }
0x9e: {  	_ =	swait.ge [sflag:s7], s5  }
0x9f: {  	s5 =	ssub.s32 $0x0, s5;
	[sflag:s7] =	ssyncset.done $0x0  }
0xa0: {  	[sflag:s7] =	ssyncadd.s32 s5;
	_ =	sdelay $0x1  }
0xa1: {  	s23 =	simm.s32 $0x1B8B  }
0xa2: {  	_ =	swait.ge [sflag:s23], $0x1  }
0xa3: {  	[sflag:s23] =	ssyncset.done $0x0  }
0xa4: {  	[sflag:s23] =	ssyncadd.s32 $0xFFFFFFFF  }
0xa5: {  	s5 =	sld [smem:$0x0]  }
0xa6: {  	s6 =	sand.u32 $0xFFFFFFFE, s1  }
0xa7: {  	p0 =	sne.s32 s1, s6  }
0xa8: {  	s6 =	sshll.u32 @p0 s6, $0xE  }
0xa9: {  	s6 =	sadd.s32 @p0 $0x11B8D, s6;
	s7 =	sshll.u32 @p0 s5, $0x11  }
0xaa: {  	s6 =	sor.u32 @p0 s7, s6  }
0xab: {  	[sflag:s6] =	ssyncadd.remote.s32 @p0 $0x1;
	_ =	sdelay $0x1  }
0xac: {  	s6 =	simm.s32 @p0 $0x1B8D  }
0xad: {  	_ =	swait.eq @p0 [sflag:s6], $0x1  }
0xae: {  	[sflag:s6] =	ssyncadd.s32 @p0 $0xFFFFFFFF  }
0xaf: {  	s7 =	sshll.u32 @!p0 s1, $0xE  }
0xb0: {  	s7 =	sor.u32 @!p0 $0x4000, s7;
	s6 =	simm.s32 @!p0 $0x1B8D  }
0xb1: {  	s5 =	sshll.u32 @!p0 s5, $0x11;
	s7 =	sadd.s32 @!p0 $0x11B8D, s7;
	_ =	swait.eq @!p0 [sflag:s6], $0x1  }
0xb2: {  	s5 =	sor.u32 @!p0 s5, s7;
	[sflag:s6] =	ssyncadd.s32 @!p0 $0xFFFFFFFF  }
0xb3: {  	s25 =	simm.s32 $0x1B8E;
	s24 =	sld [smem:$0x3FFE];
	[sflag:s5] =	ssyncadd.remote.s32 @!p0 $0x1  }
0xb4: {  	s26 =	simm.s32 $execute0_lowered;
	[smem:$0x3FD2] =	sst s25  }
0xb5: {  	s6 =	sshll.u32 s26, $0x1;
	_ =	strace $0x80000049;
	[dreg:$0x1] =	wrdreg $0xFFFFFFFF  }
0xb6: {  	s28 =	simm.s32 $_size_execute0_lowered;
	s4 =	sadd.s32 s4, s6;
	[dreg:$0x0] =	wrdreg $0x0  }
0xb7: {  	s6 =	sshll.u32 s28, $0x1;
	[dreg:$0x2] =	wrdreg s4  }
0xb8: {  	[dreg:$0x3] =	wrdreg s6  }
0xb9: {  	[dreg:$0x4] =	wrdreg $0xC0  }
0xba: {  	_ =	task [dreg:s22], $0x5FFFF  }
0xbb: {  	[dreg:$0x1] =	wrdreg $0xFFFFFFFF  }
0xbc: {  	[dreg:$0x0] =	wrdreg $0x60  }
0xbd: {  	[dreg:$0x2] =	wrdreg s18  }
0xbe: {  	[dreg:$0x3] =	wrdreg s24  }
0xbf: {  	[dreg:$0x4] =	wrdreg $0x9  }
0xc0: {  	_ =	task.clear_ibuf [dreg:s22], $0x5FFFF;
	_ =	strace $0x90000049  }
0xc1: {  	s29 =	simm.s32 $0x9;
	_ =	strace $0x8000004B  }
0xc2: {  	_ =	swait.ge [sflag:s29], $0x1  }
0xc3: {  	[sflag:s29] =	ssyncadd.s32 $0xFFFFFFFF  }
0xc4: {  	_ =	strace $0x9000004B  }
0xc5: {  	_ =	sfence  }
0xc6: {  	s30 =	sld [smem:$0x0];
	_ =	sdelay $0x2  }
0xc7: {  	s31 =	sshll.u32 s1, $0xD;
	s1 =	sshrl.u32 s1, $0x2  }
0xc8: {  	s4 =	sand.u32 $0x4000, s31;
	s1 =	sadd.s32 s1, s30  }
0xc9: {  	s0 =	sor.u32 s4, s0;
	s1 =	sshll.u32 s1, $0x11  }
0xca: {  	s0 =	sor.u32 s1, s0  }
0xcb: {  	s0 =	sadd.s32 $0x8F2B, s0  }
0xcc: {  	[sflag:s0] =	ssyncadd.remote.s32 $0x1  }
0xcd: {  	_ =	sfence.sel $0xFFFF  }
0xce: {  	[dreg:$0x0] =	wrdreg $0xFFFFFFFF;
	(pc) =	sbr.abs _section_cstart, $3  }
0xcf: {  	[dreg:$0x1] =	wrdreg $0xFFFFFFFF  }
0xd0: {  	_ =	task.clear_ibuf [dreg:s22], $0x2FFFF;
	_ =	strace $0x9FFFFFFF  }
0xd1: {  	(tm) =	ssettm $0x7FFFFFFF  }
tec
execute0_lowered:
.L_overlay_start_1:
0x0: {  	(tag) =	ssettag $0x1  }
0x1: {  	s1 =	srdreg.scid;
	s0 =	stileid.u32  }
0x2: {  	s1 =	sand.u32 $0x1, s1;
	s3 =	sshll.u32 s0, $0x1  }
0x3: {  	s2 =	rddreg [dreg:$0x0];
	s3 =	sor.u32 s1, s3  }
0x4: {  	s8 =	rddreg [dreg:$0x1];
	s29 =	smul.u32 $0x1388, s3  }
0x5: {  	s28 =	sadd.s32 $0x4000, s8;
	s30 =	sadd.s32 $0x6A200, s8;
	s3 =	simm.s32 $0x0  }
0x6: {  	s31 =	sadd.s32 $0x92200, s8;
	[smem:$0x7FF] =	sst s3;
	s4 =	sshrl.u32 s29, $0x3  }
0x7: {  	_ =	strace $0x8000004A;
	s21 =	sadd.s32 s30, s29;
	s16 =	sadd.s32 $0x3E8, s29  }
0x8: {  	s22 =	sadd.s32 s31, s29;
	s4 =	sadd.s32 s28, s4;
	[dreg:$0x4] =	wrdreg s21  }
0x9: {  	s6 =	sshrl.u32 s16, $0x3;
	[dreg:$0x5] =	wrdreg s22;
	s5 =	sadd.s32 $0x9C40, s4  }
0xa: {  	[tilespmem:s3], [sflag:$0x5] =	stream.linear.gather [hbm4b:s4+s3], $0x3E8, $0x38;
	[tilespmem:$0x84D0] =	vst v63  }
0xb: {  	s23 =	sadd.s32 s28, s6;
	[dreg:$0x3] =	wrdreg s5  }
0xc: {  	[dreg:$0x6] =	wrdreg s23;
	s5 =	simm.s32 $0x5  }
0xd: {  	_ =	swait.ge [sflag:s5], $0x3E8  }
0xe: {  	[sflag:s5] =	ssyncset.done $0x0  }
0xf: {  	s6 =	simm.s32 $0x3E8;
	s7 =	rddreg [dreg:$0x3];
	[sflag:s5] =	ssyncadd.s32 $0xFFFFFC18  }
0x10: {  	[tilespmem:s6], [sflag:$0x5] =	stream.linear.gather [hbm4b:s7+s3], $0x3E8, $0x38;
	[tilespmem:$0x84D0] =	vst v63  }
0x11: {  	_ =	swait.ge [sflag:s5], $0x3E8  }
0x12: {  	[sflag:s5] =	ssyncset.done $0x0  }
0x13: {  	s7 =	simm.s32 $0x7D0;
	[sflag:s5] =	ssyncadd.s32 $0xFFFFFC18  }
0x14: {  	[tilespmem:s7], [sflag:$0x1] =	stream.indirect.gather [hbm4b:s2+s6], $0x8, s3, s6, $0xb8;
	[tilespmem:$0x84D0] =	vst v63  }
0x15: {  	s9 =	simm.s32 $0x2710;
	s10 =	simm.s32 $0x1;
	s8 =	sadd.s32 $0x17A00, s8  }
0x16: {  	[tilespmem:s9], [sflag:$0x2] =	stream.indirect.gather [hbm4b:s8+s6], $0x8, s6, s6, $0xb8;
	[tilespmem:$0x84D0] =	vst v63  }
0x17: {  	_ =	swait.ge [sflag:s10], $0x1F40  }
0x18: {  	[sflag:s10] =	ssyncset.done $0x0  }
0x19: {  	s11 =	simm.s32 $0x2;
	[sflag:s10] =	ssyncadd.s32 $0xFFFFE0C0  }
0x1a: {  	_ =	swait.ge [sflag:s11], $0x1F40  }
0x1b: {  	[sflag:s11] =	ssyncset.done $0x0  }
0x1c: {  	s12 =	rddreg [dreg:$0x4];
	[sflag:s11] =	ssyncadd.s32 $0xFFFFE0C0  }
0x1d: {  	[hbm4b:s12+s3] =	stream.linear.scatter [tilespmem:s7], [sflag:$0x3], $0x1F40, $0x38;
	[tilespmem:$0x84D0] =	vst v63  }
0x1e: {  	s13 =	rddreg [dreg:$0x5]  }
0x1f: {  	[hbm4b:s13+s3] =	stream.linear.scatter [tilespmem:s9], [sflag:$0x3], $0x1F40, $0x38;
	[tilespmem:$0x84D0] =	vst v63  }
0x20: {  	s25 =	sadd.s32 $0x4E5E8, s29;
	s24 =	rddreg [dreg:$0x6]  }
0x21: {  	[tilespmem:s3], [sflag:$0x5] =	stream.linear.gather [hbm4b:s24+s3], $0x3E8, $0x38;
	[tilespmem:$0x84D0] =	vst v63  }
0x22: {  	s12 =	sshrl.u32 s25, $0x3;
	_ =	swait.ge [sflag:s5], $0x3E8  }
0x23: {  	s26 =	sadd.s32 s28, s12;
	[sflag:s5] =	ssyncset.done $0x0  }
0x24: {  	[dreg:$0x7] =	wrdreg s26;
	[sflag:s5] =	ssyncadd.s32 $0xFFFFFC18  }
0x25: {  	[tilespmem:s6], [sflag:$0x5] =	stream.linear.gather [hbm4b:s26+s3], $0x3E8, $0x38;
	[tilespmem:$0x84D0] =	vst v63  }
0x26: {  	_ =	swait.ge [sflag:s5], $0x3E8  }
0x27: {  	[sflag:s5] =	ssyncset.done $0x0  }
0x28: {  	s13 =	simm.s32 $0x4650;
	[sflag:s5] =	ssyncadd.s32 $0xFFFFFC18  }
0x29: {  	[tilespmem:s13], [sflag:$0x1] =	stream.indirect.gather [hbm4b:s2+s6], $0x8, s3, s6, $0xb8;
	[tilespmem:$0x84D0] =	vst v63  }
0x2a: {  	s14 =	simm.s32 $0x6590  }
0x2b: {  	[tilespmem:s14], [sflag:$0x2] =	stream.indirect.gather [hbm4b:s8+s6], $0x8, s6, s6, $0xb8;
	[tilespmem:$0x84D0] =	vst v63  }
0x2c: {  	_ =	swait.ge [sflag:s10], $0x1F40  }
0x2d: {  	[sflag:s10] =	ssyncset.done $0x0  }
0x2e: {  	[sflag:s10] =	ssyncadd.s32 $0xFFFFE0C0  }
0x2f: {  	_ =	swait.ge [sflag:s11], $0x1F40  }
0x30: {  	[sflag:s11] =	ssyncset.done $0x0  }
0x31: {  	s15 =	sadd.s32 s30, s16;
	[sflag:s11] =	ssyncadd.s32 $0xFFFFE0C0  }
0x32: {  	[hbm4b:s15+s3] =	stream.linear.scatter [tilespmem:s13], [sflag:$0x4], $0x1F40, $0x38;
	[tilespmem:$0x84D0] =	vst v63  }
0x33: {  	s17 =	simm.s32 $0x3;
	s16 =	sadd.s32 s31, s16  }
0x34: {  	[hbm4b:s16+s3] =	stream.linear.scatter [tilespmem:s14], [sflag:$0x4], $0x1F40, $0x38;
	[tilespmem:$0x84D0] =	vst v63  }
0x35: {  	_ =	swait.ge [sflag:s17], $0x1F40  }
0x36: {  	[sflag:s17] =	ssyncset.done $0x0  }
0x37: {  	[sflag:s17] =	ssyncadd.s32 $0xFFFFE0C0  }
0x38: {  	s21 =	sadd.s32 $0x7D0, s29;
	_ =	swait.ge [sflag:s17], $0x1F40  }
0x39: {  	s18 =	sshrl.u32 s21, $0x3;
	[sflag:s17] =	ssyncset.done $0x0  }
0x3a: {  	s18 =	sadd.s32 s28, s18;
	[sflag:s17] =	ssyncadd.s32 $0xFFFFE0C0  }
0x3b: {  	[tilespmem:s3], [sflag:$0x5] =	stream.linear.gather [hbm4b:s18+s3], $0x3E8, $0x38;
	[tilespmem:$0x84D0] =	vst v63  }
0x3c: {  	_ =	swait.ge [sflag:s5], $0x3E8  }
0x3d: {  	[sflag:s5] =	ssyncset.done $0x0  }
0x3e: {  	s19 =	sadd.s32 $0x9D3A, s4;
	[sflag:s5] =	ssyncadd.s32 $0xFFFFFC18  }
0x3f: {  	[tilespmem:s6], [sflag:$0x5] =	stream.linear.gather [hbm4b:s19+s3], $0x3E8, $0x38;
	[tilespmem:$0x84D0] =	vst v63  }
0x40: {  	_ =	swait.ge [sflag:s5], $0x3E8  }
0x41: {  	[sflag:s5] =	ssyncset.done $0x0  }
0x42: {  	[sflag:s5] =	ssyncadd.s32 $0xFFFFFC18  }
0x43: {  	[tilespmem:s7], [sflag:$0x1] =	stream.indirect.gather [hbm4b:s2+s6], $0x8, s3, s6, $0xb8;
	[tilespmem:$0x84D0] =	vst v63  }
0x44: {  	_ = 	snop  }
0x45: {  	[tilespmem:s9], [sflag:$0x2] =	stream.indirect.gather [hbm4b:s8+s6], $0x8, s6, s6, $0xb8;
	[tilespmem:$0x84D0] =	vst v63  }
0x46: {  	_ =	swait.ge [sflag:s10], $0x1F40  }
0x47: {  	[sflag:s10] =	ssyncset.done $0x0  }
0x48: {  	[sflag:s10] =	ssyncadd.s32 $0xFFFFE0C0  }
0x49: {  	_ =	swait.ge [sflag:s11], $0x1F40  }
0x4a: {  	[sflag:s11] =	ssyncset.done $0x0  }
0x4b: {  	s20 =	sadd.s32 s30, s21;
	[sflag:s11] =	ssyncadd.s32 $0xFFFFE0C0  }
0x4c: {  	[hbm4b:s20+s3] =	stream.linear.scatter [tilespmem:s7], [sflag:$0x3], $0x1F40, $0x38;
	[tilespmem:$0x84D0] =	vst v63  }
0x4d: {  	s22 =	simm.s32 $0x4;
	s21 =	sadd.s32 s31, s21  }
0x4e: {  	[hbm4b:s21+s3] =	stream.linear.scatter [tilespmem:s9], [sflag:$0x3], $0x1F40, $0x38;
	[tilespmem:$0x84D0] =	vst v63  }
0x4f: {  	_ =	swait.ge [sflag:s22], $0x1F40  }
0x50: {  	[sflag:s22] =	ssyncset.done $0x0  }
0x51: {  	[sflag:s22] =	ssyncadd.s32 $0xFFFFE0C0  }
0x52: {  	s26 =	sadd.s32 $0xBB8, s29;
	_ =	swait.ge [sflag:s22], $0x1F40  }
0x53: {  	s23 =	sshrl.u32 s26, $0x3;
	[sflag:s22] =	ssyncset.done $0x0  }
0x54: {  	s23 =	sadd.s32 s28, s23;
	[sflag:s22] =	ssyncadd.s32 $0xFFFFE0C0  }
0x55: {  	[tilespmem:s3], [sflag:$0x5] =	stream.linear.gather [hbm4b:s23+s3], $0x3E8, $0x38;
	[tilespmem:$0x84D0] =	vst v63  }
0x56: {  	s24 =	sadd.s32 $0x4EDB8, s29;
	_ =	swait.ge [sflag:s5], $0x3E8  }
0x57: {  	s24 =	sshrl.u32 s24, $0x3;
	[sflag:s5] =	ssyncset.done $0x0  }
0x58: {  	s24 =	sadd.s32 s28, s24;
	[sflag:s5] =	ssyncadd.s32 $0xFFFFFC18  }
0x59: {  	[tilespmem:s6], [sflag:$0x5] =	stream.linear.gather [hbm4b:s24+s3], $0x3E8, $0x38;
	[tilespmem:$0x84D0] =	vst v63  }
0x5a: {  	_ =	swait.ge [sflag:s5], $0x3E8  }
0x5b: {  	[sflag:s5] =	ssyncset.done $0x0  }
0x5c: {  	[sflag:s5] =	ssyncadd.s32 $0xFFFFFC18  }
0x5d: {  	[tilespmem:s13], [sflag:$0x1] =	stream.indirect.gather [hbm4b:s2+s6], $0x8, s3, s6, $0xb8;
	[tilespmem:$0x84D0] =	vst v63  }
0x5e: {  	_ = 	snop  }
0x5f: {  	[tilespmem:s14], [sflag:$0x2] =	stream.indirect.gather [hbm4b:s8+s6], $0x8, s6, s6, $0xb8;
	[tilespmem:$0x84D0] =	vst v63  }
0x60: {  	_ =	swait.ge [sflag:s10], $0x1F40  }
0x61: {  	[sflag:s10] =	ssyncset.done $0x0  }
0x62: {  	[sflag:s10] =	ssyncadd.s32 $0xFFFFE0C0  }
0x63: {  	_ =	swait.ge [sflag:s11], $0x1F40  }
0x64: {  	[sflag:s11] =	ssyncset.done $0x0  }
0x65: {  	s25 =	sadd.s32 s30, s26;
	[sflag:s11] =	ssyncadd.s32 $0xFFFFE0C0  }
0x66: {  	[hbm4b:s25+s3] =	stream.linear.scatter [tilespmem:s13], [sflag:$0x4], $0x1F40, $0x38;
	[tilespmem:$0x84D0] =	vst v63  }
0x67: {  	s26 =	sadd.s32 s31, s26  }
0x68: {  	[hbm4b:s26+s3] =	stream.linear.scatter [tilespmem:s14], [sflag:$0x4], $0x1F40, $0x38;
	[tilespmem:$0x84D0] =	vst v63  }
0x69: {  	_ =	swait.ge [sflag:s17], $0x1F40  }
0x6a: {  	[sflag:s17] =	ssyncset.done $0x0  }
0x6b: {  	[sflag:s17] =	ssyncadd.s32 $0xFFFFE0C0  }
0x6c: {  	s12 =	sadd.s32 $0xFA0, s29;
	_ =	swait.ge [sflag:s17], $0x1F40  }
0x6d: {  	s29 =	sshrl.u32 s12, $0x3;
	[sflag:s17] =	ssyncset.done $0x0  }
0x6e: {  	s28 =	sadd.s32 s28, s29;
	[sflag:s17] =	ssyncadd.s32 $0xFFFFE0C0  }
0x6f: {  	[tilespmem:s3], [sflag:$0x5] =	stream.linear.gather [hbm4b:s28+s3], $0x3E8, $0x38;
	[tilespmem:$0x84D0] =	vst v63  }
0x70: {  	_ =	swait.ge [sflag:s5], $0x3E8  }
0x71: {  	[sflag:s5] =	ssyncset.done $0x0  }
0x72: {  	s29 =	sadd.s32 $0x9E34, s4;
	[sflag:s5] =	ssyncadd.s32 $0xFFFFFC18  }
0x73: {  	[tilespmem:s6], [sflag:$0x5] =	stream.linear.gather [hbm4b:s29+s3], $0x3E8, $0x38;
	[tilespmem:$0x84D0] =	vst v63  }
0x74: {  	_ =	swait.ge [sflag:s5], $0x3E8  }
0x75: {  	[sflag:s5] =	ssyncset.done $0x0  }
0x76: {  	[sflag:s5] =	ssyncadd.s32 $0xFFFFFC18  }
0x77: {  	[tilespmem:s7], [sflag:$0x1] =	stream.indirect.gather [hbm4b:s2+s6], $0x8, s3, s6, $0xb8;
	[tilespmem:$0x84D0] =	vst v63  }
0x78: {  	_ = 	snop  }
0x79: {  	[tilespmem:s9], [sflag:$0x2] =	stream.indirect.gather [hbm4b:s8+s6], $0x8, s6, s6, $0xb8;
	[tilespmem:$0x84D0] =	vst v63  }
0x7a: {  	_ =	swait.ge [sflag:s10], $0x1F40  }
0x7b: {  	[sflag:s10] =	ssyncset.done $0x0  }
0x7c: {  	[sflag:s10] =	ssyncadd.s32 $0xFFFFE0C0  }
0x7d: {  	_ =	swait.ge [sflag:s11], $0x1F40  }
0x7e: {  	[sflag:s11] =	ssyncset.done $0x0  }
0x7f: {  	s30 =	sadd.s32 s30, s12;
	[sflag:s11] =	ssyncadd.s32 $0xFFFFE0C0  }
0x80: {  	[hbm4b:s30+s3] =	stream.linear.scatter [tilespmem:s7], [sflag:$0x3], $0x1F40, $0x38;
	[tilespmem:$0x84D0] =	vst v63  }
0x81: {  	s31 =	sadd.s32 s31, s12  }
0x82: {  	[hbm4b:s31+s3] =	stream.linear.scatter [tilespmem:s9], [sflag:$0x3], $0x1F40, $0x38;
	[tilespmem:$0x84D0] =	vst v63  }
0x83: {  	_ =	swait.ge [sflag:s17], $0x1F40  }
0x84: {  	s12 =	ssub.s32 $0x2, s1;
	[sflag:s17] =	ssyncset.done $0x0  }
0x85: {  	s1 =	sshrl.u32 s12, $0x1;
	[sflag:s17] =	ssyncadd.s32 $0xFFFFE0C0  }
0x86: {  	s0 =	ssub.s32 s12, s1;
	_ =	swait.ge [sflag:s17], $0x1F40  }
0x87: {  	s0 =	smax.u32 s0, $0x1;
	[sflag:s17] =	ssyncset.done $0x0  }
0x88: {  	p0 =	sne.s32 s0, $0x1;
	[sflag:s17] =	ssyncadd.s32 $0xFFFFE0C0  }
.Ltmp0:
0x89: {  	_ =	swait.ge [sflag:s22], $0x1F40;
	(pc) =	sbr.rel @!p0 .LBB2_3-.Ltmp0, $4  }
0x8a: {  	[sflag:s22] =	ssyncset.done $0x0  }
0x8b: {  	[sflag:s22] =	ssyncadd.s32 $0xFFFFE0C0  }
0x8c: {  	_ =	swait.ge [sflag:s22], $0x1F40  }
0x8d: {  	s1 =	sadd.s32 $0xFFFFFFFF, s0;
	[sflag:s22] =	ssyncset.done $0x0  }
0x8e: {  	s12 =	smov.u32 s4  }
.LBB2_2:
0x8f: {  	[sflag:s22] =	ssyncadd.s32 $0xFFFFE0C0  }
0x90: {  	[tilespmem:s3], [sflag:$0x5] =	stream.linear.gather [hbm4b:s12+s3], $0x3E8, $0x38;
	[tilespmem:$0x84D0] =	vst v63  }
0x91: {  	_ =	swait.ge [sflag:s5], $0x3E8  }
0x92: {  	[sflag:s5] =	ssyncset.done $0x0  }
0x93: {  	s0 =	rddreg [dreg:$0x3];
	[sflag:s5] =	ssyncadd.s32 $0xFFFFFC18  }
0x94: {  	[tilespmem:s6], [sflag:$0x5] =	stream.linear.gather [hbm4b:s0+s3], $0x3E8, $0x38;
	[tilespmem:$0x84D0] =	vst v63  }
0x95: {  	_ =	swait.ge [sflag:s5], $0x3E8  }
0x96: {  	[sflag:s5] =	ssyncset.done $0x0  }
0x97: {  	[sflag:s5] =	ssyncadd.s32 $0xFFFFFC18  }
0x98: {  	[tilespmem:s7], [sflag:$0x1] =	stream.indirect.gather [hbm4b:s2+s6], $0x8, s3, s6, $0xb8;
	[tilespmem:$0x84D0] =	vst v63  }
0x99: {  	_ = 	snop  }
0x9a: {  	[tilespmem:s9], [sflag:$0x2] =	stream.indirect.gather [hbm4b:s8+s6], $0x8, s6, s6, $0xb8;
	[tilespmem:$0x84D0] =	vst v63  }
0x9b: {  	_ =	swait.ge [sflag:s10], $0x1F40  }
0x9c: {  	[sflag:s10] =	ssyncset.done $0x0  }
0x9d: {  	[sflag:s10] =	ssyncadd.s32 $0xFFFFE0C0  }
0x9e: {  	_ =	swait.ge [sflag:s11], $0x1F40  }
0x9f: {  	[sflag:s11] =	ssyncset.done $0x0  }
0xa0: {  	s0 =	rddreg [dreg:$0x4];
	[sflag:s11] =	ssyncadd.s32 $0xFFFFE0C0  }
0xa1: {  	[hbm4b:s0+s3] =	stream.linear.scatter [tilespmem:s7], [sflag:$0x3], $0x1F40, $0x38;
	[tilespmem:$0x84D0] =	vst v63  }
0xa2: {  	s4 =	rddreg [dreg:$0x5]  }
0xa3: {  	[hbm4b:s4+s3] =	stream.linear.scatter [tilespmem:s9], [sflag:$0x3], $0x1F40, $0x38;
	[tilespmem:$0x84D0] =	vst v63  }
0xa4: {  	s0 =	rddreg [dreg:$0x6]  }
0xa5: {  	[tilespmem:s3], [sflag:$0x5] =	stream.linear.gather [hbm4b:s0+s3], $0x3E8, $0x38;
	[tilespmem:$0x84D0] =	vst v63  }
0xa6: {  	_ =	swait.ge [sflag:s5], $0x3E8  }
0xa7: {  	[sflag:s5] =	ssyncset.done $0x0  }
0xa8: {  	s4 =	rddreg [dreg:$0x7];
	[sflag:s5] =	ssyncadd.s32 $0xFFFFFC18  }
0xa9: {  	[tilespmem:s6], [sflag:$0x5] =	stream.linear.gather [hbm4b:s4+s3], $0x3E8, $0x38;
	[tilespmem:$0x84D0] =	vst v63  }
0xaa: {  	_ =	swait.ge [sflag:s5], $0x3E8  }
0xab: {  	[sflag:s5] =	ssyncset.done $0x0  }
0xac: {  	[sflag:s5] =	ssyncadd.s32 $0xFFFFFC18  }
0xad: {  	[tilespmem:s13], [sflag:$0x1] =	stream.indirect.gather [hbm4b:s2+s6], $0x8, s3, s6, $0xb8;
	[tilespmem:$0x84D0] =	vst v63  }
0xae: {  	_ = 	snop  }
0xaf: {  	[tilespmem:s14], [sflag:$0x2] =	stream.indirect.gather [hbm4b:s8+s6], $0x8, s6, s6, $0xb8;
	[tilespmem:$0x84D0] =	vst v63  }
0xb0: {  	_ =	swait.ge [sflag:s10], $0x1F40  }
0xb1: {  	[sflag:s10] =	ssyncset.done $0x0  }
0xb2: {  	[sflag:s10] =	ssyncadd.s32 $0xFFFFE0C0  }
0xb3: {  	_ =	swait.ge [sflag:s11], $0x1F40  }
0xb4: {  	[sflag:s11] =	ssyncset.done $0x0  }
0xb5: {  	[sflag:s11] =	ssyncadd.s32 $0xFFFFE0C0  }
0xb6: {  	[hbm4b:s15+s3] =	stream.linear.scatter [tilespmem:s13], [sflag:$0x4], $0x1F40, $0x38;
	[tilespmem:$0x84D0] =	vst v63  }
0xb7: {  	_ = 	snop  }
0xb8: {  	[hbm4b:s16+s3] =	stream.linear.scatter [tilespmem:s14], [sflag:$0x4], $0x1F40, $0x38;
	[tilespmem:$0x84D0] =	vst v63  }
0xb9: {  	_ =	swait.ge [sflag:s17], $0x1F40  }
0xba: {  	[sflag:s17] =	ssyncset.done $0x0  }
0xbb: {  	[sflag:s17] =	ssyncadd.s32 $0xFFFFE0C0  }
0xbc: {  	_ =	swait.ge [sflag:s17], $0x1F40  }
0xbd: {  	[sflag:s17] =	ssyncset.done $0x0  }
0xbe: {  	[sflag:s17] =	ssyncadd.s32 $0xFFFFE0C0  }
0xbf: {  	[tilespmem:s3], [sflag:$0x5] =	stream.linear.gather [hbm4b:s18+s3], $0x3E8, $0x38;
	[tilespmem:$0x84D0] =	vst v63  }
0xc0: {  	_ =	swait.ge [sflag:s5], $0x3E8  }
0xc1: {  	[sflag:s5] =	ssyncset.done $0x0  }
0xc2: {  	[sflag:s5] =	ssyncadd.s32 $0xFFFFFC18  }
0xc3: {  	[tilespmem:s6], [sflag:$0x5] =	stream.linear.gather [hbm4b:s19+s3], $0x3E8, $0x38;
	[tilespmem:$0x84D0] =	vst v63  }
0xc4: {  	_ =	swait.ge [sflag:s5], $0x3E8  }
0xc5: {  	[sflag:s5] =	ssyncset.done $0x0  }
0xc6: {  	[sflag:s5] =	ssyncadd.s32 $0xFFFFFC18  }
0xc7: {  	[tilespmem:s7], [sflag:$0x1] =	stream.indirect.gather [hbm4b:s2+s6], $0x8, s3, s6, $0xb8;
	[tilespmem:$0x84D0] =	vst v63  }
0xc8: {  	_ = 	snop  }
0xc9: {  	[tilespmem:s9], [sflag:$0x2] =	stream.indirect.gather [hbm4b:s8+s6], $0x8, s6, s6, $0xb8;
	[tilespmem:$0x84D0] =	vst v63  }
0xca: {  	_ =	swait.ge [sflag:s10], $0x1F40  }
0xcb: {  	[sflag:s10] =	ssyncset.done $0x0  }
0xcc: {  	[sflag:s10] =	ssyncadd.s32 $0xFFFFE0C0  }
0xcd: {  	_ =	swait.ge [sflag:s11], $0x1F40  }
0xce: {  	[sflag:s11] =	ssyncset.done $0x0  }
0xcf: {  	[sflag:s11] =	ssyncadd.s32 $0xFFFFE0C0  }
0xd0: {  	[hbm4b:s20+s3] =	stream.linear.scatter [tilespmem:s7], [sflag:$0x3], $0x1F40, $0x38;
	[tilespmem:$0x84D0] =	vst v63  }
0xd1: {  	_ = 	snop  }
0xd2: {  	[hbm4b:s21+s3] =	stream.linear.scatter [tilespmem:s9], [sflag:$0x3], $0x1F40, $0x38;
	[tilespmem:$0x84D0] =	vst v63  }
0xd3: {  	_ =	swait.ge [sflag:s22], $0x1F40  }
0xd4: {  	[sflag:s22] =	ssyncset.done $0x0  }
0xd5: {  	[sflag:s22] =	ssyncadd.s32 $0xFFFFE0C0  }
0xd6: {  	_ =	swait.ge [sflag:s22], $0x1F40  }
0xd7: {  	[sflag:s22] =	ssyncset.done $0x0  }
0xd8: {  	[sflag:s22] =	ssyncadd.s32 $0xFFFFE0C0  }
0xd9: {  	[tilespmem:s3], [sflag:$0x5] =	stream.linear.gather [hbm4b:s23+s3], $0x3E8, $0x38;
	[tilespmem:$0x84D0] =	vst v63  }
0xda: {  	_ =	swait.ge [sflag:s5], $0x3E8  }
0xdb: {  	[sflag:s5] =	ssyncset.done $0x0  }
0xdc: {  	[sflag:s5] =	ssyncadd.s32 $0xFFFFFC18  }
0xdd: {  	[tilespmem:s6], [sflag:$0x5] =	stream.linear.gather [hbm4b:s24+s3], $0x3E8, $0x38;
	[tilespmem:$0x84D0] =	vst v63  }
0xde: {  	_ =	swait.ge [sflag:s5], $0x3E8  }
0xdf: {  	[sflag:s5] =	ssyncset.done $0x0  }
0xe0: {  	[sflag:s5] =	ssyncadd.s32 $0xFFFFFC18  }
0xe1: {  	[tilespmem:s13], [sflag:$0x1] =	stream.indirect.gather [hbm4b:s2+s6], $0x8, s3, s6, $0xb8;
	[tilespmem:$0x84D0] =	vst v63  }
0xe2: {  	_ = 	snop  }
0xe3: {  	[tilespmem:s14], [sflag:$0x2] =	stream.indirect.gather [hbm4b:s8+s6], $0x8, s6, s6, $0xb8;
	[tilespmem:$0x84D0] =	vst v63  }
0xe4: {  	_ =	swait.ge [sflag:s10], $0x1F40  }
0xe5: {  	[sflag:s10] =	ssyncset.done $0x0  }
0xe6: {  	[sflag:s10] =	ssyncadd.s32 $0xFFFFE0C0  }
0xe7: {  	_ =	swait.ge [sflag:s11], $0x1F40  }
0xe8: {  	[sflag:s11] =	ssyncset.done $0x0  }
0xe9: {  	[sflag:s11] =	ssyncadd.s32 $0xFFFFE0C0  }
0xea: {  	[hbm4b:s25+s3] =	stream.linear.scatter [tilespmem:s13], [sflag:$0x4], $0x1F40, $0x38;
	[tilespmem:$0x84D0] =	vst v63  }
0xeb: {  	_ = 	snop  }
0xec: {  	[hbm4b:s26+s3] =	stream.linear.scatter [tilespmem:s14], [sflag:$0x4], $0x1F40, $0x38;
	[tilespmem:$0x84D0] =	vst v63  }
0xed: {  	_ =	swait.ge [sflag:s17], $0x1F40  }
0xee: {  	[sflag:s17] =	ssyncset.done $0x0  }
0xef: {  	[sflag:s17] =	ssyncadd.s32 $0xFFFFE0C0  }
0xf0: {  	_ =	swait.ge [sflag:s17], $0x1F40  }
0xf1: {  	[sflag:s17] =	ssyncset.done $0x0  }
0xf2: {  	[sflag:s17] =	ssyncadd.s32 $0xFFFFE0C0  }
0xf3: {  	[tilespmem:s3], [sflag:$0x5] =	stream.linear.gather [hbm4b:s28+s3], $0x3E8, $0x38;
	[tilespmem:$0x84D0] =	vst v63  }
0xf4: {  	_ =	swait.ge [sflag:s5], $0x3E8  }
0xf5: {  	[sflag:s5] =	ssyncset.done $0x0  }
0xf6: {  	[sflag:s5] =	ssyncadd.s32 $0xFFFFFC18  }
0xf7: {  	[tilespmem:s6], [sflag:$0x5] =	stream.linear.gather [hbm4b:s29+s3], $0x3E8, $0x38;
	[tilespmem:$0x84D0] =	vst v63  }
0xf8: {  	_ =	swait.ge [sflag:s5], $0x3E8  }
0xf9: {  	[sflag:s5] =	ssyncset.done $0x0  }
0xfa: {  	[sflag:s5] =	ssyncadd.s32 $0xFFFFFC18  }
0xfb: {  	[tilespmem:s7], [sflag:$0x1] =	stream.indirect.gather [hbm4b:s2+s6], $0x8, s3, s6, $0xb8;
	[tilespmem:$0x84D0] =	vst v63  }
0xfc: {  	_ = 	snop  }
0xfd: {  	[tilespmem:s9], [sflag:$0x2] =	stream.indirect.gather [hbm4b:s8+s6], $0x8, s6, s6, $0xb8;
	[tilespmem:$0x84D0] =	vst v63  }
0xfe: {  	_ =	swait.ge [sflag:s10], $0x1F40  }
0xff: {  	[sflag:s10] =	ssyncset.done $0x0  }
0x100: {  	[sflag:s10] =	ssyncadd.s32 $0xFFFFE0C0  }
0x101: {  	_ =	swait.ge [sflag:s11], $0x1F40  }
0x102: {  	[sflag:s11] =	ssyncset.done $0x0  }
0x103: {  	[sflag:s11] =	ssyncadd.s32 $0xFFFFE0C0  }
0x104: {  	[hbm4b:s30+s3] =	stream.linear.scatter [tilespmem:s7], [sflag:$0x3], $0x1F40, $0x38;
	[tilespmem:$0x84D0] =	vst v63  }
0x105: {  	_ = 	snop  }
0x106: {  	[hbm4b:s31+s3] =	stream.linear.scatter [tilespmem:s9], [sflag:$0x3], $0x1F40, $0x38;
	[tilespmem:$0x84D0] =	vst v63  }
0x107: {  	_ =	swait.ge [sflag:s17], $0x1F40  }
0x108: {  	[sflag:s17] =	ssyncset.done $0x0  }
0x109: {  	[sflag:s17] =	ssyncadd.s32 $0xFFFFE0C0  }
0x10a: {  	_ =	swait.ge [sflag:s17], $0x1F40  }
0x10b: {  	[sflag:s17] =	ssyncset.done $0x0  }
0x10c: {  	p0 =	sne.s32 s1, $0x1;
	[sflag:s17] =	ssyncadd.s32 $0xFFFFE0C0  }
.Ltmp1:
0x10d: {  	_ =	swait.ge [sflag:s22], $0x1F40;
	(pc) =	sbr.rel @p0 .LBB2_2-.Ltmp1, $4  }
0x10e: {  	[sflag:s22] =	ssyncset.done $0x0  }
0x10f: {  	[sflag:s22] =	ssyncadd.s32 $0xFFFFE0C0  }
0x110: {  	_ =	swait.ge [sflag:s22], $0x1F40  }
0x111: {  	s1 =	sadd.s32 $0xFFFFFFFF, s1;
	[sflag:s22] =	ssyncset.done $0x0  }
.LBB2_3:
0x112: {  	[sflag:s22] =	ssyncadd.s32 $0xFFFFE0C0  }
0x113: {  	_ =	sfence.sel $0x180000  }
0x114: {  	[bflag:$0x0] =	sbarrier.arrive $0xFFFF  }
0x115: {  	_ =	strace $0x9000004A  }
0x116: {  	s0 =	stileid.u32;
	[bflag:$0x2] =	sbarrier.arrive $0xFFFF  }
0x117: {  	p0 =	sne.s32 s0, $0x0;
	s0 =	rddreg [dreg:$0x2]  }
0x118: {  	s0 =	sadd.s32 @!p0 $0x100000, s0  }
0x119: {  	[sflag:s0] =	ssyncadd.tile.s32 @!p0 $0x1;
	_ =	shalt  }
.Lfunc_end2:
_tile_overlayer_lowered:
.L_overlay_start_2:
0x11a: {  	(tag) =	ssettag $0x2  }
0x11b: {  	s0 =	rddreg [dreg:$0x0];
	s2 =	stileid.u32  }
0x11c: {  	s1 =	rddreg [dreg:$0x1];
	p0 =	sne.s32 s2, $0x0  }
0x11d: {  	s3 =	rddreg [dreg:$0x2];
	[bflag:$0x3] =	sbarrier.arrive $0xFFFF;
	s2 =	simm.s32 @!p0 $0x1C05  }
0x11e: {  	[timem:s3], [sflag:s2] =	dma.local @!p0 [hbm:s0], s1  }
0x11f: {  	s0 =	simm.s32 @!p0 $0x5  }
0x120: {  	_ =	swait.ge @!p0 [sflag:s0], s1  }
0x121: {  	s1 =	ssub.s32 @!p0 $0x0, s1;
	[sflag:s0] =	ssyncset.done @!p0 $0x0  }
0x122: {  	[sflag:s0] =	ssyncadd.s32 @!p0 s1  }
0x123: {  	[bflag:$0x3] =	sbarrier.arrive $0xFFFF  }
0x124: {  	_ =	shalt  }

</sc_bundles>
